<compile_context>
chip_gen: v7x
topology: tpu7x:2x2x1
jax: 0.10.2.dev20260603
libtpu: 0.0.44.dev20260713+nightly
codegen_flags: <defaults>
</compile_context>

<pallas_src>
import jax
import jax.numpy as jnp
from jax import lax
from jax.experimental import pallas as pl
from jax.experimental.pallas import tpu as pltpu
from jax.experimental.pallas import tpu_sc as plsc

N = 10000
E = 320000
IN_CH = 128
HIDDEN = 64
OUT_CH = 32
BN_EPS = 1e-5

NC = 2
NS = 16
NW = NC * NS

EB = 125
EROWS = E // EB
RW = EROWS // NW
NPAD = 10112
RT = NPAD // NS

_f32 = jnp.float32


def _sc_mesh():
    return plsc.VectorSubcoreMesh(
        core_axis_name="c", subcore_axis_name="s", num_cores=NC, num_subcores=NS
    )


_SC_PARAMS = pltpu.CompilerParams(use_tc_tiling_on_sc=False)


NBD = 8


def _deg_body(dst_hbm, ones_hbm, zeros_hbm, out_hbm, acc_sh, dstbuf, onesbuf, *ssem):
    c = lax.axis_index("c")
    s = lax.axis_index("s")
    wid = s * NC + c
    r0 = s * RT
    pltpu.sync_copy(zeros_hbm.at[pl.ds(r0, RT)], acc_sh.at[pl.ds(r0, RT)])
    pltpu.sync_copy(ones_hbm, onesbuf)
    pltpu.sync_copy(dst_hbm.at[pl.ds(wid * RW, RW)], dstbuf)
    plsc.subcore_barrier()

    def body(i, _):
        for b in range(NBD):
            @pl.when(i > 0)
            def _wait_prev():
                pltpu.make_async_copy(onesbuf, acc_sh.at[dstbuf.at[0]], ssem[b]).wait()

            pltpu.async_copy(onesbuf, acc_sh.at[dstbuf.at[i * NBD + b]], ssem[b], add=True)
        return 0

    lax.fori_loop(0, RW // NBD, body, 0)
    for b in range(NBD):
        pltpu.make_async_copy(onesbuf, acc_sh.at[dstbuf.at[0]], ssem[b]).wait()
    plsc.subcore_barrier()
    pltpu.sync_copy(acc_sh.at[pl.ds(r0, RT)],
                    out_hbm.at[pl.ds(r0, RT), pl.ds(c * 64, 8)])


NB = 4
NBLK2 = RW // (2 * NB)


def _edge_body(g_hbm, src_hbm, dst_hbm, zeros_hbm, out_hbm,
               acc_sh, srcbuf, dstbuf, *bufs_and_sems):
    rows = bufs_and_sems[0:2 * NB]
    gsem = bufs_and_sems[2 * NB:3 * NB]
    ssem = bufs_and_sems[3 * NB:5 * NB]
    c = lax.axis_index("c")
    s = lax.axis_index("s")
    wid = s * NC + c
    r0 = s * RT
    pltpu.sync_copy(zeros_hbm.at[pl.ds(r0, RT)], acc_sh.at[pl.ds(r0, RT)])
    pltpu.sync_copy(src_hbm.at[pl.ds(wid * RW, RW)], srcbuf)
    pltpu.sync_copy(dst_hbm.at[pl.ds(wid * RW, RW)], dstbuf)
    plsc.subcore_barrier()

    def body(i, _):
        for half in range(2):
            j0 = (2 * i + half) * NB
            hb = rows[half * NB:(half + 1) * NB]
            hs = ssem[half * NB:(half + 1) * NB]

            @pl.when(i > 0)
            def _wait_prev():
                for b in range(NB):
                    pltpu.make_async_copy(hb[b], acc_sh.at[dstbuf.at[0]], hs[b]).wait()

            gd = [pltpu.async_copy(g_hbm.at[srcbuf.at[j0 + b]], hb[b], gsem[b])
                  for b in range(NB)]
            for b in range(NB):
                gd[b].wait()
                pltpu.async_copy(hb[b], acc_sh.at[dstbuf.at[j0 + b]], hs[b], add=True)
        return 0

    lax.fori_loop(0, NBLK2, body, 0)
    for b in range(2 * NB):
        pltpu.make_async_copy(rows[b], acc_sh.at[dstbuf.at[0]], ssem[b]).wait()
    plsc.subcore_barrier()
    F = rows[0].shape[1]
    pltpu.sync_copy(acc_sh.at[pl.ds(r0, RT)],
                    out_hbm.at[pl.ds(r0, RT), pl.ds(c * F, F)])


def _sc_deg(dst_rows, ones, zeros8):
    return pl.kernel(
        _deg_body,
        out_type=jax.ShapeDtypeStruct((NPAD, 128), _f32),
        mesh=_sc_mesh(),
        scratch_types=(
            [
                pltpu.VMEM_SHARED((NPAD, 8), _f32),
                pltpu.VMEM((RW, EB), jnp.int32),
                pltpu.VMEM((EB, 8), _f32),
            ]
            + [pltpu.SemaphoreType.DMA] * NBD
        ),
        compiler_params=_SC_PARAMS,
    )(dst_rows, ones, zeros8)


def _sc_edge(g, src_rows, dst_rows, zerosF, F):
    return pl.kernel(
        _edge_body,
        out_type=jax.ShapeDtypeStruct((NPAD, 128), _f32),
        mesh=_sc_mesh(),
        scratch_types=(
            [
                pltpu.VMEM_SHARED((NPAD, F), _f32),
                pltpu.VMEM((RW, EB), jnp.int32),
                pltpu.VMEM((RW, EB), jnp.int32),
            ]
            + [pltpu.VMEM((EB, F), _f32)] * (2 * NB)
            + [pltpu.SemaphoreType.DMA] * (3 * NB)
        ),
        compiler_params=_SC_PARAMS,
    )(g, src_rows, dst_rows, zerosF)


def _h1_body(x_ref, w1_ref, h1_ref):
    h1_ref[...] = jnp.dot(x_ref[...], w1_ref[...], preferred_element_type=_f32)


def _prep1_body(h1_ref, degp_ref, g1_ref, dinv_ref):
    deg = degp_ref[:, 0] + degp_ref[:, 64] + 1.0
    dinv = lax.rsqrt(deg)
    g1_ref[0:N, :] = h1_ref[...] * dinv[0:N][:, None]
    g1_ref[N:NPAD, :] = jnp.zeros((NPAD - N, HIDDEN), _f32)
    dinv_ref[...] = dinv


def _mid_body(a1p_ref, g1_ref, dinv_ref, b1_ref, gamma_ref, beta_ref, w2_ref, g2_ref):
    dinv = dinv_ref[...]
    a1 = a1p_ref[:, 0:HIDDEN] + a1p_ref[:, HIDDEN:2 * HIDDEN]
    pre = dinv[:, None] * (a1 + g1_ref[...]) + b1_ref[...][None, :]
    live = pre[0:N, :]
    mean = jnp.sum(live, axis=0) * (1.0 / N)
    var = jnp.sum((live - mean[None, :]) ** 2, axis=0) * (1.0 / N)
    hb = (pre - mean[None, :]) * lax.rsqrt(var + BN_EPS)[None, :]
    hb = hb * gamma_ref[...][None, :] + beta_ref[...][None, :]
    r = jnp.maximum(hb, 0.0)
    h2 = jnp.dot(r, w2_ref[...], preferred_element_type=_f32)
    g2_ref[...] = h2 * dinv[:, None]


def _final_body(a2p_ref, g2_ref, dinv_ref, b2_ref, z_ref):
    a2 = a2p_ref[:, 0:OUT_CH] + a2p_ref[:, OUT_CH:2 * OUT_CH]
    z = dinv_ref[...][:, None] * (a2 + g2_ref[...]) + b2_ref[...][None, :]
    z_ref[...] = z[0:N, :]


def kernel(x, edge_index, W1, b1, gamma, beta, W2, b2):
    src_rows = edge_index[0].astype(jnp.int32).reshape(EROWS, EB)
    dst_rows = edge_index[1].astype(jnp.int32).reshape(EROWS, EB)
    ones = jnp.ones((EB, 8), _f32)
    zeros8 = jnp.zeros((NPAD, 8), _f32)
    zeros64 = jnp.zeros((NPAD, HIDDEN), _f32)
    zeros32 = jnp.zeros((NPAD, OUT_CH), _f32)

    h1 = pl.pallas_call(
        _h1_body,
        out_shape=jax.ShapeDtypeStruct((N, HIDDEN), _f32),
    )(x, W1)

    deg_parts = _sc_deg(dst_rows, ones, zeros8)

    g1, dinv = pl.pallas_call(
        _prep1_body,
        out_shape=(
            jax.ShapeDtypeStruct((NPAD, HIDDEN), _f32),
            jax.ShapeDtypeStruct((NPAD,), _f32),
        ),
    )(h1, deg_parts)

    a1_parts = _sc_edge(g1, src_rows, dst_rows, zeros64, HIDDEN)

    g2 = pl.pallas_call(
        _mid_body,
        out_shape=jax.ShapeDtypeStruct((NPAD, OUT_CH), _f32),
    )(a1_parts, g1, dinv, b1, gamma, beta, W2)

    a2_parts = _sc_edge(g2, src_rows, dst_rows, zeros32, OUT_CH)

    z = pl.pallas_call(
        _final_body,
        out_shape=jax.ShapeDtypeStruct((N, OUT_CH), _f32),
    )(a2_parts, g2, dinv, b2)
    return z

# --- scband reference (transcript-rebuilt; emitter-appended) ---
"""Pipeline reference for scband-grace-51230369906743 (READ-ONLY COPY).

The authoritative reference and input builder live on the scoring server;
editing this copy changes nothing except your own understanding.
"""

import jax, jax.numpy as jnp
import numpy as np

N_NODES = 10000
N_EDGES = 320000
IN_CH = 128
HIDDEN = 64
OUT_CH = 32
BN_EPS = 1e-5


def gcn_conv(x, edge_index, W, b):
    N = x.shape[0]
    src = edge_index[0]
    dst = edge_index[1]
    loop = jnp.arange(N, dtype=edge_index.dtype)
    src = jnp.concatenate([src, loop])
    dst = jnp.concatenate([dst, loop])
    deg = jnp.zeros((N,), dtype=x.dtype).at[dst].add(1.0)
    dinv = jnp.where(deg > 0, deg ** -0.5, 0.0)
    norm = dinv[src] * dinv[dst]
    h = x @ W
    msg = h[src] * norm[:, None]
    out = jnp.zeros((N, W.shape[1]), dtype=x.dtype).at[dst].add(msg)
    return out + b


def batch_norm(h, gamma, beta):
    mean = jnp.mean(h, axis=0)
    var = jnp.var(h, axis=0)
    return (h - mean) / jnp.sqrt(var + BN_EPS) * gamma + beta


def setup_inputs(seed: int = 0) -> dict:
    key = jax.random.key(seed)
    k = jax.random.split(key, 8)
    x = jax.random.normal(k[0], (N_NODES, IN_CH), dtype=jnp.float32)
    edge_index = jax.random.randint(k[1], (2, N_EDGES), 0, N_NODES, dtype=jnp.int64)
    s1 = 1.0 / np.sqrt(IN_CH)
    s2 = 1.0 / np.sqrt(HIDDEN)
    W1 = jax.random.uniform(k[2], (IN_CH, HIDDEN), dtype=jnp.float32, minval=-s1, maxval=s1)
    b1 = jnp.zeros((HIDDEN,), dtype=jnp.float32)
    gamma = jnp.ones((HIDDEN,), dtype=jnp.float32)
    beta = jnp.zeros((HIDDEN,), dtype=jnp.float32)
    W2 = jax.random.uniform(k[3], (HIDDEN, OUT_CH), dtype=jnp.float32, minval=-s2, maxval=s2)
    b2 = jnp.zeros((OUT_CH,), dtype=jnp.float32)
    return {"x": x, "edge_index": edge_index, "W1": W1, "b1": b1, "gamma": gamma, "beta": beta, "W2": W2, "b2": b2}


def reference(x, edge_index, W1, b1, gamma, beta, W2, b2):
    # GRACE.forward -> GCNEncoder.forward
    h = gcn_conv(x, edge_index, W1, b1)
    h = batch_norm(h, gamma, beta)
    h = jax.nn.relu(h)
    z = gcn_conv(h, edge_index, W2, b2)
    return z

if __name__ == "__main__":
    import jax
    _d = setup_inputs()
    print(jax.jit(kernel)(*tuple(_d.values())))

</pallas_src>

<mosaic_0001>
#map = affine_map<(d0, d1) -> (0, 0)>
module attributes {stable_mosaic.version = 14 : i64} {
  func.func @_edge_body(%arg0: i32, %arg1: i32, %arg2: memref<10112x32xf32, #tpu.memory_space<hbm>>, %arg3: memref<2560x125xi32, #tpu.memory_space<hbm>>, %arg4: memref<2560x125xi32, #tpu.memory_space<hbm>>, %arg5: memref<10112x32xf32, #tpu.memory_space<hbm>>, %arg6: memref<10112x128xf32, #tpu.memory_space<hbm>>, %arg7: memref<10112x32xf32, #tpu.memory_space<vmem_shared>>, %arg8: memref<80x125xi32, #tpu.memory_space<vmem>>, %arg9: memref<80x125xi32, #tpu.memory_space<vmem>>, %arg10: memref<125x32xf32, #tpu.memory_space<vmem>>, %arg11: memref<125x32xf32, #tpu.memory_space<vmem>>, %arg12: memref<125x32xf32, #tpu.memory_space<vmem>>, %arg13: memref<125x32xf32, #tpu.memory_space<vmem>>, %arg14: memref<125x32xf32, #tpu.memory_space<vmem>>, %arg15: memref<125x32xf32, #tpu.memory_space<vmem>>, %arg16: memref<125x32xf32, #tpu.memory_space<vmem>>, %arg17: memref<125x32xf32, #tpu.memory_space<vmem>>, %arg18: memref<!tpu.dma_semaphore, #tpu.memory_space<semaphore_mem>>, %arg19: memref<!tpu.dma_semaphore, #tpu.memory_space<semaphore_mem>>, %arg20: memref<!tpu.dma_semaphore, #tpu.memory_space<semaphore_mem>>, %arg21: memref<!tpu.dma_semaphore, #tpu.memory_space<semaphore_mem>>, %arg22: memref<!tpu.dma_semaphore, #tpu.memory_space<semaphore_mem>>, %arg23: memref<!tpu.dma_semaphore, #tpu.memory_space<semaphore_mem>>, %arg24: memref<!tpu.dma_semaphore, #tpu.memory_space<semaphore_mem>>, %arg25: memref<!tpu.dma_semaphore, #tpu.memory_space<semaphore_mem>>, %arg26: memref<!tpu.dma_semaphore, #tpu.memory_space<semaphore_mem>>, %arg27: memref<!tpu.dma_semaphore, #tpu.memory_space<semaphore_mem>>, %arg28: memref<!tpu.dma_semaphore, #tpu.memory_space<semaphore_mem>>, %arg29: memref<!tpu.dma_semaphore, #tpu.memory_space<semaphore_mem>>) attributes {dimension_semantics = [#tpu.dimension_semantics<core_parallel>, #tpu.dimension_semantics<subcore_parallel>], iteration_bounds = array<i64: 2, 16>, scalar_prefetch = 0 : i64, scratch_operands = 23 : i64, tpu.core_type = #tpu.core_type<sc_vector_subcore>, window_params = [{transform_indices = #map}, {transform_indices = #map}, {transform_indices = #map}, {transform_indices = #map}, {transform_indices = #map}]} {
    %mul3A = arith.constant 2 : i32
    %mul3A_0 = arith.muli %arg1, %mul3A : i32
    %add3A = arith.addi %mul3A_0, %arg0 : i32
    %mul3A_1 = arith.constant 632 : i32
    %mul3A_2 = arith.muli %arg1, %mul3A_1 : i32
    "tpu.region"() ({
      %run_scoped3A = tpu.sem_alloc : memref<!tpu.dma_semaphore, #tpu.memory_space<semaphore_mem>>
      %dma_start3A = arith.constant 0 : i32
      %dma_start3A_71 = tpu.memref_slice %arg7[%mul3A_2, %dma_start3A] : memref<10112x32xf32, #tpu.memory_space<vmem_shared>> -> memref<632x32xf32, #tpu.memory_space<vmem_shared>>
      %dma_start3A_72 = arith.constant 0 : i32
      %dma_start3A_73 = tpu.memref_slice %arg5[%mul3A_2, %dma_start3A_72] : memref<10112x32xf32, #tpu.memory_space<hbm>> -> memref<632x32xf32, #tpu.memory_space<hbm>>
      tpu.enqueue_dma source(%dma_start3A_73 : memref<632x32xf32, #tpu.memory_space<hbm>>) target(%dma_start3A_71 : memref<632x32xf32, #tpu.memory_space<vmem_shared>>) target_semaphore(%run_scoped3A : memref<!tpu.dma_semaphore, #tpu.memory_space<semaphore_mem>>)
      %dma_wait3A_74 = arith.constant 0 : i32
      %dma_wait3A_75 = tpu.memref_slice %arg7[%mul3A_2, %dma_wait3A_74] : memref<10112x32xf32, #tpu.memory_space<vmem_shared>> -> memref<632x32xf32, #tpu.memory_space<vmem_shared>>
      %dma_wait3A_76 = arith.constant 0 : i32
      %dma_wait3A_77 = tpu.memref_slice %arg5[%mul3A_2, %dma_wait3A_76] : memref<10112x32xf32, #tpu.memory_space<hbm>> -> memref<632x32xf32, #tpu.memory_space<hbm>>
      tpu.wait_dma2 semaphore(%run_scoped3A : memref<!tpu.dma_semaphore, #tpu.memory_space<semaphore_mem>>) src(%dma_wait3A_77 : memref<632x32xf32, #tpu.memory_space<hbm>>) dst(%dma_wait3A_75 : memref<632x32xf32, #tpu.memory_space<vmem_shared>>)
      tpu.yield
    }) : () -> ()
    %mul3A_3 = arith.constant 80 : i32
    %mul3A_4 = arith.muli %add3A, %mul3A_3 : i32
    "tpu.region"() ({
      %run_scoped3A = tpu.sem_alloc : memref<!tpu.dma_semaphore, #tpu.memory_space<semaphore_mem>>
      %dma_start3A = arith.constant 0 : i32
      %dma_start3A_71 = tpu.memref_slice %arg3[%mul3A_4, %dma_start3A] : memref<2560x125xi32, #tpu.memory_space<hbm>> -> memref<80x125xi32, #tpu.memory_space<hbm>>
      %dma_start3A_72 = arith.constant 0 : i32
      %dma_start3A_73 = tpu.memref_slice %arg3[%mul3A_4, %dma_start3A_72] : memref<2560x125xi32, #tpu.memory_space<hbm>> -> memref<80x125xi32, #tpu.memory_space<hbm>>
      tpu.enqueue_dma source(%dma_start3A_73 : memref<80x125xi32, #tpu.memory_space<hbm>>) target(%arg8 : memref<80x125xi32, #tpu.memory_space<vmem>>) target_semaphore(%run_scoped3A : memref<!tpu.dma_semaphore, #tpu.memory_space<semaphore_mem>>)
      %dma_wait3A_74 = arith.constant 0 : i32
      %dma_wait3A_75 = tpu.memref_slice %arg3[%mul3A_4, %dma_wait3A_74] : memref<2560x125xi32, #tpu.memory_space<hbm>> -> memref<80x125xi32, #tpu.memory_space<hbm>>
      %dma_wait3A_76 = arith.constant 0 : i32
      %dma_wait3A_77 = tpu.memref_slice %arg3[%mul3A_4, %dma_wait3A_76] : memref<2560x125xi32, #tpu.memory_space<hbm>> -> memref<80x125xi32, #tpu.memory_space<hbm>>
      tpu.wait_dma2 semaphore(%run_scoped3A : memref<!tpu.dma_semaphore, #tpu.memory_space<semaphore_mem>>) src(%dma_wait3A_77 : memref<80x125xi32, #tpu.memory_space<hbm>>) dst(%arg8 : memref<80x125xi32, #tpu.memory_space<vmem>>)
      tpu.yield
    }) : () -> ()
    %mul3A_5 = arith.constant 80 : i32
    %mul3A_6 = arith.muli %add3A, %mul3A_5 : i32
    "tpu.region"() ({
      %run_scoped3A = tpu.sem_alloc : memref<!tpu.dma_semaphore, #tpu.memory_space<semaphore_mem>>
      %dma_start3A = arith.constant 0 : i32
      %dma_start3A_71 = tpu.memref_slice %arg4[%mul3A_6, %dma_start3A] : memref<2560x125xi32, #tpu.memory_space<hbm>> -> memref<80x125xi32, #tpu.memory_space<hbm>>
      %dma_start3A_72 = arith.constant 0 : i32
      %dma_start3A_73 = tpu.memref_slice %arg4[%mul3A_6, %dma_start3A_72] : memref<2560x125xi32, #tpu.memory_space<hbm>> -> memref<80x125xi32, #tpu.memory_space<hbm>>
      tpu.enqueue_dma source(%dma_start3A_73 : memref<80x125xi32, #tpu.memory_space<hbm>>) target(%arg9 : memref<80x125xi32, #tpu.memory_space<vmem>>) target_semaphore(%run_scoped3A : memref<!tpu.dma_semaphore, #tpu.memory_space<semaphore_mem>>)
      %dma_wait3A_74 = arith.constant 0 : i32
      %dma_wait3A_75 = tpu.memref_slice %arg4[%mul3A_6, %dma_wait3A_74] : memref<2560x125xi32, #tpu.memory_space<hbm>> -> memref<80x125xi32, #tpu.memory_space<hbm>>
      %dma_wait3A_76 = arith.constant 0 : i32
      %dma_wait3A_77 = tpu.memref_slice %arg4[%mul3A_6, %dma_wait3A_76] : memref<2560x125xi32, #tpu.memory_space<hbm>> -> memref<80x125xi32, #tpu.memory_space<hbm>>
      tpu.wait_dma2 semaphore(%run_scoped3A : memref<!tpu.dma_semaphore, #tpu.memory_space<semaphore_mem>>) src(%dma_wait3A_77 : memref<80x125xi32, #tpu.memory_space<hbm>>) dst(%arg9 : memref<80x125xi32, #tpu.memory_space<vmem>>)
      tpu.yield
    }) : () -> ()
    %barrier3A = arith.constant 0 : index
    tpu.barrier barrier_id(%barrier3A)
    %scan3A = arith.constant 0 : i32
    %scan3A_7 = arith.constant 0 : i32
    %scan3A_8 = arith.constant 10 : i32
    %scan3A_9 = arith.addi %scan3A_7, %scan3A_8 : i32
    %scan3A_10 = arith.constant 1 : i32
    %scan3A_11 = scf.for %scan3A_71 = %scan3A_7 to %scan3A_9 step %scan3A_10 iter_args(%scan3A_72 = %scan3A) -> (i32)  : i32 {
      %mul3A_73 = arith.constant 2 : i32
      %mul3A_74 = arith.muli %mul3A_73, %scan3A_71 : i32
      %add3A_75 = arith.constant 0 : i32
      %add3A_76 = arith.addi %mul3A_74, %add3A_75 : i32
      %mul3A_77 = arith.constant 4 : i32
      %mul3A_78 = arith.muli %add3A_76, %mul3A_77 : i32
      %gt3A = arith.constant 0 : i32
      %gt3A_79 = arith.cmpi sgt, %scan3A_71, %gt3A : i32
      %convert_element_type3A = arith.extui %gt3A_79 : i1 to i32
      %cond3A = arith.constant 0 : i32
      %cond3A_80 = arith.cmpi ne, %convert_element_type3A, %cond3A : i32
      scf.if %cond3A_80 {
        %dma_wait3A_268 = arith.constant 0 : i32
        %dma_wait3A_269 = arith.constant 0 : i32
        %dma_wait3A_270 = tpu.memref_slice %arg9[%dma_wait3A_268, %dma_wait3A_269] : memref<80x125xi32, #tpu.memory_space<vmem>> -> memref<1x125xi32, #tpu.memory_space<vmem>>
        %dma_wait3A_271 = tpu.memref_squeeze %dma_wait3A_270 : memref<1x125xi32, #tpu.memory_space<vmem>> -> memref<125xi32, #tpu.memory_space<vmem>>
        %dma_wait3A_272 = arith.constant 0 : i32
        %dma_wait3A_273 = arith.constant 0 : i32
        %dma_wait3A_274 = tpu.memref_slice %arg7[%dma_wait3A_272, %dma_wait3A_273] : memref<10112x32xf32, #tpu.memory_space<vmem_shared>> -> memref<10112x32xf32, #tpu.memory_space<vmem_shared>>
        tpu.wait_indirect_dma semaphore(%arg22 : memref<!tpu.dma_semaphore, #tpu.memory_space<semaphore_mem>>) src(%arg10 : memref<125x32xf32, #tpu.memory_space<vmem>>) dst(%dma_wait3A_274 : memref<10112x32xf32, #tpu.memory_space<vmem_shared>>)
        %dma_wait3A_275 = arith.constant 0 : i32
        %dma_wait3A_276 = arith.constant 0 : i32
        %dma_wait3A_277 = tpu.memref_slice %arg9[%dma_wait3A_275, %dma_wait3A_276] : memref<80x125xi32, #tpu.memory_space<vmem>> -> memref<1x125xi32, #tpu.memory_space<vmem>>
        %dma_wait3A_278 = tpu.memref_squeeze %dma_wait3A_277 : memref<1x125xi32, #tpu.memory_space<vmem>> -> memref<125xi32, #tpu.memory_space<vmem>>
        %dma_wait3A_279 = arith.constant 0 : i32
        %dma_wait3A_280 = arith.constant 0 : i32
        %dma_wait3A_281 = tpu.memref_slice %arg7[%dma_wait3A_279, %dma_wait3A_280] : memref<10112x32xf32, #tpu.memory_space<vmem_shared>> -> memref<10112x32xf32, #tpu.memory_space<vmem_shared>>
        tpu.wait_indirect_dma semaphore(%arg23 : memref<!tpu.dma_semaphore, #tpu.memory_space<semaphore_mem>>) src(%arg11 : memref<125x32xf32, #tpu.memory_space<vmem>>) dst(%dma_wait3A_281 : memref<10112x32xf32, #tpu.memory_space<vmem_shared>>)
        %dma_wait3A_282 = arith.constant 0 : i32
        %dma_wait3A_283 = arith.constant 0 : i32
        %dma_wait3A_284 = tpu.memref_slice %arg9[%dma_wait3A_282, %dma_wait3A_283] : memref<80x125xi32, #tpu.memory_space<vmem>> -> memref<1x125xi32, #tpu.memory_space<vmem>>
        %dma_wait3A_285 = tpu.memref_squeeze %dma_wait3A_284 : memref<1x125xi32, #tpu.memory_space<vmem>> -> memref<125xi32, #tpu.memory_space<vmem>>
        %dma_wait3A_286 = arith.constant 0 : i32
        %dma_wait3A_287 = arith.constant 0 : i32
        %dma_wait3A_288 = tpu.memref_slice %arg7[%dma_wait3A_286, %dma_wait3A_287] : memref<10112x32xf32, #tpu.memory_space<vmem_shared>> -> memref<10112x32xf32, #tpu.memory_space<vmem_shared>>
        tpu.wait_indirect_dma semaphore(%arg24 : memref<!tpu.dma_semaphore, #tpu.memory_space<semaphore_mem>>) src(%arg12 : memref<125x32xf32, #tpu.memory_space<vmem>>) dst(%dma_wait3A_288 : memref<10112x32xf32, #tpu.memory_space<vmem_shared>>)
        %dma_wait3A_289 = arith.constant 0 : i32
        %dma_wait3A_290 = arith.constant 0 : i32
        %dma_wait3A_291 = tpu.memref_slice %arg9[%dma_wait3A_289, %dma_wait3A_290] : memref<80x125xi32, #tpu.memory_space<vmem>> -> memref<1x125xi32, #tpu.memory_space<vmem>>
        %dma_wait3A_292 = tpu.memref_squeeze %dma_wait3A_291 : memref<1x125xi32, #tpu.memory_space<vmem>> -> memref<125xi32, #tpu.memory_space<vmem>>
        %dma_wait3A_293 = arith.constant 0 : i32
        %dma_wait3A_294 = arith.constant 0 : i32
        %dma_wait3A_295 = tpu.memref_slice %arg7[%dma_wait3A_293, %dma_wait3A_294] : memref<10112x32xf32, #tpu.memory_space<vmem_shared>> -> memref<10112x32xf32, #tpu.memory_space<vmem_shared>>
        tpu.wait_indirect_dma semaphore(%arg25 : memref<!tpu.dma_semaphore, #tpu.memory_space<semaphore_mem>>) src(%arg13 : memref<125x32xf32, #tpu.memory_space<vmem>>) dst(%dma_wait3A_295 : memref<10112x32xf32, #tpu.memory_space<vmem_shared>>)
      } else {
      }
      %add3A_81 = arith.constant 0 : i32
      %add3A_82 = arith.addi %mul3A_78, %add3A_81 : i32
      %dma_start3A = arith.constant 0 : i32
      %dma_start3A_83 = tpu.memref_slice %arg8[%add3A_82, %dma_start3A] : memref<80x125xi32, #tpu.memory_space<vmem>> -> memref<1x125xi32, #tpu.memory_space<vmem>>
      %dma_start3A_84 = tpu.memref_squeeze %dma_start3A_83 : memref<1x125xi32, #tpu.memory_space<vmem>> -> memref<125xi32, #tpu.memory_space<vmem>>
      %dma_start3A_85 = arith.constant 0 : i32
      %dma_start3A_86 = arith.constant 0 : i32
      %dma_start3A_87 = tpu.memref_slice %arg2[%dma_start3A_85, %dma_start3A_86] : memref<10112x32xf32, #tpu.memory_space<hbm>> -> memref<10112x32xf32, #tpu.memory_space<hbm>>
      tpu.enqueue_indirect_dma source(%dma_start3A_87 : memref<10112x32xf32, #tpu.memory_space<hbm>>) target(%arg10 : memref<125x32xf32, #tpu.memory_space<vmem>>) offsets(%dma_start3A_84 : memref<125xi32, #tpu.memory_space<vmem>>) semaphore(%arg18 : memref<!tpu.dma_semaphore, #tpu.memory_space<semaphore_mem>>)
      %add3A_88 = arith.constant 1 : i32
      %add3A_89 = arith.addi %mul3A_78, %add3A_88 : i32
      %dma_start3A_90 = arith.constant 0 : i32
      %dma_start3A_91 = tpu.memref_slice %arg8[%add3A_89, %dma_start3A_90] : memref<80x125xi32, #tpu.memory_space<vmem>> -> memref<1x125xi32, #tpu.memory_space<vmem>>
      %dma_start3A_92 = tpu.memref_squeeze %dma_start3A_91 : memref<1x125xi32, #tpu.memory_space<vmem>> -> memref<125xi32, #tpu.memory_space<vmem>>
      %dma_start3A_93 = arith.constant 0 : i32
      %dma_start3A_94 = arith.constant 0 : i32
      %dma_start3A_95 = tpu.memref_slice %arg2[%dma_start3A_93, %dma_start3A_94] : memref<10112x32xf32, #tpu.memory_space<hbm>> -> memref<10112x32xf32, #tpu.memory_space<hbm>>
      tpu.enqueue_indirect_dma source(%dma_start3A_95 : memref<10112x32xf32, #tpu.memory_space<hbm>>) target(%arg11 : memref<125x32xf32, #tpu.memory_space<vmem>>) offsets(%dma_start3A_92 : memref<125xi32, #tpu.memory_space<vmem>>) semaphore(%arg19 : memref<!tpu.dma_semaphore, #tpu.memory_space<semaphore_mem>>)
      %add3A_96 = arith.constant 2 : i32
      %add3A_97 = arith.addi %mul3A_78, %add3A_96 : i32
      %dma_start3A_98 = arith.constant 0 : i32
      %dma_start3A_99 = tpu.memref_slice %arg8[%add3A_97, %dma_start3A_98] : memref<80x125xi32, #tpu.memory_space<vmem>> -> memref<1x125xi32, #tpu.memory_space<vmem>>
      %dma_start3A_100 = tpu.memref_squeeze %dma_start3A_99 : memref<1x125xi32, #tpu.memory_space<vmem>> -> memref<125xi32, #tpu.memory_space<vmem>>
      %dma_start3A_101 = arith.constant 0 : i32
      %dma_start3A_102 = arith.constant 0 : i32
      %dma_start3A_103 = tpu.memref_slice %arg2[%dma_start3A_101, %dma_start3A_102] : memref<10112x32xf32, #tpu.memory_space<hbm>> -> memref<10112x32xf32, #tpu.memory_space<hbm>>
      tpu.enqueue_indirect_dma source(%dma_start3A_103 : memref<10112x32xf32, #tpu.memory_space<hbm>>) target(%arg12 : memref<125x32xf32, #tpu.memory_space<vmem>>) offsets(%dma_start3A_100 : memref<125xi32, #tpu.memory_space<vmem>>) semaphore(%arg20 : memref<!tpu.dma_semaphore, #tpu.memory_space<semaphore_mem>>)
      %add3A_104 = arith.constant 3 : i32
      %add3A_105 = arith.addi %mul3A_78, %add3A_104 : i32
      %dma_start3A_106 = arith.constant 0 : i32
      %dma_start3A_107 = tpu.memref_slice %arg8[%add3A_105, %dma_start3A_106] : memref<80x125xi32, #tpu.memory_space<vmem>> -> memref<1x125xi32, #tpu.memory_space<vmem>>
      %dma_start3A_108 = tpu.memref_squeeze %dma_start3A_107 : memref<1x125xi32, #tpu.memory_space<vmem>> -> memref<125xi32, #tpu.memory_space<vmem>>
      %dma_start3A_109 = arith.constant 0 : i32
      %dma_start3A_110 = arith.constant 0 : i32
      %dma_start3A_111 = tpu.memref_slice %arg2[%dma_start3A_109, %dma_start3A_110] : memref<10112x32xf32, #tpu.memory_space<hbm>> -> memref<10112x32xf32, #tpu.memory_space<hbm>>
      tpu.enqueue_indirect_dma source(%dma_start3A_111 : memref<10112x32xf32, #tpu.memory_space<hbm>>) target(%arg13 : memref<125x32xf32, #tpu.memory_space<vmem>>) offsets(%dma_start3A_108 : memref<125xi32, #tpu.memory_space<vmem>>) semaphore(%arg21 : memref<!tpu.dma_semaphore, #tpu.memory_space<semaphore_mem>>)
      %dma_wait3A_112 = arith.constant 0 : i32
      %dma_wait3A_113 = tpu.memref_slice %arg8[%add3A_82, %dma_wait3A_112] : memref<80x125xi32, #tpu.memory_space<vmem>> -> memref<1x125xi32, #tpu.memory_space<vmem>>
      %dma_wait3A_114 = tpu.memref_squeeze %dma_wait3A_113 : memref<1x125xi32, #tpu.memory_space<vmem>> -> memref<125xi32, #tpu.memory_space<vmem>>
      %dma_wait3A_115 = arith.constant 0 : i32
      %dma_wait3A_116 = arith.constant 0 : i32
      %dma_wait3A_117 = tpu.memref_slice %arg2[%dma_wait3A_115, %dma_wait3A_116] : memref<10112x32xf32, #tpu.memory_space<hbm>> -> memref<10112x32xf32, #tpu.memory_space<hbm>>
      tpu.wait_indirect_dma semaphore(%arg18 : memref<!tpu.dma_semaphore, #tpu.memory_space<semaphore_mem>>) src(%dma_wait3A_117 : memref<10112x32xf32, #tpu.memory_space<hbm>>) dst(%arg10 : memref<125x32xf32, #tpu.memory_space<vmem>>)
      %add3A_118 = arith.constant 0 : i32
      %add3A_119 = arith.addi %mul3A_78, %add3A_118 : i32
      %dma_start3A_120 = arith.constant 0 : i32
      %dma_start3A_121 = tpu.memref_slice %arg9[%add3A_119, %dma_start3A_120] : memref<80x125xi32, #tpu.memory_space<vmem>> -> memref<1x125xi32, #tpu.memory_space<vmem>>
      %dma_start3A_122 = tpu.memref_squeeze %dma_start3A_121 : memref<1x125xi32, #tpu.memory_space<vmem>> -> memref<125xi32, #tpu.memory_space<vmem>>
      %dma_start3A_123 = arith.constant 0 : i32
      %dma_start3A_124 = arith.constant 0 : i32
      %dma_start3A_125 = tpu.memref_slice %arg7[%dma_start3A_123, %dma_start3A_124] : memref<10112x32xf32, #tpu.memory_space<vmem_shared>> -> memref<10112x32xf32, #tpu.memory_space<vmem_shared>>
      tpu.enqueue_indirect_dma source(%arg10 : memref<125x32xf32, #tpu.memory_space<vmem>>) target(%dma_start3A_125 : memref<10112x32xf32, #tpu.memory_space<vmem_shared>>) offsets(%dma_start3A_122 : memref<125xi32, #tpu.memory_space<vmem>>) semaphore(%arg22 : memref<!tpu.dma_semaphore, #tpu.memory_space<semaphore_mem>>) {add = true}
      %dma_wait3A_126 = arith.constant 0 : i32
      %dma_wait3A_127 = tpu.memref_slice %arg8[%add3A_89, %dma_wait3A_126] : memref<80x125xi32, #tpu.memory_space<vmem>> -> memref<1x125xi32, #tpu.memory_space<vmem>>
      %dma_wait3A_128 = tpu.memref_squeeze %dma_wait3A_127 : memref<1x125xi32, #tpu.memory_space<vmem>> -> memref<125xi32, #tpu.memory_space<vmem>>
      %dma_wait3A_129 = arith.constant 0 : i32
      %dma_wait3A_130 = arith.constant 0 : i32
      %dma_wait3A_131 = tpu.memref_slice %arg2[%dma_wait3A_129, %dma_wait3A_130] : memref<10112x32xf32, #tpu.memory_space<hbm>> -> memref<10112x32xf32, #tpu.memory_space<hbm>>
      tpu.wait_indirect_dma semaphore(%arg19 : memref<!tpu.dma_semaphore, #tpu.memory_space<semaphore_mem>>) src(%dma_wait3A_131 : memref<10112x32xf32, #tpu.memory_space<hbm>>) dst(%arg11 : memref<125x32xf32, #tpu.memory_space<vmem>>)
      %add3A_132 = arith.constant 1 : i32
      %add3A_133 = arith.addi %mul3A_78, %add3A_132 : i32
      %dma_start3A_134 = arith.constant 0 : i32
      %dma_start3A_135 = tpu.memref_slice %arg9[%add3A_133, %dma_start3A_134] : memref<80x125xi32, #tpu.memory_space<vmem>> -> memref<1x125xi32, #tpu.memory_space<vmem>>
      %dma_start3A_136 = tpu.memref_squeeze %dma_start3A_135 : memref<1x125xi32, #tpu.memory_space<vmem>> -> memref<125xi32, #tpu.memory_space<vmem>>
      %dma_start3A_137 = arith.constant 0 : i32
      %dma_start3A_138 = arith.constant 0 : i32
      %dma_start3A_139 = tpu.memref_slice %arg7[%dma_start3A_137, %dma_start3A_138] : memref<10112x32xf32, #tpu.memory_space<vmem_shared>> -> memref<10112x32xf32, #tpu.memory_space<vmem_shared>>
      tpu.enqueue_indirect_dma source(%arg11 : memref<125x32xf32, #tpu.memory_space<vmem>>) target(%dma_start3A_139 : memref<10112x32xf32, #tpu.memory_space<vmem_shared>>) offsets(%dma_start3A_136 : memref<125xi32, #tpu.memory_space<vmem>>) semaphore(%arg23 : memref<!tpu.dma_semaphore, #tpu.memory_space<semaphore_mem>>) {add = true}
      %dma_wait3A_140 = arith.constant 0 : i32
      %dma_wait3A_141 = tpu.memref_slice %arg8[%add3A_97, %dma_wait3A_140] : memref<80x125xi32, #tpu.memory_space<vmem>> -> memref<1x125xi32, #tpu.memory_space<vmem>>
      %dma_wait3A_142 = tpu.memref_squeeze %dma_wait3A_141 : memref<1x125xi32, #tpu.memory_space<vmem>> -> memref<125xi32, #tpu.memory_space<vmem>>
      %dma_wait3A_143 = arith.constant 0 : i32
      %dma_wait3A_144 = arith.constant 0 : i32
      %dma_wait3A_145 = tpu.memref_slice %arg2[%dma_wait3A_143, %dma_wait3A_144] : memref<10112x32xf32, #tpu.memory_space<hbm>> -> memref<10112x32xf32, #tpu.memory_space<hbm>>
      tpu.wait_indirect_dma semaphore(%arg20 : memref<!tpu.dma_semaphore, #tpu.memory_space<semaphore_mem>>) src(%dma_wait3A_145 : memref<10112x32xf32, #tpu.memory_space<hbm>>) dst(%arg12 : memref<125x32xf32, #tpu.memory_space<vmem>>)
      %add3A_146 = arith.constant 2 : i32
      %add3A_147 = arith.addi %mul3A_78, %add3A_146 : i32
      %dma_start3A_148 = arith.constant 0 : i32
      %dma_start3A_149 = tpu.memref_slice %arg9[%add3A_147, %dma_start3A_148] : memref<80x125xi32, #tpu.memory_space<vmem>> -> memref<1x125xi32, #tpu.memory_space<vmem>>
      %dma_start3A_150 = tpu.memref_squeeze %dma_start3A_149 : memref<1x125xi32, #tpu.memory_space<vmem>> -> memref<125xi32, #tpu.memory_space<vmem>>
      %dma_start3A_151 = arith.constant 0 : i32
      %dma_start3A_152 = arith.constant 0 : i32
      %dma_start3A_153 = tpu.memref_slice %arg7[%dma_start3A_151, %dma_start3A_152] : memref<10112x32xf32, #tpu.memory_space<vmem_shared>> -> memref<10112x32xf32, #tpu.memory_space<vmem_shared>>
      tpu.enqueue_indirect_dma source(%arg12 : memref<125x32xf32, #tpu.memory_space<vmem>>) target(%dma_start3A_153 : memref<10112x32xf32, #tpu.memory_space<vmem_shared>>) offsets(%dma_start3A_150 : memref<125xi32, #tpu.memory_space<vmem>>) semaphore(%arg24 : memref<!tpu.dma_semaphore, #tpu.memory_space<semaphore_mem>>) {add = true}
      %dma_wait3A_154 = arith.constant 0 : i32
      %dma_wait3A_155 = tpu.memref_slice %arg8[%add3A_105, %dma_wait3A_154] : memref<80x125xi32, #tpu.memory_space<vmem>> -> memref<1x125xi32, #tpu.memory_space<vmem>>
      %dma_wait3A_156 = tpu.memref_squeeze %dma_wait3A_155 : memref<1x125xi32, #tpu.memory_space<vmem>> -> memref<125xi32, #tpu.memory_space<vmem>>
      %dma_wait3A_157 = arith.constant 0 : i32
      %dma_wait3A_158 = arith.constant 0 : i32
      %dma_wait3A_159 = tpu.memref_slice %arg2[%dma_wait3A_157, %dma_wait3A_158] : memref<10112x32xf32, #tpu.memory_space<hbm>> -> memref<10112x32xf32, #tpu.memory_space<hbm>>
      tpu.wait_indirect_dma semaphore(%arg21 : memref<!tpu.dma_semaphore, #tpu.memory_space<semaphore_mem>>) src(%dma_wait3A_159 : memref<10112x32xf32, #tpu.memory_space<hbm>>) dst(%arg13 : memref<125x32xf32, #tpu.memory_space<vmem>>)
      %add3A_160 = arith.constant 3 : i32
      %add3A_161 = arith.addi %mul3A_78, %add3A_160 : i32
      %dma_start3A_162 = arith.constant 0 : i32
      %dma_start3A_163 = tpu.memref_slice %arg9[%add3A_161, %dma_start3A_162] : memref<80x125xi32, #tpu.memory_space<vmem>> -> memref<1x125xi32, #tpu.memory_space<vmem>>
      %dma_start3A_164 = tpu.memref_squeeze %dma_start3A_163 : memref<1x125xi32, #tpu.memory_space<vmem>> -> memref<125xi32, #tpu.memory_space<vmem>>
      %dma_start3A_165 = arith.constant 0 : i32
      %dma_start3A_166 = arith.constant 0 : i32
      %dma_start3A_167 = tpu.memref_slice %arg7[%dma_start3A_165, %dma_start3A_166] : memref<10112x32xf32, #tpu.memory_space<vmem_shared>> -> memref<10112x32xf32, #tpu.memory_space<vmem_shared>>
      tpu.enqueue_indirect_dma source(%arg13 : memref<125x32xf32, #tpu.memory_space<vmem>>) target(%dma_start3A_167 : memref<10112x32xf32, #tpu.memory_space<vmem_shared>>) offsets(%dma_start3A_164 : memref<125xi32, #tpu.memory_space<vmem>>) semaphore(%arg25 : memref<!tpu.dma_semaphore, #tpu.memory_space<semaphore_mem>>) {add = true}
      %mul3A_168 = arith.constant 2 : i32
      %mul3A_169 = arith.muli %mul3A_168, %scan3A_71 : i32
      %add3A_170 = arith.constant 1 : i32
      %add3A_171 = arith.addi %mul3A_169, %add3A_170 : i32
      %mul3A_172 = arith.constant 4 : i32
      %mul3A_173 = arith.muli %add3A_171, %mul3A_172 : i32
      %gt3A_174 = arith.constant 0 : i32
      %gt3A_175 = arith.cmpi sgt, %scan3A_71, %gt3A_174 : i32
      %convert_element_type3A_176 = arith.extui %gt3A_175 : i1 to i32
      %cond3A_177 = arith.constant 0 : i32
      %cond3A_178 = arith.cmpi ne, %convert_element_type3A_176, %cond3A_177 : i32
      scf.if %cond3A_178 {
        %dma_wait3A_268 = arith.constant 0 : i32
        %dma_wait3A_269 = arith.constant 0 : i32
        %dma_wait3A_270 = tpu.memref_slice %arg9[%dma_wait3A_268, %dma_wait3A_269] : memref<80x125xi32, #tpu.memory_space<vmem>> -> memref<1x125xi32, #tpu.memory_space<vmem>>
        %dma_wait3A_271 = tpu.memref_squeeze %dma_wait3A_270 : memref<1x125xi32, #tpu.memory_space<vmem>> -> memref<125xi32, #tpu.memory_space<vmem>>
        %dma_wait3A_272 = arith.constant 0 : i32
        %dma_wait3A_273 = arith.constant 0 : i32
        %dma_wait3A_274 = tpu.memref_slice %arg7[%dma_wait3A_272, %dma_wait3A_273] : memref<10112x32xf32, #tpu.memory_space<vmem_shared>> -> memref<10112x32xf32, #tpu.memory_space<vmem_shared>>
        tpu.wait_indirect_dma semaphore(%arg26 : memref<!tpu.dma_semaphore, #tpu.memory_space<semaphore_mem>>) src(%arg14 : memref<125x32xf32, #tpu.memory_space<vmem>>) dst(%dma_wait3A_274 : memref<10112x32xf32, #tpu.memory_space<vmem_shared>>)
        %dma_wait3A_275 = arith.constant 0 : i32
        %dma_wait3A_276 = arith.constant 0 : i32
        %dma_wait3A_277 = tpu.memref_slice %arg9[%dma_wait3A_275, %dma_wait3A_276] : memref<80x125xi32, #tpu.memory_space<vmem>> -> memref<1x125xi32, #tpu.memory_space<vmem>>
        %dma_wait3A_278 = tpu.memref_squeeze %dma_wait3A_277 : memref<1x125xi32, #tpu.memory_space<vmem>> -> memref<125xi32, #tpu.memory_space<vmem>>
        %dma_wait3A_279 = arith.constant 0 : i32
        %dma_wait3A_280 = arith.constant 0 : i32
        %dma_wait3A_281 = tpu.memref_slice %arg7[%dma_wait3A_279, %dma_wait3A_280] : memref<10112x32xf32, #tpu.memory_space<vmem_shared>> -> memref<10112x32xf32, #tpu.memory_space<vmem_shared>>
        tpu.wait_indirect_dma semaphore(%arg27 : memref<!tpu.dma_semaphore, #tpu.memory_space<semaphore_mem>>) src(%arg15 : memref<125x32xf32, #tpu.memory_space<vmem>>) dst(%dma_wait3A_281 : memref<10112x32xf32, #tpu.memory_space<vmem_shared>>)
        %dma_wait3A_282 = arith.constant 0 : i32
        %dma_wait3A_283 = arith.constant 0 : i32
        %dma_wait3A_284 = tpu.memref_slice %arg9[%dma_wait3A_282, %dma_wait3A_283] : memref<80x125xi32, #tpu.memory_space<vmem>> -> memref<1x125xi32, #tpu.memory_space<vmem>>
        %dma_wait3A_285 = tpu.memref_squeeze %dma_wait3A_284 : memref<1x125xi32, #tpu.memory_space<vmem>> -> memref<125xi32, #tpu.memory_space<vmem>>
        %dma_wait3A_286 = arith.constant 0 : i32
        %dma_wait3A_287 = arith.constant 0 : i32
        %dma_wait3A_288 = tpu.memref_slice %arg7[%dma_wait3A_286, %dma_wait3A_287] : memref<10112x32xf32, #tpu.memory_space<vmem_shared>> -> memref<10112x32xf32, #tpu.memory_space<vmem_shared>>
        tpu.wait_indirect_dma semaphore(%arg28 : memref<!tpu.dma_semaphore, #tpu.memory_space<semaphore_mem>>) src(%arg16 : memref<125x32xf32, #tpu.memory_space<vmem>>) dst(%dma_wait3A_288 : memref<10112x32xf32, #tpu.memory_space<vmem_shared>>)
        %dma_wait3A_289 = arith.constant 0 : i32
        %dma_wait3A_290 = arith.constant 0 : i32
        %dma_wait3A_291 = tpu.memref_slice %arg9[%dma_wait3A_289, %dma_wait3A_290] : memref<80x125xi32, #tpu.memory_space<vmem>> -> memref<1x125xi32, #tpu.memory_space<vmem>>
        %dma_wait3A_292 = tpu.memref_squeeze %dma_wait3A_291 : memref<1x125xi32, #tpu.memory_space<vmem>> -> memref<125xi32, #tpu.memory_space<vmem>>
        %dma_wait3A_293 = arith.constant 0 : i32
        %dma_wait3A_294 = arith.constant 0 : i32
        %dma_wait3A_295 = tpu.memref_slice %arg7[%dma_wait3A_293, %dma_wait3A_294] : memref<10112x32xf32, #tpu.memory_space<vmem_shared>> -> memref<10112x32xf32, #tpu.memory_space<vmem_shared>>
        tpu.wait_indirect_dma semaphore(%arg29 : memref<!tpu.dma_semaphore, #tpu.memory_space<semaphore_mem>>) src(%arg17 : memref<125x32xf32, #tpu.memory_space<vmem>>) dst(%dma_wait3A_295 : memref<10112x32xf32, #tpu.memory_space<vmem_shared>>)
      } else {
      }
      %add3A_179 = arith.constant 0 : i32
      %add3A_180 = arith.addi %mul3A_173, %add3A_179 : i32
      %dma_start3A_181 = arith.constant 0 : i32
      %dma_start3A_182 = tpu.memref_slice %arg8[%add3A_180, %dma_start3A_181] : memref<80x125xi32, #tpu.memory_space<vmem>> -> memref<1x125xi32, #tpu.memory_space<vmem>>
      %dma_start3A_183 = tpu.memref_squeeze %dma_start3A_182 : memref<1x125xi32, #tpu.memory_space<vmem>> -> memref<125xi32, #tpu.memory_space<vmem>>
      %dma_start3A_184 = arith.constant 0 : i32
      %dma_start3A_185 = arith.constant 0 : i32
      %dma_start3A_186 = tpu.memref_slice %arg2[%dma_start3A_184, %dma_start3A_185] : memref<10112x32xf32, #tpu.memory_space<hbm>> -> memref<10112x32xf32, #tpu.memory_space<hbm>>
      tpu.enqueue_indirect_dma source(%dma_start3A_186 : memref<10112x32xf32, #tpu.memory_space<hbm>>) target(%arg14 : memref<125x32xf32, #tpu.memory_space<vmem>>) offsets(%dma_start3A_183 : memref<125xi32, #tpu.memory_space<vmem>>) semaphore(%arg18 : memref<!tpu.dma_semaphore, #tpu.memory_space<semaphore_mem>>)
      %add3A_187 = arith.constant 1 : i32
      %add3A_188 = arith.addi %mul3A_173, %add3A_187 : i32
      %dma_start3A_189 = arith.constant 0 : i32
      %dma_start3A_190 = tpu.memref_slice %arg8[%add3A_188, %dma_start3A_189] : memref<80x125xi32, #tpu.memory_space<vmem>> -> memref<1x125xi32, #tpu.memory_space<vmem>>
      %dma_start3A_191 = tpu.memref_squeeze %dma_start3A_190 : memref<1x125xi32, #tpu.memory_space<vmem>> -> memref<125xi32, #tpu.memory_space<vmem>>
      %dma_start3A_192 = arith.constant 0 : i32
      %dma_start3A_193 = arith.constant 0 : i32
      %dma_start3A_194 = tpu.memref_slice %arg2[%dma_start3A_192, %dma_start3A_193] : memref<10112x32xf32, #tpu.memory_space<hbm>> -> memref<10112x32xf32, #tpu.memory_space<hbm>>
      tpu.enqueue_indirect_dma source(%dma_start3A_194 : memref<10112x32xf32, #tpu.memory_space<hbm>>) target(%arg15 : memref<125x32xf32, #tpu.memory_space<vmem>>) offsets(%dma_start3A_191 : memref<125xi32, #tpu.memory_space<vmem>>) semaphore(%arg19 : memref<!tpu.dma_semaphore, #tpu.memory_space<semaphore_mem>>)
      %add3A_195 = arith.constant 2 : i32
      %add3A_196 = arith.addi %mul3A_173, %add3A_195 : i32
      %dma_start3A_197 = arith.constant 0 : i32
      %dma_start3A_198 = tpu.memref_slice %arg8[%add3A_196, %dma_start3A_197] : memref<80x125xi32, #tpu.memory_space<vmem>> -> memref<1x125xi32, #tpu.memory_space<vmem>>
      %dma_start3A_199 = tpu.memref_squeeze %dma_start3A_198 : memref<1x125xi32, #tpu.memory_space<vmem>> -> memref<125xi32, #tpu.memory_space<vmem>>
      %dma_start3A_200 = arith.constant 0 : i32
      %dma_start3A_201 = arith.constant 0 : i32
      %dma_start3A_202 = tpu.memref_slice %arg2[%dma_start3A_200, %dma_start3A_201] : memref<10112x32xf32, #tpu.memory_space<hbm>> -> memref<10112x32xf32, #tpu.memory_space<hbm>>
      tpu.enqueue_indirect_dma source(%dma_start3A_202 : memref<10112x32xf32, #tpu.memory_space<hbm>>) target(%arg16 : memref<125x32xf32, #tpu.memory_space<vmem>>) offsets(%dma_start3A_199 : memref<125xi32, #tpu.memory_space<vmem>>) semaphore(%arg20 : memref<!tpu.dma_semaphore, #tpu.memory_space<semaphore_mem>>)
      %add3A_203 = arith.constant 3 : i32
      %add3A_204 = arith.addi %mul3A_173, %add3A_203 : i32
      %dma_start3A_205 = arith.constant 0 : i32
      %dma_start3A_206 = tpu.memref_slice %arg8[%add3A_204, %dma_start3A_205] : memref<80x125xi32, #tpu.memory_space<vmem>> -> memref<1x125xi32, #tpu.memory_space<vmem>>
      %dma_start3A_207 = tpu.memref_squeeze %dma_start3A_206 : memref<1x125xi32, #tpu.memory_space<vmem>> -> memref<125xi32, #tpu.memory_space<vmem>>
      %dma_start3A_208 = arith.constant 0 : i32
      %dma_start3A_209 = arith.constant 0 : i32
      %dma_start3A_210 = tpu.memref_slice %arg2[%dma_start3A_208, %dma_start3A_209] : memref<10112x32xf32, #tpu.memory_space<hbm>> -> memref<10112x32xf32, #tpu.memory_space<hbm>>
      tpu.enqueue_indirect_dma source(%dma_start3A_210 : memref<10112x32xf32, #tpu.memory_space<hbm>>) target(%arg17 : memref<125x32xf32, #tpu.memory_space<vmem>>) offsets(%dma_start3A_207 : memref<125xi32, #tpu.memory_space<vmem>>) semaphore(%arg21 : memref<!tpu.dma_semaphore, #tpu.memory_space<semaphore_mem>>)
      %dma_wait3A_211 = arith.constant 0 : i32
      %dma_wait3A_212 = tpu.memref_slice %arg8[%add3A_180, %dma_wait3A_211] : memref<80x125xi32, #tpu.memory_space<vmem>> -> memref<1x125xi32, #tpu.memory_space<vmem>>
      %dma_wait3A_213 = tpu.memref_squeeze %dma_wait3A_212 : memref<1x125xi32, #tpu.memory_space<vmem>> -> memref<125xi32, #tpu.memory_space<vmem>>
      %dma_wait3A_214 = arith.constant 0 : i32
      %dma_wait3A_215 = arith.constant 0 : i32
      %dma_wait3A_216 = tpu.memref_slice %arg2[%dma_wait3A_214, %dma_wait3A_215] : memref<10112x32xf32, #tpu.memory_space<hbm>> -> memref<10112x32xf32, #tpu.memory_space<hbm>>
      tpu.wait_indirect_dma semaphore(%arg18 : memref<!tpu.dma_semaphore, #tpu.memory_space<semaphore_mem>>) src(%dma_wait3A_216 : memref<10112x32xf32, #tpu.memory_space<hbm>>) dst(%arg14 : memref<125x32xf32, #tpu.memory_space<vmem>>)
      %add3A_217 = arith.constant 0 : i32
      %add3A_218 = arith.addi %mul3A_173, %add3A_217 : i32
      %dma_start3A_219 = arith.constant 0 : i32
      %dma_start3A_220 = tpu.memref_slice %arg9[%add3A_218, %dma_start3A_219] : memref<80x125xi32, #tpu.memory_space<vmem>> -> memref<1x125xi32, #tpu.memory_space<vmem>>
      %dma_start3A_221 = tpu.memref_squeeze %dma_start3A_220 : memref<1x125xi32, #tpu.memory_space<vmem>> -> memref<125xi32, #tpu.memory_space<vmem>>
      %dma_start3A_222 = arith.constant 0 : i32
      %dma_start3A_223 = arith.constant 0 : i32
      %dma_start3A_224 = tpu.memref_slice %arg7[%dma_start3A_222, %dma_start3A_223] : memref<10112x32xf32, #tpu.memory_space<vmem_shared>> -> memref<10112x32xf32, #tpu.memory_space<vmem_shared>>
      tpu.enqueue_indirect_dma source(%arg14 : memref<125x32xf32, #tpu.memory_space<vmem>>) target(%dma_start3A_224 : memref<10112x32xf32, #tpu.memory_space<vmem_shared>>) offsets(%dma_start3A_221 : memref<125xi32, #tpu.memory_space<vmem>>) semaphore(%arg26 : memref<!tpu.dma_semaphore, #tpu.memory_space<semaphore_mem>>) {add = true}
      %dma_wait3A_225 = arith.constant 0 : i32
      %dma_wait3A_226 = tpu.memref_slice %arg8[%add3A_188, %dma_wait3A_225] : memref<80x125xi32, #tpu.memory_space<vmem>> -> memref<1x125xi32, #tpu.memory_space<vmem>>
      %dma_wait3A_227 = tpu.memref_squeeze %dma_wait3A_226 : memref<1x125xi32, #tpu.memory_space<vmem>> -> memref<125xi32, #tpu.memory_space<vmem>>
      %dma_wait3A_228 = arith.constant 0 : i32
      %dma_wait3A_229 = arith.constant 0 : i32
      %dma_wait3A_230 = tpu.memref_slice %arg2[%dma_wait3A_228, %dma_wait3A_229] : memref<10112x32xf32, #tpu.memory_space<hbm>> -> memref<10112x32xf32, #tpu.memory_space<hbm>>
      tpu.wait_indirect_dma semaphore(%arg19 : memref<!tpu.dma_semaphore, #tpu.memory_space<semaphore_mem>>) src(%dma_wait3A_230 : memref<10112x32xf32, #tpu.memory_space<hbm>>) dst(%arg15 : memref<125x32xf32, #tpu.memory_space<vmem>>)
      %add3A_231 = arith.constant 1 : i32
      %add3A_232 = arith.addi %mul3A_173, %add3A_231 : i32
      %dma_start3A_233 = arith.constant 0 : i32
      %dma_start3A_234 = tpu.memref_slice %arg9[%add3A_232, %dma_start3A_233] : memref<80x125xi32, #tpu.memory_space<vmem>> -> memref<1x125xi32, #tpu.memory_space<vmem>>
      %dma_start3A_235 = tpu.memref_squeeze %dma_start3A_234 : memref<1x125xi32, #tpu.memory_space<vmem>> -> memref<125xi32, #tpu.memory_space<vmem>>
      %dma_start3A_236 = arith.constant 0 : i32
      %dma_start3A_237 = arith.constant 0 : i32
      %dma_start3A_238 = tpu.memref_slice %arg7[%dma_start3A_236, %dma_start3A_237] : memref<10112x32xf32, #tpu.memory_space<vmem_shared>> -> memref<10112x32xf32, #tpu.memory_space<vmem_shared>>
      tpu.enqueue_indirect_dma source(%arg15 : memref<125x32xf32, #tpu.memory_space<vmem>>) target(%dma_start3A_238 : memref<10112x32xf32, #tpu.memory_space<vmem_shared>>) offsets(%dma_start3A_235 : memref<125xi32, #tpu.memory_space<vmem>>) semaphore(%arg27 : memref<!tpu.dma_semaphore, #tpu.memory_space<semaphore_mem>>) {add = true}
      %dma_wait3A_239 = arith.constant 0 : i32
      %dma_wait3A_240 = tpu.memref_slice %arg8[%add3A_196, %dma_wait3A_239] : memref<80x125xi32, #tpu.memory_space<vmem>> -> memref<1x125xi32, #tpu.memory_space<vmem>>
      %dma_wait3A_241 = tpu.memref_squeeze %dma_wait3A_240 : memref<1x125xi32, #tpu.memory_space<vmem>> -> memref<125xi32, #tpu.memory_space<vmem>>
      %dma_wait3A_242 = arith.constant 0 : i32
      %dma_wait3A_243 = arith.constant 0 : i32
      %dma_wait3A_244 = tpu.memref_slice %arg2[%dma_wait3A_242, %dma_wait3A_243] : memref<10112x32xf32, #tpu.memory_space<hbm>> -> memref<10112x32xf32, #tpu.memory_space<hbm>>
      tpu.wait_indirect_dma semaphore(%arg20 : memref<!tpu.dma_semaphore, #tpu.memory_space<semaphore_mem>>) src(%dma_wait3A_244 : memref<10112x32xf32, #tpu.memory_space<hbm>>) dst(%arg16 : memref<125x32xf32, #tpu.memory_space<vmem>>)
      %add3A_245 = arith.constant 2 : i32
      %add3A_246 = arith.addi %mul3A_173, %add3A_245 : i32
      %dma_start3A_247 = arith.constant 0 : i32
      %dma_start3A_248 = tpu.memref_slice %arg9[%add3A_246, %dma_start3A_247] : memref<80x125xi32, #tpu.memory_space<vmem>> -> memref<1x125xi32, #tpu.memory_space<vmem>>
      %dma_start3A_249 = tpu.memref_squeeze %dma_start3A_248 : memref<1x125xi32, #tpu.memory_space<vmem>> -> memref<125xi32, #tpu.memory_space<vmem>>
      %dma_start3A_250 = arith.constant 0 : i32
      %dma_start3A_251 = arith.constant 0 : i32
      %dma_start3A_252 = tpu.memref_slice %arg7[%dma_start3A_250, %dma_start3A_251] : memref<10112x32xf32, #tpu.memory_space<vmem_shared>> -> memref<10112x32xf32, #tpu.memory_space<vmem_shared>>
      tpu.enqueue_indirect_dma source(%arg16 : memref<125x32xf32, #tpu.memory_space<vmem>>) target(%dma_start3A_252 : memref<10112x32xf32, #tpu.memory_space<vmem_shared>>) offsets(%dma_start3A_249 : memref<125xi32, #tpu.memory_space<vmem>>) semaphore(%arg28 : memref<!tpu.dma_semaphore, #tpu.memory_space<semaphore_mem>>) {add = true}
      %dma_wait3A_253 = arith.constant 0 : i32
      %dma_wait3A_254 = tpu.memref_slice %arg8[%add3A_204, %dma_wait3A_253] : memref<80x125xi32, #tpu.memory_space<vmem>> -> memref<1x125xi32, #tpu.memory_space<vmem>>
      %dma_wait3A_255 = tpu.memref_squeeze %dma_wait3A_254 : memref<1x125xi32, #tpu.memory_space<vmem>> -> memref<125xi32, #tpu.memory_space<vmem>>
      %dma_wait3A_256 = arith.constant 0 : i32
      %dma_wait3A_257 = arith.constant 0 : i32
      %dma_wait3A_258 = tpu.memref_slice %arg2[%dma_wait3A_256, %dma_wait3A_257] : memref<10112x32xf32, #tpu.memory_space<hbm>> -> memref<10112x32xf32, #tpu.memory_space<hbm>>
      tpu.wait_indirect_dma semaphore(%arg21 : memref<!tpu.dma_semaphore, #tpu.memory_space<semaphore_mem>>) src(%dma_wait3A_258 : memref<10112x32xf32, #tpu.memory_space<hbm>>) dst(%arg17 : memref<125x32xf32, #tpu.memory_space<vmem>>)
      %add3A_259 = arith.constant 3 : i32
      %add3A_260 = arith.addi %mul3A_173, %add3A_259 : i32
      %dma_start3A_261 = arith.constant 0 : i32
      %dma_start3A_262 = tpu.memref_slice %arg9[%add3A_260, %dma_start3A_261] : memref<80x125xi32, #tpu.memory_space<vmem>> -> memref<1x125xi32, #tpu.memory_space<vmem>>
      %dma_start3A_263 = tpu.memref_squeeze %dma_start3A_262 : memref<1x125xi32, #tpu.memory_space<vmem>> -> memref<125xi32, #tpu.memory_space<vmem>>
      %dma_start3A_264 = arith.constant 0 : i32
      %dma_start3A_265 = arith.constant 0 : i32
      %dma_start3A_266 = tpu.memref_slice %arg7[%dma_start3A_264, %dma_start3A_265] : memref<10112x32xf32, #tpu.memory_space<vmem_shared>> -> memref<10112x32xf32, #tpu.memory_space<vmem_shared>>
      tpu.enqueue_indirect_dma source(%arg17 : memref<125x32xf32, #tpu.memory_space<vmem>>) target(%dma_start3A_266 : memref<10112x32xf32, #tpu.memory_space<vmem_shared>>) offsets(%dma_start3A_263 : memref<125xi32, #tpu.memory_space<vmem>>) semaphore(%arg29 : memref<!tpu.dma_semaphore, #tpu.memory_space<semaphore_mem>>) {add = true}
      %scan3A_267 = arith.constant 0 : i32
      scf.yield %scan3A_267 : i32
    }
    %scan3A_12 = arith.constant 10 : i32
    %dma_wait3A = arith.constant 0 : i32
    %dma_wait3A_13 = arith.constant 0 : i32
    %dma_wait3A_14 = tpu.memref_slice %arg9[%dma_wait3A, %dma_wait3A_13] : memref<80x125xi32, #tpu.memory_space<vmem>> -> memref<1x125xi32, #tpu.memory_space<vmem>>
    %dma_wait3A_15 = tpu.memref_squeeze %dma_wait3A_14 : memref<1x125xi32, #tpu.memory_space<vmem>> -> memref<125xi32, #tpu.memory_space<vmem>>
    %dma_wait3A_16 = arith.constant 0 : i32
    %dma_wait3A_17 = arith.constant 0 : i32
    %dma_wait3A_18 = tpu.memref_slice %arg7[%dma_wait3A_16, %dma_wait3A_17] : memref<10112x32xf32, #tpu.memory_space<vmem_shared>> -> memref<10112x32xf32, #tpu.memory_space<vmem_shared>>
    tpu.wait_indirect_dma semaphore(%arg22 : memref<!tpu.dma_semaphore, #tpu.memory_space<semaphore_mem>>) src(%arg10 : memref<125x32xf32, #tpu.memory_space<vmem>>) dst(%dma_wait3A_18 : memref<10112x32xf32, #tpu.memory_space<vmem_shared>>)
    %dma_wait3A_19 = arith.constant 0 : i32
    %dma_wait3A_20 = arith.constant 0 : i32
    %dma_wait3A_21 = tpu.memref_slice %arg9[%dma_wait3A_19, %dma_wait3A_20] : memref<80x125xi32, #tpu.memory_space<vmem>> -> memref<1x125xi32, #tpu.memory_space<vmem>>
    %dma_wait3A_22 = tpu.memref_squeeze %dma_wait3A_21 : memref<1x125xi32, #tpu.memory_space<vmem>> -> memref<125xi32, #tpu.memory_space<vmem>>
    %dma_wait3A_23 = arith.constant 0 : i32
    %dma_wait3A_24 = arith.constant 0 : i32
    %dma_wait3A_25 = tpu.memref_slice %arg7[%dma_wait3A_23, %dma_wait3A_24] : memref<10112x32xf32, #tpu.memory_space<vmem_shared>> -> memref<10112x32xf32, #tpu.memory_space<vmem_shared>>
    tpu.wait_indirect_dma semaphore(%arg23 : memref<!tpu.dma_semaphore, #tpu.memory_space<semaphore_mem>>) src(%arg11 : memref<125x32xf32, #tpu.memory_space<vmem>>) dst(%dma_wait3A_25 : memref<10112x32xf32, #tpu.memory_space<vmem_shared>>)
    %dma_wait3A_26 = arith.constant 0 : i32
    %dma_wait3A_27 = arith.constant 0 : i32
    %dma_wait3A_28 = tpu.memref_slice %arg9[%dma_wait3A_26, %dma_wait3A_27] : memref<80x125xi32, #tpu.memory_space<vmem>> -> memref<1x125xi32, #tpu.memory_space<vmem>>
    %dma_wait3A_29 = tpu.memref_squeeze %dma_wait3A_28 : memref<1x125xi32, #tpu.memory_space<vmem>> -> memref<125xi32, #tpu.memory_space<vmem>>
    %dma_wait3A_30 = arith.constant 0 : i32
    %dma_wait3A_31 = arith.constant 0 : i32
    %dma_wait3A_32 = tpu.memref_slice %arg7[%dma_wait3A_30, %dma_wait3A_31] : memref<10112x32xf32, #tpu.memory_space<vmem_shared>> -> memref<10112x32xf32, #tpu.memory_space<vmem_shared>>
    tpu.wait_indirect_dma semaphore(%arg24 : memref<!tpu.dma_semaphore, #tpu.memory_space<semaphore_mem>>) src(%arg12 : memref<125x32xf32, #tpu.memory_space<vmem>>) dst(%dma_wait3A_32 : memref<10112x32xf32, #tpu.memory_space<vmem_shared>>)
    %dma_wait3A_33 = arith.constant 0 : i32
    %dma_wait3A_34 = arith.constant 0 : i32
    %dma_wait3A_35 = tpu.memref_slice %arg9[%dma_wait3A_33, %dma_wait3A_34] : memref<80x125xi32, #tpu.memory_space<vmem>> -> memref<1x125xi32, #tpu.memory_space<vmem>>
    %dma_wait3A_36 = tpu.memref_squeeze %dma_wait3A_35 : memref<1x125xi32, #tpu.memory_space<vmem>> -> memref<125xi32, #tpu.memory_space<vmem>>
    %dma_wait3A_37 = arith.constant 0 : i32
    %dma_wait3A_38 = arith.constant 0 : i32
    %dma_wait3A_39 = tpu.memref_slice %arg7[%dma_wait3A_37, %dma_wait3A_38] : memref<10112x32xf32, #tpu.memory_space<vmem_shared>> -> memref<10112x32xf32, #tpu.memory_space<vmem_shared>>
    tpu.wait_indirect_dma semaphore(%arg25 : memref<!tpu.dma_semaphore, #tpu.memory_space<semaphore_mem>>) src(%arg13 : memref<125x32xf32, #tpu.memory_space<vmem>>) dst(%dma_wait3A_39 : memref<10112x32xf32, #tpu.memory_space<vmem_shared>>)
    %dma_wait3A_40 = arith.constant 0 : i32
    %dma_wait3A_41 = arith.constant 0 : i32
    %dma_wait3A_42 = tpu.memref_slice %arg9[%dma_wait3A_40, %dma_wait3A_41] : memref<80x125xi32, #tpu.memory_space<vmem>> -> memref<1x125xi32, #tpu.memory_space<vmem>>
    %dma_wait3A_43 = tpu.memref_squeeze %dma_wait3A_42 : memref<1x125xi32, #tpu.memory_space<vmem>> -> memref<125xi32, #tpu.memory_space<vmem>>
    %dma_wait3A_44 = arith.constant 0 : i32
    %dma_wait3A_45 = arith.constant 0 : i32
    %dma_wait3A_46 = tpu.memref_slice %arg7[%dma_wait3A_44, %dma_wait3A_45] : memref<10112x32xf32, #tpu.memory_space<vmem_shared>> -> memref<10112x32xf32, #tpu.memory_space<vmem_shared>>
    tpu.wait_indirect_dma semaphore(%arg26 : memref<!tpu.dma_semaphore, #tpu.memory_space<semaphore_mem>>) src(%arg14 : memref<125x32xf32, #tpu.memory_space<vmem>>) dst(%dma_wait3A_46 : memref<10112x32xf32, #tpu.memory_space<vmem_shared>>)
    %dma_wait3A_47 = arith.constant 0 : i32
    %dma_wait3A_48 = arith.constant 0 : i32
    %dma_wait3A_49 = tpu.memref_slice %arg9[%dma_wait3A_47, %dma_wait3A_48] : memref<80x125xi32, #tpu.memory_space<vmem>> -> memref<1x125xi32, #tpu.memory_space<vmem>>
    %dma_wait3A_50 = tpu.memref_squeeze %dma_wait3A_49 : memref<1x125xi32, #tpu.memory_space<vmem>> -> memref<125xi32, #tpu.memory_space<vmem>>
    %dma_wait3A_51 = arith.constant 0 : i32
    %dma_wait3A_52 = arith.constant 0 : i32
    %dma_wait3A_53 = tpu.memref_slice %arg7[%dma_wait3A_51, %dma_wait3A_52] : memref<10112x32xf32, #tpu.memory_space<vmem_shared>> -> memref<10112x32xf32, #tpu.memory_space<vmem_shared>>
    tpu.wait_indirect_dma semaphore(%arg27 : memref<!tpu.dma_semaphore, #tpu.memory_space<semaphore_mem>>) src(%arg15 : memref<125x32xf32, #tpu.memory_space<vmem>>) dst(%dma_wait3A_53 : memref<10112x32xf32, #tpu.memory_space<vmem_shared>>)
    %dma_wait3A_54 = arith.constant 0 : i32
    %dma_wait3A_55 = arith.constant 0 : i32
    %dma_wait3A_56 = tpu.memref_slice %arg9[%dma_wait3A_54, %dma_wait3A_55] : memref<80x125xi32, #tpu.memory_space<vmem>> -> memref<1x125xi32, #tpu.memory_space<vmem>>
    %dma_wait3A_57 = tpu.memref_squeeze %dma_wait3A_56 : memref<1x125xi32, #tpu.memory_space<vmem>> -> memref<125xi32, #tpu.memory_space<vmem>>
    %dma_wait3A_58 = arith.constant 0 : i32
    %dma_wait3A_59 = arith.constant 0 : i32
    %dma_wait3A_60 = tpu.memref_slice %arg7[%dma_wait3A_58, %dma_wait3A_59] : memref<10112x32xf32, #tpu.memory_space<vmem_shared>> -> memref<10112x32xf32, #tpu.memory_space<vmem_shared>>
    tpu.wait_indirect_dma semaphore(%arg28 : memref<!tpu.dma_semaphore, #tpu.memory_space<semaphore_mem>>) src(%arg16 : memref<125x32xf32, #tpu.memory_space<vmem>>) dst(%dma_wait3A_60 : memref<10112x32xf32, #tpu.memory_space<vmem_shared>>)
    %dma_wait3A_61 = arith.constant 0 : i32
    %dma_wait3A_62 = arith.constant 0 : i32
    %dma_wait3A_63 = tpu.memref_slice %arg9[%dma_wait3A_61, %dma_wait3A_62] : memref<80x125xi32, #tpu.memory_space<vmem>> -> memref<1x125xi32, #tpu.memory_space<vmem>>
    %dma_wait3A_64 = tpu.memref_squeeze %dma_wait3A_63 : memref<1x125xi32, #tpu.memory_space<vmem>> -> memref<125xi32, #tpu.memory_space<vmem>>
    %dma_wait3A_65 = arith.constant 0 : i32
    %dma_wait3A_66 = arith.constant 0 : i32
    %dma_wait3A_67 = tpu.memref_slice %arg7[%dma_wait3A_65, %dma_wait3A_66] : memref<10112x32xf32, #tpu.memory_space<vmem_shared>> -> memref<10112x32xf32, #tpu.memory_space<vmem_shared>>
    tpu.wait_indirect_dma semaphore(%arg29 : memref<!tpu.dma_semaphore, #tpu.memory_space<semaphore_mem>>) src(%arg17 : memref<125x32xf32, #tpu.memory_space<vmem>>) dst(%dma_wait3A_67 : memref<10112x32xf32, #tpu.memory_space<vmem_shared>>)
    %barrier3A_68 = arith.constant 0 : index
    tpu.barrier barrier_id(%barrier3A_68)
    %mul3A_69 = arith.constant 32 : i32
    %mul3A_70 = arith.muli %arg0, %mul3A_69 : i32
    "tpu.region"() ({
      %run_scoped3A = tpu.sem_alloc : memref<!tpu.dma_semaphore, #tpu.memory_space<semaphore_mem>>
      %dma_start3A = tpu.memref_slice %arg6[%mul3A_2, %mul3A_70] : memref<10112x128xf32, #tpu.memory_space<hbm>> -> memref<632x32xf32, #tpu.memory_space<hbm>>
      %dma_start3A_71 = arith.constant 0 : i32
      %dma_start3A_72 = tpu.memref_slice %arg7[%mul3A_2, %dma_start3A_71] : memref<10112x32xf32, #tpu.memory_space<vmem_shared>> -> memref<632x32xf32, #tpu.memory_space<vmem_shared>>
      tpu.enqueue_dma source(%dma_start3A_72 : memref<632x32xf32, #tpu.memory_space<vmem_shared>>) target(%dma_start3A : memref<632x32xf32, #tpu.memory_space<hbm>>) target_semaphore(%run_scoped3A : memref<!tpu.dma_semaphore, #tpu.memory_space<semaphore_mem>>)
      %dma_wait3A_73 = tpu.memref_slice %arg6[%mul3A_2, %mul3A_70] : memref<10112x128xf32, #tpu.memory_space<hbm>> -> memref<632x32xf32, #tpu.memory_space<hbm>>
      %dma_wait3A_74 = arith.constant 0 : i32
      %dma_wait3A_75 = tpu.memref_slice %arg7[%mul3A_2, %dma_wait3A_74] : memref<10112x32xf32, #tpu.memory_space<vmem_shared>> -> memref<632x32xf32, #tpu.memory_space<vmem_shared>>
      tpu.wait_dma2 semaphore(%run_scoped3A : memref<!tpu.dma_semaphore, #tpu.memory_space<semaphore_mem>>) src(%dma_wait3A_75 : memref<632x32xf32, #tpu.memory_space<vmem_shared>>) dst(%dma_wait3A_73 : memref<632x32xf32, #tpu.memory_space<hbm>>)
      tpu.yield
    }) : () -> ()
    return
  }
}

#map = affine_map<(d0, d1) -> (0, 0)>
module attributes {stable_mosaic.version = 14 : i64} {
  func.func @_edge_body(%arg0: i32, %arg1: i32, %arg2: memref<10112x64xf32, #tpu.memory_space<hbm>>, %arg3: memref<2560x125xi32, #tpu.memory_space<hbm>>, %arg4: memref<2560x125xi32, #tpu.memory_space<hbm>>, %arg5: memref<10112x64xf32, #tpu.memory_space<hbm>>, %arg6: memref<10112x128xf32, #tpu.memory_space<hbm>>, %arg7: memref<10112x64xf32, #tpu.memory_space<vmem_shared>>, %arg8: memref<80x125xi32, #tpu.memory_space<vmem>>, %arg9: memref<80x125xi32, #tpu.memory_space<vmem>>, %arg10: memref<125x64xf32, #tpu.memory_space<vmem>>, %arg11: memref<125x64xf32, #tpu.memory_space<vmem>>, %arg12: memref<125x64xf32, #tpu.memory_space<vmem>>, %arg13: memref<125x64xf32, #tpu.memory_space<vmem>>, %arg14: memref<125x64xf32, #tpu.memory_space<vmem>>, %arg15: memref<125x64xf32, #tpu.memory_space<vmem>>, %arg16: memref<125x64xf32, #tpu.memory_space<vmem>>, %arg17: memref<125x64xf32, #tpu.memory_space<vmem>>, %arg18: memref<!tpu.dma_semaphore, #tpu.memory_space<semaphore_mem>>, %arg19: memref<!tpu.dma_semaphore, #tpu.memory_space<semaphore_mem>>, %arg20: memref<!tpu.dma_semaphore, #tpu.memory_space<semaphore_mem>>, %arg21: memref<!tpu.dma_semaphore, #tpu.memory_space<semaphore_mem>>, %arg22: memref<!tpu.dma_semaphore, #tpu.memory_space<semaphore_mem>>, %arg23: memref<!tpu.dma_semaphore, #tpu.memory_space<semaphore_mem>>, %arg24: memref<!tpu.dma_semaphore, #tpu.memory_space<semaphore_mem>>, %arg25: memref<!tpu.dma_semaphore, #tpu.memory_space<semaphore_mem>>, %arg26: memref<!tpu.dma_semaphore, #tpu.memory_space<semaphore_mem>>, %arg27: memref<!tpu.dma_semaphore, #tpu.memory_space<semaphore_mem>>, %arg28: memref<!tpu.dma_semaphore, #tpu.memory_space<semaphore_mem>>, %arg29: memref<!tpu.dma_semaphore, #tpu.memory_space<semaphore_mem>>) attributes {dimension_semantics = [#tpu.dimension_semantics<core_parallel>, #tpu.dimension_semantics<subcore_parallel>], iteration_bounds = array<i64: 2, 16>, scalar_prefetch = 0 : i64, scratch_operands = 23 : i64, tpu.core_type = #tpu.core_type<sc_vector_subcore>, window_params = [{transform_indices = #map}, {transform_indices = #map}, {transform_indices = #map}, {transform_indices = #map}, {transform_indices = #map}]} {
    %mul3A = arith.constant 2 : i32
    %mul3A_0 = arith.muli %arg1, %mul3A : i32
    %add3A = arith.addi %mul3A_0, %arg0 : i32
    %mul3A_1 = arith.constant 632 : i32
    %mul3A_2 = arith.muli %arg1, %mul3A_1 : i32
    "tpu.region"() ({
      %run_scoped3A = tpu.sem_alloc : memref<!tpu.dma_semaphore, #tpu.memory_space<semaphore_mem>>
      %dma_start3A = arith.constant 0 : i32
      %dma_start3A_71 = tpu.memref_slice %arg7[%mul3A_2, %dma_start3A] : memref<10112x64xf32, #tpu.memory_space<vmem_shared>> -> memref<632x64xf32, #tpu.memory_space<vmem_shared>>
      %dma_start3A_72 = arith.constant 0 : i32
      %dma_start3A_73 = tpu.memref_slice %arg5[%mul3A_2, %dma_start3A_72] : memref<10112x64xf32, #tpu.memory_space<hbm>> -> memref<632x64xf32, #tpu.memory_space<hbm>>
      tpu.enqueue_dma source(%dma_start3A_73 : memref<632x64xf32, #tpu.memory_space<hbm>>) target(%dma_start3A_71 : memref<632x64xf32, #tpu.memory_space<vmem_shared>>) target_semaphore(%run_scoped3A : memref<!tpu.dma_semaphore, #tpu.memory_space<semaphore_mem>>)
      %dma_wait3A_74 = arith.constant 0 : i32
      %dma_wait3A_75 = tpu.memref_slice %arg7[%mul3A_2, %dma_wait3A_74] : memref<10112x64xf32, #tpu.memory_space<vmem_shared>> -> memref<632x64xf32, #tpu.memory_space<vmem_shared>>
      %dma_wait3A_76 = arith.constant 0 : i32
      %dma_wait3A_77 = tpu.memref_slice %arg5[%mul3A_2, %dma_wait3A_76] : memref<10112x64xf32, #tpu.memory_space<hbm>> -> memref<632x64xf32, #tpu.memory_space<hbm>>
      tpu.wait_dma2 semaphore(%run_scoped3A : memref<!tpu.dma_semaphore, #tpu.memory_space<semaphore_mem>>) src(%dma_wait3A_77 : memref<632x64xf32, #tpu.memory_space<hbm>>) dst(%dma_wait3A_75 : memref<632x64xf32, #tpu.memory_space<vmem_shared>>)
      tpu.yield
    }) : () -> ()
    %mul3A_3 = arith.constant 80 : i32
    %mul3A_4 = arith.muli %add3A, %mul3A_3 : i32
    "tpu.region"() ({
      %run_scoped3A = tpu.sem_alloc : memref<!tpu.dma_semaphore, #tpu.memory_space<semaphore_mem>>
      %dma_start3A = arith.constant 0 : i32
      %dma_start3A_71 = tpu.memref_slice %arg3[%mul3A_4, %dma_start3A] : memref<2560x125xi32, #tpu.memory_space<hbm>> -> memref<80x125xi32, #tpu.memory_space<hbm>>
      %dma_start3A_72 = arith.constant 0 : i32
      %dma_start3A_73 = tpu.memref_slice %arg3[%mul3A_4, %dma_start3A_72] : memref<2560x125xi32, #tpu.memory_space<hbm>> -> memref<80x125xi32, #tpu.memory_space<hbm>>
      tpu.enqueue_dma source(%dma_start3A_73 : memref<80x125xi32, #tpu.memory_space<hbm>>) target(%arg8 : memref<80x125xi32, #tpu.memory_space<vmem>>) target_semaphore(%run_scoped3A : memref<!tpu.dma_semaphore, #tpu.memory_space<semaphore_mem>>)
      %dma_wait3A_74 = arith.constant 0 : i32
      %dma_wait3A_75 = tpu.memref_slice %arg3[%mul3A_4, %dma_wait3A_74] : memref<2560x125xi32, #tpu.memory_space<hbm>> -> memref<80x125xi32, #tpu.memory_space<hbm>>
      %dma_wait3A_76 = arith.constant 0 : i32
      %dma_wait3A_77 = tpu.memref_slice %arg3[%mul3A_4, %dma_wait3A_76] : memref<2560x125xi32, #tpu.memory_space<hbm>> -> memref<80x125xi32, #tpu.memory_space<hbm>>
      tpu.wait_dma2 semaphore(%run_scoped3A : memref<!tpu.dma_semaphore, #tpu.memory_space<semaphore_mem>>) src(%dma_wait3A_77 : memref<80x125xi32, #tpu.memory_space<hbm>>) dst(%arg8 : memref<80x125xi32, #tpu.memory_space<vmem>>)
      tpu.yield
    }) : () -> ()
    %mul3A_5 = arith.constant 80 : i32
    %mul3A_6 = arith.muli %add3A, %mul3A_5 : i32
    "tpu.region"() ({
      %run_scoped3A = tpu.sem_alloc : memref<!tpu.dma_semaphore, #tpu.memory_space<semaphore_mem>>
      %dma_start3A = arith.constant 0 : i32
      %dma_start3A_71 = tpu.memref_slice %arg4[%mul3A_6, %dma_start3A] : memref<2560x125xi32, #tpu.memory_space<hbm>> -> memref<80x125xi32, #tpu.memory_space<hbm>>
      %dma_start3A_72 = arith.constant 0 : i32
      %dma_start3A_73 = tpu.memref_slice %arg4[%mul3A_6, %dma_start3A_72] : memref<2560x125xi32, #tpu.memory_space<hbm>> -> memref<80x125xi32, #tpu.memory_space<hbm>>
      tpu.enqueue_dma source(%dma_start3A_73 : memref<80x125xi32, #tpu.memory_space<hbm>>) target(%arg9 : memref<80x125xi32, #tpu.memory_space<vmem>>) target_semaphore(%run_scoped3A : memref<!tpu.dma_semaphore, #tpu.memory_space<semaphore_mem>>)
      %dma_wait3A_74 = arith.constant 0 : i32
      %dma_wait3A_75 = tpu.memref_slice %arg4[%mul3A_6, %dma_wait3A_74] : memref<2560x125xi32, #tpu.memory_space<hbm>> -> memref<80x125xi32, #tpu.memory_space<hbm>>
      %dma_wait3A_76 = arith.constant 0 : i32
      %dma_wait3A_77 = tpu.memref_slice %arg4[%mul3A_6, %dma_wait3A_76] : memref<2560x125xi32, #tpu.memory_space<hbm>> -> memref<80x125xi32, #tpu.memory_space<hbm>>
      tpu.wait_dma2 semaphore(%run_scoped3A : memref<!tpu.dma_semaphore, #tpu.memory_space<semaphore_mem>>) src(%dma_wait3A_77 : memref<80x125xi32, #tpu.memory_space<hbm>>) dst(%arg9 : memref<80x125xi32, #tpu.memory_space<vmem>>)
      tpu.yield
    }) : () -> ()
    %barrier3A = arith.constant 0 : index
    tpu.barrier barrier_id(%barrier3A)
    %scan3A = arith.constant 0 : i32
    %scan3A_7 = arith.constant 0 : i32
    %scan3A_8 = arith.constant 10 : i32
    %scan3A_9 = arith.addi %scan3A_7, %scan3A_8 : i32
    %scan3A_10 = arith.constant 1 : i32
    %scan3A_11 = scf.for %scan3A_71 = %scan3A_7 to %scan3A_9 step %scan3A_10 iter_args(%scan3A_72 = %scan3A) -> (i32)  : i32 {
      %mul3A_73 = arith.constant 2 : i32
      %mul3A_74 = arith.muli %mul3A_73, %scan3A_71 : i32
      %add3A_75 = arith.constant 0 : i32
      %add3A_76 = arith.addi %mul3A_74, %add3A_75 : i32
      %mul3A_77 = arith.constant 4 : i32
      %mul3A_78 = arith.muli %add3A_76, %mul3A_77 : i32
      %gt3A = arith.constant 0 : i32
      %gt3A_79 = arith.cmpi sgt, %scan3A_71, %gt3A : i32
      %convert_element_type3A = arith.extui %gt3A_79 : i1 to i32
      %cond3A = arith.constant 0 : i32
      %cond3A_80 = arith.cmpi ne, %convert_element_type3A, %cond3A : i32
      scf.if %cond3A_80 {
        %dma_wait3A_268 = arith.constant 0 : i32
        %dma_wait3A_269 = arith.constant 0 : i32
        %dma_wait3A_270 = tpu.memref_slice %arg9[%dma_wait3A_268, %dma_wait3A_269] : memref<80x125xi32, #tpu.memory_space<vmem>> -> memref<1x125xi32, #tpu.memory_space<vmem>>
        %dma_wait3A_271 = tpu.memref_squeeze %dma_wait3A_270 : memref<1x125xi32, #tpu.memory_space<vmem>> -> memref<125xi32, #tpu.memory_space<vmem>>
        %dma_wait3A_272 = arith.constant 0 : i32
        %dma_wait3A_273 = arith.constant 0 : i32
        %dma_wait3A_274 = tpu.memref_slice %arg7[%dma_wait3A_272, %dma_wait3A_273] : memref<10112x64xf32, #tpu.memory_space<vmem_shared>> -> memref<10112x64xf32, #tpu.memory_space<vmem_shared>>
        tpu.wait_indirect_dma semaphore(%arg22 : memref<!tpu.dma_semaphore, #tpu.memory_space<semaphore_mem>>) src(%arg10 : memref<125x64xf32, #tpu.memory_space<vmem>>) dst(%dma_wait3A_274 : memref<10112x64xf32, #tpu.memory_space<vmem_shared>>)
        %dma_wait3A_275 = arith.constant 0 : i32
        %dma_wait3A_276 = arith.constant 0 : i32
        %dma_wait3A_277 = tpu.memref_slice %arg9[%dma_wait3A_275, %dma_wait3A_276] : memref<80x125xi32, #tpu.memory_space<vmem>> -> memref<1x125xi32, #tpu.memory_space<vmem>>
        %dma_wait3A_278 = tpu.memref_squeeze %dma_wait3A_277 : memref<1x125xi32, #tpu.memory_space<vmem>> -> memref<125xi32, #tpu.memory_space<vmem>>
        %dma_wait3A_279 = arith.constant 0 : i32
        %dma_wait3A_280 = arith.constant 0 : i32
        %dma_wait3A_281 = tpu.memref_slice %arg7[%dma_wait3A_279, %dma_wait3A_280] : memref<10112x64xf32, #tpu.memory_space<vmem_shared>> -> memref<10112x64xf32, #tpu.memory_space<vmem_shared>>
        tpu.wait_indirect_dma semaphore(%arg23 : memref<!tpu.dma_semaphore, #tpu.memory_space<semaphore_mem>>) src(%arg11 : memref<125x64xf32, #tpu.memory_space<vmem>>) dst(%dma_wait3A_281 : memref<10112x64xf32, #tpu.memory_space<vmem_shared>>)
        %dma_wait3A_282 = arith.constant 0 : i32
        %dma_wait3A_283 = arith.constant 0 : i32
        %dma_wait3A_284 = tpu.memref_slice %arg9[%dma_wait3A_282, %dma_wait3A_283] : memref<80x125xi32, #tpu.memory_space<vmem>> -> memref<1x125xi32, #tpu.memory_space<vmem>>
        %dma_wait3A_285 = tpu.memref_squeeze %dma_wait3A_284 : memref<1x125xi32, #tpu.memory_space<vmem>> -> memref<125xi32, #tpu.memory_space<vmem>>
        %dma_wait3A_286 = arith.constant 0 : i32
        %dma_wait3A_287 = arith.constant 0 : i32
        %dma_wait3A_288 = tpu.memref_slice %arg7[%dma_wait3A_286, %dma_wait3A_287] : memref<10112x64xf32, #tpu.memory_space<vmem_shared>> -> memref<10112x64xf32, #tpu.memory_space<vmem_shared>>
        tpu.wait_indirect_dma semaphore(%arg24 : memref<!tpu.dma_semaphore, #tpu.memory_space<semaphore_mem>>) src(%arg12 : memref<125x64xf32, #tpu.memory_space<vmem>>) dst(%dma_wait3A_288 : memref<10112x64xf32, #tpu.memory_space<vmem_shared>>)
        %dma_wait3A_289 = arith.constant 0 : i32
        %dma_wait3A_290 = arith.constant 0 : i32
        %dma_wait3A_291 = tpu.memref_slice %arg9[%dma_wait3A_289, %dma_wait3A_290] : memref<80x125xi32, #tpu.memory_space<vmem>> -> memref<1x125xi32, #tpu.memory_space<vmem>>
        %dma_wait3A_292 = tpu.memref_squeeze %dma_wait3A_291 : memref<1x125xi32, #tpu.memory_space<vmem>> -> memref<125xi32, #tpu.memory_space<vmem>>
        %dma_wait3A_293 = arith.constant 0 : i32
        %dma_wait3A_294 = arith.constant 0 : i32
        %dma_wait3A_295 = tpu.memref_slice %arg7[%dma_wait3A_293, %dma_wait3A_294] : memref<10112x64xf32, #tpu.memory_space<vmem_shared>> -> memref<10112x64xf32, #tpu.memory_space<vmem_shared>>
        tpu.wait_indirect_dma semaphore(%arg25 : memref<!tpu.dma_semaphore, #tpu.memory_space<semaphore_mem>>) src(%arg13 : memref<125x64xf32, #tpu.memory_space<vmem>>) dst(%dma_wait3A_295 : memref<10112x64xf32, #tpu.memory_space<vmem_shared>>)
      } else {
      }
      %add3A_81 = arith.constant 0 : i32
      %add3A_82 = arith.addi %mul3A_78, %add3A_81 : i32
      %dma_start3A = arith.constant 0 : i32
      %dma_start3A_83 = tpu.memref_slice %arg8[%add3A_82, %dma_start3A] : memref<80x125xi32, #tpu.memory_space<vmem>> -> memref<1x125xi32, #tpu.memory_space<vmem>>
      %dma_start3A_84 = tpu.memref_squeeze %dma_start3A_83 : memref<1x125xi32, #tpu.memory_space<vmem>> -> memref<125xi32, #tpu.memory_space<vmem>>
      %dma_start3A_85 = arith.constant 0 : i32
      %dma_start3A_86 = arith.constant 0 : i32
      %dma_start3A_87 = tpu.memref_slice %arg2[%dma_start3A_85, %dma_start3A_86] : memref<10112x64xf32, #tpu.memory_space<hbm>> -> memref<10112x64xf32, #tpu.memory_space<hbm>>
      tpu.enqueue_indirect_dma source(%dma_start3A_87 : memref<10112x64xf32, #tpu.memory_space<hbm>>) target(%arg10 : memref<125x64xf32, #tpu.memory_space<vmem>>) offsets(%dma_start3A_84 : memref<125xi32, #tpu.memory_space<vmem>>) semaphore(%arg18 : memref<!tpu.dma_semaphore, #tpu.memory_space<semaphore_mem>>)
      %add3A_88 = arith.constant 1 : i32
      %add3A_89 = arith.addi %mul3A_78, %add3A_88 : i32
      %dma_start3A_90 = arith.constant 0 : i32
      %dma_start3A_91 = tpu.memref_slice %arg8[%add3A_89, %dma_start3A_90] : memref<80x125xi32, #tpu.memory_space<vmem>> -> memref<1x125xi32, #tpu.memory_space<vmem>>
      %dma_start3A_92 = tpu.memref_squeeze %dma_start3A_91 : memref<1x125xi32, #tpu.memory_space<vmem>> -> memref<125xi32, #tpu.memory_space<vmem>>
      %dma_start3A_93 = arith.constant 0 : i32
      %dma_start3A_94 = arith.constant 0 : i32
      %dma_start3A_95 = tpu.memref_slice %arg2[%dma_start3A_93, %dma_start3A_94] : memref<10112x64xf32, #tpu.memory_space<hbm>> -> memref<10112x64xf32, #tpu.memory_space<hbm>>
      tpu.enqueue_indirect_dma source(%dma_start3A_95 : memref<10112x64xf32, #tpu.memory_space<hbm>>) target(%arg11 : memref<125x64xf32, #tpu.memory_space<vmem>>) offsets(%dma_start3A_92 : memref<125xi32, #tpu.memory_space<vmem>>) semaphore(%arg19 : memref<!tpu.dma_semaphore, #tpu.memory_space<semaphore_mem>>)
      %add3A_96 = arith.constant 2 : i32
      %add3A_97 = arith.addi %mul3A_78, %add3A_96 : i32
      %dma_start3A_98 = arith.constant 0 : i32
      %dma_start3A_99 = tpu.memref_slice %arg8[%add3A_97, %dma_start3A_98] : memref<80x125xi32, #tpu.memory_space<vmem>> -> memref<1x125xi32, #tpu.memory_space<vmem>>
      %dma_start3A_100 = tpu.memref_squeeze %dma_start3A_99 : memref<1x125xi32, #tpu.memory_space<vmem>> -> memref<125xi32, #tpu.memory_space<vmem>>
      %dma_start3A_101 = arith.constant 0 : i32
      %dma_start3A_102 = arith.constant 0 : i32
      %dma_start3A_103 = tpu.memref_slice %arg2[%dma_start3A_101, %dma_start3A_102] : memref<10112x64xf32, #tpu.memory_space<hbm>> -> memref<10112x64xf32, #tpu.memory_space<hbm>>
      tpu.enqueue_indirect_dma source(%dma_start3A_103 : memref<10112x64xf32, #tpu.memory_space<hbm>>) target(%arg12 : memref<125x64xf32, #tpu.memory_space<vmem>>) offsets(%dma_start3A_100 : memref<125xi32, #tpu.memory_space<vmem>>) semaphore(%arg20 : memref<!tpu.dma_semaphore, #tpu.memory_space<semaphore_mem>>)
      %add3A_104 = arith.constant 3 : i32
      %add3A_105 = arith.addi %mul3A_78, %add3A_104 : i32
      %dma_start3A_106 = arith.constant 0 : i32
      %dma_start3A_107 = tpu.memref_slice %arg8[%add3A_105, %dma_start3A_106] : memref<80x125xi32, #tpu.memory_space<vmem>> -> memref<1x125xi32, #tpu.memory_space<vmem>>
      %dma_start3A_108 = tpu.memref_squeeze %dma_start3A_107 : memref<1x125xi32, #tpu.memory_space<vmem>> -> memref<125xi32, #tpu.memory_space<vmem>>
      %dma_start3A_109 = arith.constant 0 : i32
      %dma_start3A_110 = arith.constant 0 : i32
      %dma_start3A_111 = tpu.memref_slice %arg2[%dma_start3A_109, %dma_start3A_110] : memref<10112x64xf32, #tpu.memory_space<hbm>> -> memref<10112x64xf32, #tpu.memory_space<hbm>>
      tpu.enqueue_indirect_dma source(%dma_start3A_111 : memref<10112x64xf32, #tpu.memory_space<hbm>>) target(%arg13 : memref<125x64xf32, #tpu.memory_space<vmem>>) offsets(%dma_start3A_108 : memref<125xi32, #tpu.memory_space<vmem>>) semaphore(%arg21 : memref<!tpu.dma_semaphore, #tpu.memory_space<semaphore_mem>>)
      %dma_wait3A_112 = arith.constant 0 : i32
      %dma_wait3A_113 = tpu.memref_slice %arg8[%add3A_82, %dma_wait3A_112] : memref<80x125xi32, #tpu.memory_space<vmem>> -> memref<1x125xi32, #tpu.memory_space<vmem>>
      %dma_wait3A_114 = tpu.memref_squeeze %dma_wait3A_113 : memref<1x125xi32, #tpu.memory_space<vmem>> -> memref<125xi32, #tpu.memory_space<vmem>>
      %dma_wait3A_115 = arith.constant 0 : i32
      %dma_wait3A_116 = arith.constant 0 : i32
      %dma_wait3A_117 = tpu.memref_slice %arg2[%dma_wait3A_115, %dma_wait3A_116] : memref<10112x64xf32, #tpu.memory_space<hbm>> -> memref<10112x64xf32, #tpu.memory_space<hbm>>
      tpu.wait_indirect_dma semaphore(%arg18 : memref<!tpu.dma_semaphore, #tpu.memory_space<semaphore_mem>>) src(%dma_wait3A_117 : memref<10112x64xf32, #tpu.memory_space<hbm>>) dst(%arg10 : memref<125x64xf32, #tpu.memory_space<vmem>>)
      %add3A_118 = arith.constant 0 : i32
      %add3A_119 = arith.addi %mul3A_78, %add3A_118 : i32
      %dma_start3A_120 = arith.constant 0 : i32
      %dma_start3A_121 = tpu.memref_slice %arg9[%add3A_119, %dma_start3A_120] : memref<80x125xi32, #tpu.memory_space<vmem>> -> memref<1x125xi32, #tpu.memory_space<vmem>>
      %dma_start3A_122 = tpu.memref_squeeze %dma_start3A_121 : memref<1x125xi32, #tpu.memory_space<vmem>> -> memref<125xi32, #tpu.memory_space<vmem>>
      %dma_start3A_123 = arith.constant 0 : i32
      %dma_start3A_124 = arith.constant 0 : i32
      %dma_start3A_125 = tpu.memref_slice %arg7[%dma_start3A_123, %dma_start3A_124] : memref<10112x64xf32, #tpu.memory_space<vmem_shared>> -> memref<10112x64xf32, #tpu.memory_space<vmem_shared>>
      tpu.enqueue_indirect_dma source(%arg10 : memref<125x64xf32, #tpu.memory_space<vmem>>) target(%dma_start3A_125 : memref<10112x64xf32, #tpu.memory_space<vmem_shared>>) offsets(%dma_start3A_122 : memref<125xi32, #tpu.memory_space<vmem>>) semaphore(%arg22 : memref<!tpu.dma_semaphore, #tpu.memory_space<semaphore_mem>>) {add = true}
      %dma_wait3A_126 = arith.constant 0 : i32
      %dma_wait3A_127 = tpu.memref_slice %arg8[%add3A_89, %dma_wait3A_126] : memref<80x125xi32, #tpu.memory_space<vmem>> -> memref<1x125xi32, #tpu.memory_space<vmem>>
      %dma_wait3A_128 = tpu.memref_squeeze %dma_wait3A_127 : memref<1x125xi32, #tpu.memory_space<vmem>> -> memref<125xi32, #tpu.memory_space<vmem>>
      %dma_wait3A_129 = arith.constant 0 : i32
      %dma_wait3A_130 = arith.constant 0 : i32
      %dma_wait3A_131 = tpu.memref_slice %arg2[%dma_wait3A_129, %dma_wait3A_130] : memref<10112x64xf32, #tpu.memory_space<hbm>> -> memref<10112x64xf32, #tpu.memory_space<hbm>>
      tpu.wait_indirect_dma semaphore(%arg19 : memref<!tpu.dma_semaphore, #tpu.memory_space<semaphore_mem>>) src(%dma_wait3A_131 : memref<10112x64xf32, #tpu.memory_space<hbm>>) dst(%arg11 : memref<125x64xf32, #tpu.memory_space<vmem>>)
      %add3A_132 = arith.constant 1 : i32
      %add3A_133 = arith.addi %mul3A_78, %add3A_132 : i32
      %dma_start3A_134 = arith.constant 0 : i32
      %dma_start3A_135 = tpu.memref_slice %arg9[%add3A_133, %dma_start3A_134] : memref<80x125xi32, #tpu.memory_space<vmem>> -> memref<1x125xi32, #tpu.memory_space<vmem>>
      %dma_start3A_136 = tpu.memref_squeeze %dma_start3A_135 : memref<1x125xi32, #tpu.memory_space<vmem>> -> memref<125xi32, #tpu.memory_space<vmem>>
      %dma_start3A_137 = arith.constant 0 : i32
      %dma_start3A_138 = arith.constant 0 : i32
      %dma_start3A_139 = tpu.memref_slice %arg7[%dma_start3A_137, %dma_start3A_138] : memref<10112x64xf32, #tpu.memory_space<vmem_shared>> -> memref<10112x64xf32, #tpu.memory_space<vmem_shared>>
      tpu.enqueue_indirect_dma source(%arg11 : memref<125x64xf32, #tpu.memory_space<vmem>>) target(%dma_start3A_139 : memref<10112x64xf32, #tpu.memory_space<vmem_shared>>) offsets(%dma_start3A_136 : memref<125xi32, #tpu.memory_space<vmem>>) semaphore(%arg23 : memref<!tpu.dma_semaphore, #tpu.memory_space<semaphore_mem>>) {add = true}
      %dma_wait3A_140 = arith.constant 0 : i32
      %dma_wait3A_141 = tpu.memref_slice %arg8[%add3A_97, %dma_wait3A_140] : memref<80x125xi32, #tpu.memory_space<vmem>> -> memref<1x125xi32, #tpu.memory_space<vmem>>
      %dma_wait3A_142 = tpu.memref_squeeze %dma_wait3A_141 : memref<1x125xi32, #tpu.memory_space<vmem>> -> memref<125xi32, #tpu.memory_space<vmem>>
      %dma_wait3A_143 = arith.constant 0 : i32
      %dma_wait3A_144 = arith.constant 0 : i32
      %dma_wait3A_145 = tpu.memref_slice %arg2[%dma_wait3A_143, %dma_wait3A_144] : memref<10112x64xf32, #tpu.memory_space<hbm>> -> memref<10112x64xf32, #tpu.memory_space<hbm>>
      tpu.wait_indirect_dma semaphore(%arg20 : memref<!tpu.dma_semaphore, #tpu.memory_space<semaphore_mem>>) src(%dma_wait3A_145 : memref<10112x64xf32, #tpu.memory_space<hbm>>) dst(%arg12 : memref<125x64xf32, #tpu.memory_space<vmem>>)
      %add3A_146 = arith.constant 2 : i32
      %add3A_147 = arith.addi %mul3A_78, %add3A_146 : i32
      %dma_start3A_148 = arith.constant 0 : i32
      %dma_start3A_149 = tpu.memref_slice %arg9[%add3A_147, %dma_start3A_148] : memref<80x125xi32, #tpu.memory_space<vmem>> -> memref<1x125xi32, #tpu.memory_space<vmem>>
      %dma_start3A_150 = tpu.memref_squeeze %dma_start3A_149 : memref<1x125xi32, #tpu.memory_space<vmem>> -> memref<125xi32, #tpu.memory_space<vmem>>
      %dma_start3A_151 = arith.constant 0 : i32
      %dma_start3A_152 = arith.constant 0 : i32
      %dma_start3A_153 = tpu.memref_slice %arg7[%dma_start3A_151, %dma_start3A_152] : memref<10112x64xf32, #tpu.memory_space<vmem_shared>> -> memref<10112x64xf32, #tpu.memory_space<vmem_shared>>
      tpu.enqueue_indirect_dma source(%arg12 : memref<125x64xf32, #tpu.memory_space<vmem>>) target(%dma_start3A_153 : memref<10112x64xf32, #tpu.memory_space<vmem_shared>>) offsets(%dma_start3A_150 : memref<125xi32, #tpu.memory_space<vmem>>) semaphore(%arg24 : memref<!tpu.dma_semaphore, #tpu.memory_space<semaphore_mem>>) {add = true}
      %dma_wait3A_154 = arith.constant 0 : i32
      %dma_wait3A_155 = tpu.memref_slice %arg8[%add3A_105, %dma_wait3A_154] : memref<80x125xi32, #tpu.memory_space<vmem>> -> memref<1x125xi32, #tpu.memory_space<vmem>>
      %dma_wait3A_156 = tpu.memref_squeeze %dma_wait3A_155 : memref<1x125xi32, #tpu.memory_space<vmem>> -> memref<125xi32, #tpu.memory_space<vmem>>
      %dma_wait3A_157 = arith.constant 0 : i32
      %dma_wait3A_158 = arith.constant 0 : i32
      %dma_wait3A_159 = tpu.memref_slice %arg2[%dma_wait3A_157, %dma_wait3A_158] : memref<10112x64xf32, #tpu.memory_space<hbm>> -> memref<10112x64xf32, #tpu.memory_space<hbm>>
      tpu.wait_indirect_dma semaphore(%arg21 : memref<!tpu.dma_semaphore, #tpu.memory_space<semaphore_mem>>) src(%dma_wait3A_159 : memref<10112x64xf32, #tpu.memory_space<hbm>>) dst(%arg13 : memref<125x64xf32, #tpu.memory_space<vmem>>)
      %add3A_160 = arith.constant 3 : i32
      %add3A_161 = arith.addi %mul3A_78, %add3A_160 : i32
      %dma_start3A_162 = arith.constant 0 : i32
      %dma_start3A_163 = tpu.memref_slice %arg9[%add3A_161, %dma_start3A_162] : memref<80x125xi32, #tpu.memory_space<vmem>> -> memref<1x125xi32, #tpu.memory_space<vmem>>
      %dma_start3A_164 = tpu.memref_squeeze %dma_start3A_163 : memref<1x125xi32, #tpu.memory_space<vmem>> -> memref<125xi32, #tpu.memory_space<vmem>>
      %dma_start3A_165 = arith.constant 0 : i32
      %dma_start3A_166 = arith.constant 0 : i32
      %dma_start3A_167 = tpu.memref_slice %arg7[%dma_start3A_165, %dma_start3A_166] : memref<10112x64xf32, #tpu.memory_space<vmem_shared>> -> memref<10112x64xf32, #tpu.memory_space<vmem_shared>>
      tpu.enqueue_indirect_dma source(%arg13 : memref<125x64xf32, #tpu.memory_space<vmem>>) target(%dma_start3A_167 : memref<10112x64xf32, #tpu.memory_space<vmem_shared>>) offsets(%dma_start3A_164 : memref<125xi32, #tpu.memory_space<vmem>>) semaphore(%arg25 : memref<!tpu.dma_semaphore, #tpu.memory_space<semaphore_mem>>) {add = true}
      %mul3A_168 = arith.constant 2 : i32
      %mul3A_169 = arith.muli %mul3A_168, %scan3A_71 : i32
      %add3A_170 = arith.constant 1 : i32
      %add3A_171 = arith.addi %mul3A_169, %add3A_170 : i32
      %mul3A_172 = arith.constant 4 : i32
      %mul3A_173 = arith.muli %add3A_171, %mul3A_172 : i32
      %gt3A_174 = arith.constant 0 : i32
      %gt3A_175 = arith.cmpi sgt, %scan3A_71, %gt3A_174 : i32
      %convert_element_type3A_176 = arith.extui %gt3A_175 : i1 to i32
      %cond3A_177 = arith.constant 0 : i32
      %cond3A_178 = arith.cmpi ne, %convert_element_type3A_176, %cond3A_177 : i32
      scf.if %cond3A_178 {
        %dma_wait3A_268 = arith.constant 0 : i32
        %dma_wait3A_269 = arith.constant 0 : i32
        %dma_wait3A_270 = tpu.memref_slice %arg9[%dma_wait3A_268, %dma_wait3A_269] : memref<80x125xi32, #tpu.memory_space<vmem>> -> memref<1x125xi32, #tpu.memory_space<vmem>>
        %dma_wait3A_271 = tpu.memref_squeeze %dma_wait3A_270 : memref<1x125xi32, #tpu.memory_space<vmem>> -> memref<125xi32, #tpu.memory_space<vmem>>
        %dma_wait3A_272 = arith.constant 0 : i32
        %dma_wait3A_273 = arith.constant 0 : i32
        %dma_wait3A_274 = tpu.memref_slice %arg7[%dma_wait3A_272, %dma_wait3A_273] : memref<10112x64xf32, #tpu.memory_space<vmem_shared>> -> memref<10112x64xf32, #tpu.memory_space<vmem_shared>>
        tpu.wait_indirect_dma semaphore(%arg26 : memref<!tpu.dma_semaphore, #tpu.memory_space<semaphore_mem>>) src(%arg14 : memref<125x64xf32, #tpu.memory_space<vmem>>) dst(%dma_wait3A_274 : memref<10112x64xf32, #tpu.memory_space<vmem_shared>>)
        %dma_wait3A_275 = arith.constant 0 : i32
        %dma_wait3A_276 = arith.constant 0 : i32
        %dma_wait3A_277 = tpu.memref_slice %arg9[%dma_wait3A_275, %dma_wait3A_276] : memref<80x125xi32, #tpu.memory_space<vmem>> -> memref<1x125xi32, #tpu.memory_space<vmem>>
        %dma_wait3A_278 = tpu.memref_squeeze %dma_wait3A_277 : memref<1x125xi32, #tpu.memory_space<vmem>> -> memref<125xi32, #tpu.memory_space<vmem>>
        %dma_wait3A_279 = arith.constant 0 : i32
        %dma_wait3A_280 = arith.constant 0 : i32
        %dma_wait3A_281 = tpu.memref_slice %arg7[%dma_wait3A_279, %dma_wait3A_280] : memref<10112x64xf32, #tpu.memory_space<vmem_shared>> -> memref<10112x64xf32, #tpu.memory_space<vmem_shared>>
        tpu.wait_indirect_dma semaphore(%arg27 : memref<!tpu.dma_semaphore, #tpu.memory_space<semaphore_mem>>) src(%arg15 : memref<125x64xf32, #tpu.memory_space<vmem>>) dst(%dma_wait3A_281 : memref<10112x64xf32, #tpu.memory_space<vmem_shared>>)
        %dma_wait3A_282 = arith.constant 0 : i32
        %dma_wait3A_283 = arith.constant 0 : i32
        %dma_wait3A_284 = tpu.memref_slice %arg9[%dma_wait3A_282, %dma_wait3A_283] : memref<80x125xi32, #tpu.memory_space<vmem>> -> memref<1x125xi32, #tpu.memory_space<vmem>>
        %dma_wait3A_285 = tpu.memref_squeeze %dma_wait3A_284 : memref<1x125xi32, #tpu.memory_space<vmem>> -> memref<125xi32, #tpu.memory_space<vmem>>
        %dma_wait3A_286 = arith.constant 0 : i32
        %dma_wait3A_287 = arith.constant 0 : i32
        %dma_wait3A_288 = tpu.memref_slice %arg7[%dma_wait3A_286, %dma_wait3A_287] : memref<10112x64xf32, #tpu.memory_space<vmem_shared>> -> memref<10112x64xf32, #tpu.memory_space<vmem_shared>>
        tpu.wait_indirect_dma semaphore(%arg28 : memref<!tpu.dma_semaphore, #tpu.memory_space<semaphore_mem>>) src(%arg16 : memref<125x64xf32, #tpu.memory_space<vmem>>) dst(%dma_wait3A_288 : memref<10112x64xf32, #tpu.memory_space<vmem_shared>>)
        %dma_wait3A_289 = arith.constant 0 : i32
        %dma_wait3A_290 = arith.constant 0 : i32
        %dma_wait3A_291 = tpu.memref_slice %arg9[%dma_wait3A_289, %dma_wait3A_290] : memref<80x125xi32, #tpu.memory_space<vmem>> -> memref<1x125xi32, #tpu.memory_space<vmem>>
        %dma_wait3A_292 = tpu.memref_squeeze %dma_wait3A_291 : memref<1x125xi32, #tpu.memory_space<vmem>> -> memref<125xi32, #tpu.memory_space<vmem>>
        %dma_wait3A_293 = arith.constant 0 : i32
        %dma_wait3A_294 = arith.constant 0 : i32
        %dma_wait3A_295 = tpu.memref_slice %arg7[%dma_wait3A_293, %dma_wait3A_294] : memref<10112x64xf32, #tpu.memory_space<vmem_shared>> -> memref<10112x64xf32, #tpu.memory_space<vmem_shared>>
        tpu.wait_indirect_dma semaphore(%arg29 : memref<!tpu.dma_semaphore, #tpu.memory_space<semaphore_mem>>) src(%arg17 : memref<125x64xf32, #tpu.memory_space<vmem>>) dst(%dma_wait3A_295 : memref<10112x64xf32, #tpu.memory_space<vmem_shared>>)
      } else {
      }
      %add3A_179 = arith.constant 0 : i32
      %add3A_180 = arith.addi %mul3A_173, %add3A_179 : i32
      %dma_start3A_181 = arith.constant 0 : i32
      %dma_start3A_182 = tpu.memref_slice %arg8[%add3A_180, %dma_start3A_181] : memref<80x125xi32, #tpu.memory_space<vmem>> -> memref<1x125xi32, #tpu.memory_space<vmem>>
      %dma_start3A_183 = tpu.memref_squeeze %dma_start3A_182 : memref<1x125xi32, #tpu.memory_space<vmem>> -> memref<125xi32, #tpu.memory_space<vmem>>
      %dma_start3A_184 = arith.constant 0 : i32
      %dma_start3A_185 = arith.constant 0 : i32
      %dma_start3A_186 = tpu.memref_slice %arg2[%dma_start3A_184, %dma_start3A_185] : memref<10112x64xf32, #tpu.memory_space<hbm>> -> memref<10112x64xf32, #tpu.memory_space<hbm>>
      tpu.enqueue_indirect_dma source(%dma_start3A_186 : memref<10112x64xf32, #tpu.memory_space<hbm>>) target(%arg14 : memref<125x64xf32, #tpu.memory_space<vmem>>) offsets(%dma_start3A_183 : memref<125xi32, #tpu.memory_space<vmem>>) semaphore(%arg18 : memref<!tpu.dma_semaphore, #tpu.memory_space<semaphore_mem>>)
      %add3A_187 = arith.constant 1 : i32
      %add3A_188 = arith.addi %mul3A_173, %add3A_187 : i32
      %dma_start3A_189 = arith.constant 0 : i32
      %dma_start3A_190 = tpu.memref_slice %arg8[%add3A_188, %dma_start3A_189] : memref<80x125xi32, #tpu.memory_space<vmem>> -> memref<1x125xi32, #tpu.memory_space<vmem>>
      %dma_start3A_191 = tpu.memref_squeeze %dma_start3A_190 : memref<1x125xi32, #tpu.memory_space<vmem>> -> memref<125xi32, #tpu.memory_space<vmem>>
      %dma_start3A_192 = arith.constant 0 : i32
      %dma_start3A_193 = arith.constant 0 : i32
      %dma_start3A_194 = tpu.memref_slice %arg2[%dma_start3A_192, %dma_start3A_193] : memref<10112x64xf32, #tpu.memory_space<hbm>> -> memref<10112x64xf32, #tpu.memory_space<hbm>>
      tpu.enqueue_indirect_dma source(%dma_start3A_194 : memref<10112x64xf32, #tpu.memory_space<hbm>>) target(%arg15 : memref<125x64xf32, #tpu.memory_space<vmem>>) offsets(%dma_start3A_191 : memref<125xi32, #tpu.memory_space<vmem>>) semaphore(%arg19 : memref<!tpu.dma_semaphore, #tpu.memory_space<semaphore_mem>>)
      %add3A_195 = arith.constant 2 : i32
      %add3A_196 = arith.addi %mul3A_173, %add3A_195 : i32
      %dma_start3A_197 = arith.constant 0 : i32
      %dma_start3A_198 = tpu.memref_slice %arg8[%add3A_196, %dma_start3A_197] : memref<80x125xi32, #tpu.memory_space<vmem>> -> memref<1x125xi32, #tpu.memory_space<vmem>>
      %dma_start3A_199 = tpu.memref_squeeze %dma_start3A_198 : memref<1x125xi32, #tpu.memory_space<vmem>> -> memref<125xi32, #tpu.memory_space<vmem>>
      %dma_start3A_200 = arith.constant 0 : i32
      %dma_start3A_201 = arith.constant 0 : i32
      %dma_start3A_202 = tpu.memref_slice %arg2[%dma_start3A_200, %dma_start3A_201] : memref<10112x64xf32, #tpu.memory_space<hbm>> -> memref<10112x64xf32, #tpu.memory_space<hbm>>
      tpu.enqueue_indirect_dma source(%dma_start3A_202 : memref<10112x64xf32, #tpu.memory_space<hbm>>) target(%arg16 : memref<125x64xf32, #tpu.memory_space<vmem>>) offsets(%dma_start3A_199 : memref<125xi32, #tpu.memory_space<vmem>>) semaphore(%arg20 : memref<!tpu.dma_semaphore, #tpu.memory_space<semaphore_mem>>)
      %add3A_203 = arith.constant 3 : i32
      %add3A_204 = arith.addi %mul3A_173, %add3A_203 : i32
      %dma_start3A_205 = arith.constant 0 : i32
      %dma_start3A_206 = tpu.memref_slice %arg8[%add3A_204, %dma_start3A_205] : memref<80x125xi32, #tpu.memory_space<vmem>> -> memref<1x125xi32, #tpu.memory_space<vmem>>
      %dma_start3A_207 = tpu.memref_squeeze %dma_start3A_206 : memref<1x125xi32, #tpu.memory_space<vmem>> -> memref<125xi32, #tpu.memory_space<vmem>>
      %dma_start3A_208 = arith.constant 0 : i32
      %dma_start3A_209 = arith.constant 0 : i32
      %dma_start3A_210 = tpu.memref_slice %arg2[%dma_start3A_208, %dma_start3A_209] : memref<10112x64xf32, #tpu.memory_space<hbm>> -> memref<10112x64xf32, #tpu.memory_space<hbm>>
      tpu.enqueue_indirect_dma source(%dma_start3A_210 : memref<10112x64xf32, #tpu.memory_space<hbm>>) target(%arg17 : memref<125x64xf32, #tpu.memory_space<vmem>>) offsets(%dma_start3A_207 : memref<125xi32, #tpu.memory_space<vmem>>) semaphore(%arg21 : memref<!tpu.dma_semaphore, #tpu.memory_space<semaphore_mem>>)
      %dma_wait3A_211 = arith.constant 0 : i32
      %dma_wait3A_212 = tpu.memref_slice %arg8[%add3A_180, %dma_wait3A_211] : memref<80x125xi32, #tpu.memory_space<vmem>> -> memref<1x125xi32, #tpu.memory_space<vmem>>
      %dma_wait3A_213 = tpu.memref_squeeze %dma_wait3A_212 : memref<1x125xi32, #tpu.memory_space<vmem>> -> memref<125xi32, #tpu.memory_space<vmem>>
      %dma_wait3A_214 = arith.constant 0 : i32
      %dma_wait3A_215 = arith.constant 0 : i32
      %dma_wait3A_216 = tpu.memref_slice %arg2[%dma_wait3A_214, %dma_wait3A_215] : memref<10112x64xf32, #tpu.memory_space<hbm>> -> memref<10112x64xf32, #tpu.memory_space<hbm>>
      tpu.wait_indirect_dma semaphore(%arg18 : memref<!tpu.dma_semaphore, #tpu.memory_space<semaphore_mem>>) src(%dma_wait3A_216 : memref<10112x64xf32, #tpu.memory_space<hbm>>) dst(%arg14 : memref<125x64xf32, #tpu.memory_space<vmem>>)
      %add3A_217 = arith.constant 0 : i32
      %add3A_218 = arith.addi %mul3A_173, %add3A_217 : i32
      %dma_start3A_219 = arith.constant 0 : i32
      %dma_start3A_220 = tpu.memref_slice %arg9[%add3A_218, %dma_start3A_219] : memref<80x125xi32, #tpu.memory_space<vmem>> -> memref<1x125xi32, #tpu.memory_space<vmem>>
      %dma_start3A_221 = tpu.memref_squeeze %dma_start3A_220 : memref<1x125xi32, #tpu.memory_space<vmem>> -> memref<125xi32, #tpu.memory_space<vmem>>
      %dma_start3A_222 = arith.constant 0 : i32
      %dma_start3A_223 = arith.constant 0 : i32
      %dma_start3A_224 = tpu.memref_slice %arg7[%dma_start3A_222, %dma_start3A_223] : memref<10112x64xf32, #tpu.memory_space<vmem_shared>> -> memref<10112x64xf32, #tpu.memory_space<vmem_shared>>
      tpu.enqueue_indirect_dma source(%arg14 : memref<125x64xf32, #tpu.memory_space<vmem>>) target(%dma_start3A_224 : memref<10112x64xf32, #tpu.memory_space<vmem_shared>>) offsets(%dma_start3A_221 : memref<125xi32, #tpu.memory_space<vmem>>) semaphore(%arg26 : memref<!tpu.dma_semaphore, #tpu.memory_space<semaphore_mem>>) {add = true}
      %dma_wait3A_225 = arith.constant 0 : i32
      %dma_wait3A_226 = tpu.memref_slice %arg8[%add3A_188, %dma_wait3A_225] : memref<80x125xi32, #tpu.memory_space<vmem>> -> memref<1x125xi32, #tpu.memory_space<vmem>>
      %dma_wait3A_227 = tpu.memref_squeeze %dma_wait3A_226 : memref<1x125xi32, #tpu.memory_space<vmem>> -> memref<125xi32, #tpu.memory_space<vmem>>
      %dma_wait3A_228 = arith.constant 0 : i32
      %dma_wait3A_229 = arith.constant 0 : i32
      %dma_wait3A_230 = tpu.memref_slice %arg2[%dma_wait3A_228, %dma_wait3A_229] : memref<10112x64xf32, #tpu.memory_space<hbm>> -> memref<10112x64xf32, #tpu.memory_space<hbm>>
      tpu.wait_indirect_dma semaphore(%arg19 : memref<!tpu.dma_semaphore, #tpu.memory_space<semaphore_mem>>) src(%dma_wait3A_230 : memref<10112x64xf32, #tpu.memory_space<hbm>>) dst(%arg15 : memref<125x64xf32, #tpu.memory_space<vmem>>)
      %add3A_231 = arith.constant 1 : i32
      %add3A_232 = arith.addi %mul3A_173, %add3A_231 : i32
      %dma_start3A_233 = arith.constant 0 : i32
      %dma_start3A_234 = tpu.memref_slice %arg9[%add3A_232, %dma_start3A_233] : memref<80x125xi32, #tpu.memory_space<vmem>> -> memref<1x125xi32, #tpu.memory_space<vmem>>
      %dma_start3A_235 = tpu.memref_squeeze %dma_start3A_234 : memref<1x125xi32, #tpu.memory_space<vmem>> -> memref<125xi32, #tpu.memory_space<vmem>>
      %dma_start3A_236 = arith.constant 0 : i32
      %dma_start3A_237 = arith.constant 0 : i32
      %dma_start3A_238 = tpu.memref_slice %arg7[%dma_start3A_236, %dma_start3A_237] : memref<10112x64xf32, #tpu.memory_space<vmem_shared>> -> memref<10112x64xf32, #tpu.memory_space<vmem_shared>>
      tpu.enqueue_indirect_dma source(%arg15 : memref<125x64xf32, #tpu.memory_space<vmem>>) target(%dma_start3A_238 : memref<10112x64xf32, #tpu.memory_space<vmem_shared>>) offsets(%dma_start3A_235 : memref<125xi32, #tpu.memory_space<vmem>>) semaphore(%arg27 : memref<!tpu.dma_semaphore, #tpu.memory_space<semaphore_mem>>) {add = true}
      %dma_wait3A_239 = arith.constant 0 : i32
      %dma_wait3A_240 = tpu.memref_slice %arg8[%add3A_196, %dma_wait3A_239] : memref<80x125xi32, #tpu.memory_space<vmem>> -> memref<1x125xi32, #tpu.memory_space<vmem>>
      %dma_wait3A_241 = tpu.memref_squeeze %dma_wait3A_240 : memref<1x125xi32, #tpu.memory_space<vmem>> -> memref<125xi32, #tpu.memory_space<vmem>>
      %dma_wait3A_242 = arith.constant 0 : i32
      %dma_wait3A_243 = arith.constant 0 : i32
      %dma_wait3A_244 = tpu.memref_slice %arg2[%dma_wait3A_242, %dma_wait3A_243] : memref<10112x64xf32, #tpu.memory_space<hbm>> -> memref<10112x64xf32, #tpu.memory_space<hbm>>
      tpu.wait_indirect_dma semaphore(%arg20 : memref<!tpu.dma_semaphore, #tpu.memory_space<semaphore_mem>>) src(%dma_wait3A_244 : memref<10112x64xf32, #tpu.memory_space<hbm>>) dst(%arg16 : memref<125x64xf32, #tpu.memory_space<vmem>>)
      %add3A_245 = arith.constant 2 : i32
      %add3A_246 = arith.addi %mul3A_173, %add3A_245 : i32
      %dma_start3A_247 = arith.constant 0 : i32
      %dma_start3A_248 = tpu.memref_slice %arg9[%add3A_246, %dma_start3A_247] : memref<80x125xi32, #tpu.memory_space<vmem>> -> memref<1x125xi32, #tpu.memory_space<vmem>>
      %dma_start3A_249 = tpu.memref_squeeze %dma_start3A_248 : memref<1x125xi32, #tpu.memory_space<vmem>> -> memref<125xi32, #tpu.memory_space<vmem>>
      %dma_start3A_250 = arith.constant 0 : i32
      %dma_start3A_251 = arith.constant 0 : i32
      %dma_start3A_252 = tpu.memref_slice %arg7[%dma_start3A_250, %dma_start3A_251] : memref<10112x64xf32, #tpu.memory_space<vmem_shared>> -> memref<10112x64xf32, #tpu.memory_space<vmem_shared>>
      tpu.enqueue_indirect_dma source(%arg16 : memref<125x64xf32, #tpu.memory_space<vmem>>) target(%dma_start3A_252 : memref<10112x64xf32, #tpu.memory_space<vmem_shared>>) offsets(%dma_start3A_249 : memref<125xi32, #tpu.memory_space<vmem>>) semaphore(%arg28 : memref<!tpu.dma_semaphore, #tpu.memory_space<semaphore_mem>>) {add = true}
      %dma_wait3A_253 = arith.constant 0 : i32
      %dma_wait3A_254 = tpu.memref_slice %arg8[%add3A_204, %dma_wait3A_253] : memref<80x125xi32, #tpu.memory_space<vmem>> -> memref<1x125xi32, #tpu.memory_space<vmem>>
      %dma_wait3A_255 = tpu.memref_squeeze %dma_wait3A_254 : memref<1x125xi32, #tpu.memory_space<vmem>> -> memref<125xi32, #tpu.memory_space<vmem>>
      %dma_wait3A_256 = arith.constant 0 : i32
      %dma_wait3A_257 = arith.constant 0 : i32
      %dma_wait3A_258 = tpu.memref_slice %arg2[%dma_wait3A_256, %dma_wait3A_257] : memref<10112x64xf32, #tpu.memory_space<hbm>> -> memref<10112x64xf32, #tpu.memory_space<hbm>>
      tpu.wait_indirect_dma semaphore(%arg21 : memref<!tpu.dma_semaphore, #tpu.memory_space<semaphore_mem>>) src(%dma_wait3A_258 : memref<10112x64xf32, #tpu.memory_space<hbm>>) dst(%arg17 : memref<125x64xf32, #tpu.memory_space<vmem>>)
      %add3A_259 = arith.constant 3 : i32
      %add3A_260 = arith.addi %mul3A_173, %add3A_259 : i32
      %dma_start3A_261 = arith.constant 0 : i32
      %dma_start3A_262 = tpu.memref_slice %arg9[%add3A_260, %dma_start3A_261] : memref<80x125xi32, #tpu.memory_space<vmem>> -> memref<1x125xi32, #tpu.memory_space<vmem>>
      %dma_start3A_263 = tpu.memref_squeeze %dma_start3A_262 : memref<1x125xi32, #tpu.memory_space<vmem>> -> memref<125xi32, #tpu.memory_space<vmem>>
      %dma_start3A_264 = arith.constant 0 : i32
      %dma_start3A_265 = arith.constant 0 : i32
      %dma_start3A_266 = tpu.memref_slice %arg7[%dma_start3A_264, %dma_start3A_265] : memref<10112x64xf32, #tpu.memory_space<vmem_shared>> -> memref<10112x64xf32, #tpu.memory_space<vmem_shared>>
      tpu.enqueue_indirect_dma source(%arg17 : memref<125x64xf32, #tpu.memory_space<vmem>>) target(%dma_start3A_266 : memref<10112x64xf32, #tpu.memory_space<vmem_shared>>) offsets(%dma_start3A_263 : memref<125xi32, #tpu.memory_space<vmem>>) semaphore(%arg29 : memref<!tpu.dma_semaphore, #tpu.memory_space<semaphore_mem>>) {add = true}
      %scan3A_267 = arith.constant 0 : i32
      scf.yield %scan3A_267 : i32
    }
    %scan3A_12 = arith.constant 10 : i32
    %dma_wait3A = arith.constant 0 : i32
    %dma_wait3A_13 = arith.constant 0 : i32
    %dma_wait3A_14 = tpu.memref_slice %arg9[%dma_wait3A, %dma_wait3A_13] : memref<80x125xi32, #tpu.memory_space<vmem>> -> memref<1x125xi32, #tpu.memory_space<vmem>>
    %dma_wait3A_15 = tpu.memref_squeeze %dma_wait3A_14 : memref<1x125xi32, #tpu.memory_space<vmem>> -> memref<125xi32, #tpu.memory_space<vmem>>
    %dma_wait3A_16 = arith.constant 0 : i32
    %dma_wait3A_17 = arith.constant 0 : i32
    %dma_wait3A_18 = tpu.memref_slice %arg7[%dma_wait3A_16, %dma_wait3A_17] : memref<10112x64xf32, #tpu.memory_space<vmem_shared>> -> memref<10112x64xf32, #tpu.memory_space<vmem_shared>>
    tpu.wait_indirect_dma semaphore(%arg22 : memref<!tpu.dma_semaphore, #tpu.memory_space<semaphore_mem>>) src(%arg10 : memref<125x64xf32, #tpu.memory_space<vmem>>) dst(%dma_wait3A_18 : memref<10112x64xf32, #tpu.memory_space<vmem_shared>>)
    %dma_wait3A_19 = arith.constant 0 : i32
    %dma_wait3A_20 = arith.constant 0 : i32
    %dma_wait3A_21 = tpu.memref_slice %arg9[%dma_wait3A_19, %dma_wait3A_20] : memref<80x125xi32, #tpu.memory_space<vmem>> -> memref<1x125xi32, #tpu.memory_space<vmem>>
    %dma_wait3A_22 = tpu.memref_squeeze %dma_wait3A_21 : memref<1x125xi32, #tpu.memory_space<vmem>> -> memref<125xi32, #tpu.memory_space<vmem>>
    %dma_wait3A_23 = arith.constant 0 : i32
    %dma_wait3A_24 = arith.constant 0 : i32
    %dma_wait3A_25 = tpu.memref_slice %arg7[%dma_wait3A_23, %dma_wait3A_24] : memref<10112x64xf32, #tpu.memory_space<vmem_shared>> -> memref<10112x64xf32, #tpu.memory_space<vmem_shared>>
    tpu.wait_indirect_dma semaphore(%arg23 : memref<!tpu.dma_semaphore, #tpu.memory_space<semaphore_mem>>) src(%arg11 : memref<125x64xf32, #tpu.memory_space<vmem>>) dst(%dma_wait3A_25 : memref<10112x64xf32, #tpu.memory_space<vmem_shared>>)
    %dma_wait3A_26 = arith.constant 0 : i32
    %dma_wait3A_27 = arith.constant 0 : i32
    %dma_wait3A_28 = tpu.memref_slice %arg9[%dma_wait3A_26, %dma_wait3A_27] : memref<80x125xi32, #tpu.memory_space<vmem>> -> memref<1x125xi32, #tpu.memory_space<vmem>>
    %dma_wait3A_29 = tpu.memref_squeeze %dma_wait3A_28 : memref<1x125xi32, #tpu.memory_space<vmem>> -> memref<125xi32, #tpu.memory_space<vmem>>
    %dma_wait3A_30 = arith.constant 0 : i32
    %dma_wait3A_31 = arith.constant 0 : i32
    %dma_wait3A_32 = tpu.memref_slice %arg7[%dma_wait3A_30, %dma_wait3A_31] : memref<10112x64xf32, #tpu.memory_space<vmem_shared>> -> memref<10112x64xf32, #tpu.memory_space<vmem_shared>>
    tpu.wait_indirect_dma semaphore(%arg24 : memref<!tpu.dma_semaphore, #tpu.memory_space<semaphore_mem>>) src(%arg12 : memref<125x64xf32, #tpu.memory_space<vmem>>) dst(%dma_wait3A_32 : memref<10112x64xf32, #tpu.memory_space<vmem_shared>>)
    %dma_wait3A_33 = arith.constant 0 : i32
    %dma_wait3A_34 = arith.constant 0 : i32
    %dma_wait3A_35 = tpu.memref_slice %arg9[%dma_wait3A_33, %dma_wait3A_34] : memref<80x125xi32, #tpu.memory_space<vmem>> -> memref<1x125xi32, #tpu.memory_space<vmem>>
    %dma_wait3A_36 = tpu.memref_squeeze %dma_wait3A_35 : memref<1x125xi32, #tpu.memory_space<vmem>> -> memref<125xi32, #tpu.memory_space<vmem>>
    %dma_wait3A_37 = arith.constant 0 : i32
    %dma_wait3A_38 = arith.constant 0 : i32
    %dma_wait3A_39 = tpu.memref_slice %arg7[%dma_wait3A_37, %dma_wait3A_38] : memref<10112x64xf32, #tpu.memory_space<vmem_shared>> -> memref<10112x64xf32, #tpu.memory_space<vmem_shared>>
    tpu.wait_indirect_dma semaphore(%arg25 : memref<!tpu.dma_semaphore, #tpu.memory_space<semaphore_mem>>) src(%arg13 : memref<125x64xf32, #tpu.memory_space<vmem>>) dst(%dma_wait3A_39 : memref<10112x64xf32, #tpu.memory_space<vmem_shared>>)
    %dma_wait3A_40 = arith.constant 0 : i32
    %dma_wait3A_41 = arith.constant 0 : i32
    %dma_wait3A_42 = tpu.memref_slice %arg9[%dma_wait3A_40, %dma_wait3A_41] : memref<80x125xi32, #tpu.memory_space<vmem>> -> memref<1x125xi32, #tpu.memory_space<vmem>>
    %dma_wait3A_43 = tpu.memref_squeeze %dma_wait3A_42 : memref<1x125xi32, #tpu.memory_space<vmem>> -> memref<125xi32, #tpu.memory_space<vmem>>
    %dma_wait3A_44 = arith.constant 0 : i32
    %dma_wait3A_45 = arith.constant 0 : i32
    %dma_wait3A_46 = tpu.memref_slice %arg7[%dma_wait3A_44, %dma_wait3A_45] : memref<10112x64xf32, #tpu.memory_space<vmem_shared>> -> memref<10112x64xf32, #tpu.memory_space<vmem_shared>>
    tpu.wait_indirect_dma semaphore(%arg26 : memref<!tpu.dma_semaphore, #tpu.memory_space<semaphore_mem>>) src(%arg14 : memref<125x64xf32, #tpu.memory_space<vmem>>) dst(%dma_wait3A_46 : memref<10112x64xf32, #tpu.memory_space<vmem_shared>>)
    %dma_wait3A_47 = arith.constant 0 : i32
    %dma_wait3A_48 = arith.constant 0 : i32
    %dma_wait3A_49 = tpu.memref_slice %arg9[%dma_wait3A_47, %dma_wait3A_48] : memref<80x125xi32, #tpu.memory_space<vmem>> -> memref<1x125xi32, #tpu.memory_space<vmem>>
    %dma_wait3A_50 = tpu.memref_squeeze %dma_wait3A_49 : memref<1x125xi32, #tpu.memory_space<vmem>> -> memref<125xi32, #tpu.memory_space<vmem>>
    %dma_wait3A_51 = arith.constant 0 : i32
    %dma_wait3A_52 = arith.constant 0 : i32
    %dma_wait3A_53 = tpu.memref_slice %arg7[%dma_wait3A_51, %dma_wait3A_52] : memref<10112x64xf32, #tpu.memory_space<vmem_shared>> -> memref<10112x64xf32, #tpu.memory_space<vmem_shared>>
    tpu.wait_indirect_dma semaphore(%arg27 : memref<!tpu.dma_semaphore, #tpu.memory_space<semaphore_mem>>) src(%arg15 : memref<125x64xf32, #tpu.memory_space<vmem>>) dst(%dma_wait3A_53 : memref<10112x64xf32, #tpu.memory_space<vmem_shared>>)
    %dma_wait3A_54 = arith.constant 0 : i32
    %dma_wait3A_55 = arith.constant 0 : i32
    %dma_wait3A_56 = tpu.memref_slice %arg9[%dma_wait3A_54, %dma_wait3A_55] : memref<80x125xi32, #tpu.memory_space<vmem>> -> memref<1x125xi32, #tpu.memory_space<vmem>>
    %dma_wait3A_57 = tpu.memref_squeeze %dma_wait3A_56 : memref<1x125xi32, #tpu.memory_space<vmem>> -> memref<125xi32, #tpu.memory_space<vmem>>
    %dma_wait3A_58 = arith.constant 0 : i32
    %dma_wait3A_59 = arith.constant 0 : i32
    %dma_wait3A_60 = tpu.memref_slice %arg7[%dma_wait3A_58, %dma_wait3A_59] : memref<10112x64xf32, #tpu.memory_space<vmem_shared>> -> memref<10112x64xf32, #tpu.memory_space<vmem_shared>>
    tpu.wait_indirect_dma semaphore(%arg28 : memref<!tpu.dma_semaphore, #tpu.memory_space<semaphore_mem>>) src(%arg16 : memref<125x64xf32, #tpu.memory_space<vmem>>) dst(%dma_wait3A_60 : memref<10112x64xf32, #tpu.memory_space<vmem_shared>>)
    %dma_wait3A_61 = arith.constant 0 : i32
    %dma_wait3A_62 = arith.constant 0 : i32
    %dma_wait3A_63 = tpu.memref_slice %arg9[%dma_wait3A_61, %dma_wait3A_62] : memref<80x125xi32, #tpu.memory_space<vmem>> -> memref<1x125xi32, #tpu.memory_space<vmem>>
    %dma_wait3A_64 = tpu.memref_squeeze %dma_wait3A_63 : memref<1x125xi32, #tpu.memory_space<vmem>> -> memref<125xi32, #tpu.memory_space<vmem>>
    %dma_wait3A_65 = arith.constant 0 : i32
    %dma_wait3A_66 = arith.constant 0 : i32
    %dma_wait3A_67 = tpu.memref_slice %arg7[%dma_wait3A_65, %dma_wait3A_66] : memref<10112x64xf32, #tpu.memory_space<vmem_shared>> -> memref<10112x64xf32, #tpu.memory_space<vmem_shared>>
    tpu.wait_indirect_dma semaphore(%arg29 : memref<!tpu.dma_semaphore, #tpu.memory_space<semaphore_mem>>) src(%arg17 : memref<125x64xf32, #tpu.memory_space<vmem>>) dst(%dma_wait3A_67 : memref<10112x64xf32, #tpu.memory_space<vmem_shared>>)
    %barrier3A_68 = arith.constant 0 : index
    tpu.barrier barrier_id(%barrier3A_68)
    %mul3A_69 = arith.constant 64 : i32
    %mul3A_70 = arith.muli %arg0, %mul3A_69 : i32
    "tpu.region"() ({
      %run_scoped3A = tpu.sem_alloc : memref<!tpu.dma_semaphore, #tpu.memory_space<semaphore_mem>>
      %dma_start3A = tpu.memref_slice %arg6[%mul3A_2, %mul3A_70] : memref<10112x128xf32, #tpu.memory_space<hbm>> -> memref<632x64xf32, #tpu.memory_space<hbm>>
      %dma_start3A_71 = arith.constant 0 : i32
      %dma_start3A_72 = tpu.memref_slice %arg7[%mul3A_2, %dma_start3A_71] : memref<10112x64xf32, #tpu.memory_space<vmem_shared>> -> memref<632x64xf32, #tpu.memory_space<vmem_shared>>
      tpu.enqueue_dma source(%dma_start3A_72 : memref<632x64xf32, #tpu.memory_space<vmem_shared>>) target(%dma_start3A : memref<632x64xf32, #tpu.memory_space<hbm>>) target_semaphore(%run_scoped3A : memref<!tpu.dma_semaphore, #tpu.memory_space<semaphore_mem>>)
      %dma_wait3A_73 = tpu.memref_slice %arg6[%mul3A_2, %mul3A_70] : memref<10112x128xf32, #tpu.memory_space<hbm>> -> memref<632x64xf32, #tpu.memory_space<hbm>>
      %dma_wait3A_74 = arith.constant 0 : i32
      %dma_wait3A_75 = tpu.memref_slice %arg7[%mul3A_2, %dma_wait3A_74] : memref<10112x64xf32, #tpu.memory_space<vmem_shared>> -> memref<632x64xf32, #tpu.memory_space<vmem_shared>>
      tpu.wait_dma2 semaphore(%run_scoped3A : memref<!tpu.dma_semaphore, #tpu.memory_space<semaphore_mem>>) src(%dma_wait3A_75 : memref<632x64xf32, #tpu.memory_space<vmem_shared>>) dst(%dma_wait3A_73 : memref<632x64xf32, #tpu.memory_space<hbm>>)
      tpu.yield
    }) : () -> ()
    return
  }
}

#map = affine_map<(d0, d1) -> (0, 0)>
module attributes {stable_mosaic.version = 14 : i64} {
  func.func @_deg_body(%arg0: i32, %arg1: i32, %arg2: memref<2560x125xi32, #tpu.memory_space<hbm>>, %arg3: memref<125x8xf32, #tpu.memory_space<hbm>>, %arg4: memref<10112x8xf32, #tpu.memory_space<hbm>>, %arg5: memref<10112x128xf32, #tpu.memory_space<hbm>>, %arg6: memref<10112x8xf32, #tpu.memory_space<vmem_shared>>, %arg7: memref<80x125xi32, #tpu.memory_space<vmem>>, %arg8: memref<125x8xf32, #tpu.memory_space<vmem>>, %arg9: memref<!tpu.dma_semaphore, #tpu.memory_space<semaphore_mem>>, %arg10: memref<!tpu.dma_semaphore, #tpu.memory_space<semaphore_mem>>, %arg11: memref<!tpu.dma_semaphore, #tpu.memory_space<semaphore_mem>>, %arg12: memref<!tpu.dma_semaphore, #tpu.memory_space<semaphore_mem>>, %arg13: memref<!tpu.dma_semaphore, #tpu.memory_space<semaphore_mem>>, %arg14: memref<!tpu.dma_semaphore, #tpu.memory_space<semaphore_mem>>, %arg15: memref<!tpu.dma_semaphore, #tpu.memory_space<semaphore_mem>>, %arg16: memref<!tpu.dma_semaphore, #tpu.memory_space<semaphore_mem>>) attributes {dimension_semantics = [#tpu.dimension_semantics<core_parallel>, #tpu.dimension_semantics<subcore_parallel>], iteration_bounds = array<i64: 2, 16>, scalar_prefetch = 0 : i64, scratch_operands = 11 : i64, tpu.core_type = #tpu.core_type<sc_vector_subcore>, window_params = [{transform_indices = #map}, {transform_indices = #map}, {transform_indices = #map}, {transform_indices = #map}]} {
    %mul3A = arith.constant 2 : i32
    %mul3A_0 = arith.muli %arg1, %mul3A : i32
    %add3A = arith.addi %mul3A_0, %arg0 : i32
    %mul3A_1 = arith.constant 632 : i32
    %mul3A_2 = arith.muli %arg1, %mul3A_1 : i32
    "tpu.region"() ({
      %run_scoped3A = tpu.sem_alloc : memref<!tpu.dma_semaphore, #tpu.memory_space<semaphore_mem>>
      %dma_start3A = arith.constant 0 : i32
      %dma_start3A_69 = tpu.memref_slice %arg6[%mul3A_2, %dma_start3A] : memref<10112x8xf32, #tpu.memory_space<vmem_shared>> -> memref<632x8xf32, #tpu.memory_space<vmem_shared>>
      %dma_start3A_70 = arith.constant 0 : i32
      %dma_start3A_71 = tpu.memref_slice %arg4[%mul3A_2, %dma_start3A_70] : memref<10112x8xf32, #tpu.memory_space<hbm>> -> memref<632x8xf32, #tpu.memory_space<hbm>>
      tpu.enqueue_dma source(%dma_start3A_71 : memref<632x8xf32, #tpu.memory_space<hbm>>) target(%dma_start3A_69 : memref<632x8xf32, #tpu.memory_space<vmem_shared>>) target_semaphore(%run_scoped3A : memref<!tpu.dma_semaphore, #tpu.memory_space<semaphore_mem>>)
      %dma_wait3A_72 = arith.constant 0 : i32
      %dma_wait3A_73 = tpu.memref_slice %arg6[%mul3A_2, %dma_wait3A_72] : memref<10112x8xf32, #tpu.memory_space<vmem_shared>> -> memref<632x8xf32, #tpu.memory_space<vmem_shared>>
      %dma_wait3A_74 = arith.constant 0 : i32
      %dma_wait3A_75 = tpu.memref_slice %arg4[%mul3A_2, %dma_wait3A_74] : memref<10112x8xf32, #tpu.memory_space<hbm>> -> memref<632x8xf32, #tpu.memory_space<hbm>>
      tpu.wait_dma2 semaphore(%run_scoped3A : memref<!tpu.dma_semaphore, #tpu.memory_space<semaphore_mem>>) src(%dma_wait3A_75 : memref<632x8xf32, #tpu.memory_space<hbm>>) dst(%dma_wait3A_73 : memref<632x8xf32, #tpu.memory_space<vmem_shared>>)
      tpu.yield
    }) : () -> ()
    "tpu.region"() ({
      %run_scoped3A = tpu.sem_alloc : memref<!tpu.dma_semaphore, #tpu.memory_space<semaphore_mem>>
      tpu.enqueue_dma source(%arg3 : memref<125x8xf32, #tpu.memory_space<hbm>>) target(%arg8 : memref<125x8xf32, #tpu.memory_space<vmem>>) target_semaphore(%run_scoped3A : memref<!tpu.dma_semaphore, #tpu.memory_space<semaphore_mem>>)
      tpu.wait_dma2 semaphore(%run_scoped3A : memref<!tpu.dma_semaphore, #tpu.memory_space<semaphore_mem>>) src(%arg3 : memref<125x8xf32, #tpu.memory_space<hbm>>) dst(%arg8 : memref<125x8xf32, #tpu.memory_space<vmem>>)
      tpu.yield
    }) : () -> ()
    %mul3A_3 = arith.constant 80 : i32
    %mul3A_4 = arith.muli %add3A, %mul3A_3 : i32
    "tpu.region"() ({
      %run_scoped3A = tpu.sem_alloc : memref<!tpu.dma_semaphore, #tpu.memory_space<semaphore_mem>>
      %dma_start3A = arith.constant 0 : i32
      %dma_start3A_69 = tpu.memref_slice %arg2[%mul3A_4, %dma_start3A] : memref<2560x125xi32, #tpu.memory_space<hbm>> -> memref<80x125xi32, #tpu.memory_space<hbm>>
      %dma_start3A_70 = arith.constant 0 : i32
      %dma_start3A_71 = tpu.memref_slice %arg2[%mul3A_4, %dma_start3A_70] : memref<2560x125xi32, #tpu.memory_space<hbm>> -> memref<80x125xi32, #tpu.memory_space<hbm>>
      tpu.enqueue_dma source(%dma_start3A_71 : memref<80x125xi32, #tpu.memory_space<hbm>>) target(%arg7 : memref<80x125xi32, #tpu.memory_space<vmem>>) target_semaphore(%run_scoped3A : memref<!tpu.dma_semaphore, #tpu.memory_space<semaphore_mem>>)
      %dma_wait3A_72 = arith.constant 0 : i32
      %dma_wait3A_73 = tpu.memref_slice %arg2[%mul3A_4, %dma_wait3A_72] : memref<2560x125xi32, #tpu.memory_space<hbm>> -> memref<80x125xi32, #tpu.memory_space<hbm>>
      %dma_wait3A_74 = arith.constant 0 : i32
      %dma_wait3A_75 = tpu.memref_slice %arg2[%mul3A_4, %dma_wait3A_74] : memref<2560x125xi32, #tpu.memory_space<hbm>> -> memref<80x125xi32, #tpu.memory_space<hbm>>
      tpu.wait_dma2 semaphore(%run_scoped3A : memref<!tpu.dma_semaphore, #tpu.memory_space<semaphore_mem>>) src(%dma_wait3A_75 : memref<80x125xi32, #tpu.memory_space<hbm>>) dst(%arg7 : memref<80x125xi32, #tpu.memory_space<vmem>>)
      tpu.yield
    }) : () -> ()
    %barrier3A = arith.constant 0 : index
    tpu.barrier barrier_id(%barrier3A)
    %scan3A = arith.constant 0 : i32
    %scan3A_5 = arith.constant 0 : i32
    %scan3A_6 = arith.constant 10 : i32
    %scan3A_7 = arith.addi %scan3A_5, %scan3A_6 : i32
    %scan3A_8 = arith.constant 1 : i32
    %scan3A_9 = scf.for %scan3A_69 = %scan3A_5 to %scan3A_7 step %scan3A_8 iter_args(%scan3A_70 = %scan3A) -> (i32)  : i32 {
      %gt3A = arith.constant 0 : i32
      %gt3A_71 = arith.cmpi sgt, %scan3A_69, %gt3A : i32
      %convert_element_type3A = arith.extui %gt3A_71 : i1 to i32
      %cond3A = arith.constant 0 : i32
      %cond3A_72 = arith.cmpi ne, %convert_element_type3A, %cond3A : i32
      scf.if %cond3A_72 {
        %dma_wait3A_188 = arith.constant 0 : i32
        %dma_wait3A_189 = arith.constant 0 : i32
        %dma_wait3A_190 = tpu.memref_slice %arg7[%dma_wait3A_188, %dma_wait3A_189] : memref<80x125xi32, #tpu.memory_space<vmem>> -> memref<1x125xi32, #tpu.memory_space<vmem>>
        %dma_wait3A_191 = tpu.memref_squeeze %dma_wait3A_190 : memref<1x125xi32, #tpu.memory_space<vmem>> -> memref<125xi32, #tpu.memory_space<vmem>>
        %dma_wait3A_192 = arith.constant 0 : i32
        %dma_wait3A_193 = arith.constant 0 : i32
        %dma_wait3A_194 = tpu.memref_slice %arg6[%dma_wait3A_192, %dma_wait3A_193] : memref<10112x8xf32, #tpu.memory_space<vmem_shared>> -> memref<10112x8xf32, #tpu.memory_space<vmem_shared>>
        tpu.wait_indirect_dma semaphore(%arg9 : memref<!tpu.dma_semaphore, #tpu.memory_space<semaphore_mem>>) src(%arg8 : memref<125x8xf32, #tpu.memory_space<vmem>>) dst(%dma_wait3A_194 : memref<10112x8xf32, #tpu.memory_space<vmem_shared>>)
      } else {
      }
      %mul3A_73 = arith.constant 8 : i32
      %mul3A_74 = arith.muli %scan3A_69, %mul3A_73 : i32
      %add3A_75 = arith.constant 0 : i32
      %add3A_76 = arith.addi %mul3A_74, %add3A_75 : i32
      %dma_start3A = arith.constant 0 : i32
      %dma_start3A_77 = tpu.memref_slice %arg7[%add3A_76, %dma_start3A] : memref<80x125xi32, #tpu.memory_space<vmem>> -> memref<1x125xi32, #tpu.memory_space<vmem>>
      %dma_start3A_78 = tpu.memref_squeeze %dma_start3A_77 : memref<1x125xi32, #tpu.memory_space<vmem>> -> memref<125xi32, #tpu.memory_space<vmem>>
      %dma_start3A_79 = arith.constant 0 : i32
      %dma_start3A_80 = arith.constant 0 : i32
      %dma_start3A_81 = tpu.memref_slice %arg6[%dma_start3A_79, %dma_start3A_80] : memref<10112x8xf32, #tpu.memory_space<vmem_shared>> -> memref<10112x8xf32, #tpu.memory_space<vmem_shared>>
      tpu.enqueue_indirect_dma source(%arg8 : memref<125x8xf32, #tpu.memory_space<vmem>>) target(%dma_start3A_81 : memref<10112x8xf32, #tpu.memory_space<vmem_shared>>) offsets(%dma_start3A_78 : memref<125xi32, #tpu.memory_space<vmem>>) semaphore(%arg9 : memref<!tpu.dma_semaphore, #tpu.memory_space<semaphore_mem>>) {add = true}
      %gt3A_82 = arith.constant 0 : i32
      %gt3A_83 = arith.cmpi sgt, %scan3A_69, %gt3A_82 : i32
      %convert_element_type3A_84 = arith.extui %gt3A_83 : i1 to i32
      %cond3A_85 = arith.constant 0 : i32
      %cond3A_86 = arith.cmpi ne, %convert_element_type3A_84, %cond3A_85 : i32
      scf.if %cond3A_86 {
        %dma_wait3A_188 = arith.constant 0 : i32
        %dma_wait3A_189 = arith.constant 0 : i32
        %dma_wait3A_190 = tpu.memref_slice %arg7[%dma_wait3A_188, %dma_wait3A_189] : memref<80x125xi32, #tpu.memory_space<vmem>> -> memref<1x125xi32, #tpu.memory_space<vmem>>
        %dma_wait3A_191 = tpu.memref_squeeze %dma_wait3A_190 : memref<1x125xi32, #tpu.memory_space<vmem>> -> memref<125xi32, #tpu.memory_space<vmem>>
        %dma_wait3A_192 = arith.constant 0 : i32
        %dma_wait3A_193 = arith.constant 0 : i32
        %dma_wait3A_194 = tpu.memref_slice %arg6[%dma_wait3A_192, %dma_wait3A_193] : memref<10112x8xf32, #tpu.memory_space<vmem_shared>> -> memref<10112x8xf32, #tpu.memory_space<vmem_shared>>
        tpu.wait_indirect_dma semaphore(%arg10 : memref<!tpu.dma_semaphore, #tpu.memory_space<semaphore_mem>>) src(%arg8 : memref<125x8xf32, #tpu.memory_space<vmem>>) dst(%dma_wait3A_194 : memref<10112x8xf32, #tpu.memory_space<vmem_shared>>)
      } else {
      }
      %mul3A_87 = arith.constant 8 : i32
      %mul3A_88 = arith.muli %scan3A_69, %mul3A_87 : i32
      %add3A_89 = arith.constant 1 : i32
      %add3A_90 = arith.addi %mul3A_88, %add3A_89 : i32
      %dma_start3A_91 = arith.constant 0 : i32
      %dma_start3A_92 = tpu.memref_slice %arg7[%add3A_90, %dma_start3A_91] : memref<80x125xi32, #tpu.memory_space<vmem>> -> memref<1x125xi32, #tpu.memory_space<vmem>>
      %dma_start3A_93 = tpu.memref_squeeze %dma_start3A_92 : memref<1x125xi32, #tpu.memory_space<vmem>> -> memref<125xi32, #tpu.memory_space<vmem>>
      %dma_start3A_94 = arith.constant 0 : i32
      %dma_start3A_95 = arith.constant 0 : i32
      %dma_start3A_96 = tpu.memref_slice %arg6[%dma_start3A_94, %dma_start3A_95] : memref<10112x8xf32, #tpu.memory_space<vmem_shared>> -> memref<10112x8xf32, #tpu.memory_space<vmem_shared>>
      tpu.enqueue_indirect_dma source(%arg8 : memref<125x8xf32, #tpu.memory_space<vmem>>) target(%dma_start3A_96 : memref<10112x8xf32, #tpu.memory_space<vmem_shared>>) offsets(%dma_start3A_93 : memref<125xi32, #tpu.memory_space<vmem>>) semaphore(%arg10 : memref<!tpu.dma_semaphore, #tpu.memory_space<semaphore_mem>>) {add = true}
      %gt3A_97 = arith.constant 0 : i32
      %gt3A_98 = arith.cmpi sgt, %scan3A_69, %gt3A_97 : i32
      %convert_element_type3A_99 = arith.extui %gt3A_98 : i1 to i32
      %cond3A_100 = arith.constant 0 : i32
      %cond3A_101 = arith.cmpi ne, %convert_element_type3A_99, %cond3A_100 : i32
      scf.if %cond3A_101 {
        %dma_wait3A_188 = arith.constant 0 : i32
        %dma_wait3A_189 = arith.constant 0 : i32
        %dma_wait3A_190 = tpu.memref_slice %arg7[%dma_wait3A_188, %dma_wait3A_189] : memref<80x125xi32, #tpu.memory_space<vmem>> -> memref<1x125xi32, #tpu.memory_space<vmem>>
        %dma_wait3A_191 = tpu.memref_squeeze %dma_wait3A_190 : memref<1x125xi32, #tpu.memory_space<vmem>> -> memref<125xi32, #tpu.memory_space<vmem>>
        %dma_wait3A_192 = arith.constant 0 : i32
        %dma_wait3A_193 = arith.constant 0 : i32
        %dma_wait3A_194 = tpu.memref_slice %arg6[%dma_wait3A_192, %dma_wait3A_193] : memref<10112x8xf32, #tpu.memory_space<vmem_shared>> -> memref<10112x8xf32, #tpu.memory_space<vmem_shared>>
        tpu.wait_indirect_dma semaphore(%arg11 : memref<!tpu.dma_semaphore, #tpu.memory_space<semaphore_mem>>) src(%arg8 : memref<125x8xf32, #tpu.memory_space<vmem>>) dst(%dma_wait3A_194 : memref<10112x8xf32, #tpu.memory_space<vmem_shared>>)
      } else {
      }
      %mul3A_102 = arith.constant 8 : i32
      %mul3A_103 = arith.muli %scan3A_69, %mul3A_102 : i32
      %add3A_104 = arith.constant 2 : i32
      %add3A_105 = arith.addi %mul3A_103, %add3A_104 : i32
      %dma_start3A_106 = arith.constant 0 : i32
      %dma_start3A_107 = tpu.memref_slice %arg7[%add3A_105, %dma_start3A_106] : memref<80x125xi32, #tpu.memory_space<vmem>> -> memref<1x125xi32, #tpu.memory_space<vmem>>
      %dma_start3A_108 = tpu.memref_squeeze %dma_start3A_107 : memref<1x125xi32, #tpu.memory_space<vmem>> -> memref<125xi32, #tpu.memory_space<vmem>>
      %dma_start3A_109 = arith.constant 0 : i32
      %dma_start3A_110 = arith.constant 0 : i32
      %dma_start3A_111 = tpu.memref_slice %arg6[%dma_start3A_109, %dma_start3A_110] : memref<10112x8xf32, #tpu.memory_space<vmem_shared>> -> memref<10112x8xf32, #tpu.memory_space<vmem_shared>>
      tpu.enqueue_indirect_dma source(%arg8 : memref<125x8xf32, #tpu.memory_space<vmem>>) target(%dma_start3A_111 : memref<10112x8xf32, #tpu.memory_space<vmem_shared>>) offsets(%dma_start3A_108 : memref<125xi32, #tpu.memory_space<vmem>>) semaphore(%arg11 : memref<!tpu.dma_semaphore, #tpu.memory_space<semaphore_mem>>) {add = true}
      %gt3A_112 = arith.constant 0 : i32
      %gt3A_113 = arith.cmpi sgt, %scan3A_69, %gt3A_112 : i32
      %convert_element_type3A_114 = arith.extui %gt3A_113 : i1 to i32
      %cond3A_115 = arith.constant 0 : i32
      %cond3A_116 = arith.cmpi ne, %convert_element_type3A_114, %cond3A_115 : i32
      scf.if %cond3A_116 {
        %dma_wait3A_188 = arith.constant 0 : i32
        %dma_wait3A_189 = arith.constant 0 : i32
        %dma_wait3A_190 = tpu.memref_slice %arg7[%dma_wait3A_188, %dma_wait3A_189] : memref<80x125xi32, #tpu.memory_space<vmem>> -> memref<1x125xi32, #tpu.memory_space<vmem>>
        %dma_wait3A_191 = tpu.memref_squeeze %dma_wait3A_190 : memref<1x125xi32, #tpu.memory_space<vmem>> -> memref<125xi32, #tpu.memory_space<vmem>>
        %dma_wait3A_192 = arith.constant 0 : i32
        %dma_wait3A_193 = arith.constant 0 : i32
        %dma_wait3A_194 = tpu.memref_slice %arg6[%dma_wait3A_192, %dma_wait3A_193] : memref<10112x8xf32, #tpu.memory_space<vmem_shared>> -> memref<10112x8xf32, #tpu.memory_space<vmem_shared>>
        tpu.wait_indirect_dma semaphore(%arg12 : memref<!tpu.dma_semaphore, #tpu.memory_space<semaphore_mem>>) src(%arg8 : memref<125x8xf32, #tpu.memory_space<vmem>>) dst(%dma_wait3A_194 : memref<10112x8xf32, #tpu.memory_space<vmem_shared>>)
      } else {
      }
      %mul3A_117 = arith.constant 8 : i32
      %mul3A_118 = arith.muli %scan3A_69, %mul3A_117 : i32
      %add3A_119 = arith.constant 3 : i32
      %add3A_120 = arith.addi %mul3A_118, %add3A_119 : i32
      %dma_start3A_121 = arith.constant 0 : i32
      %dma_start3A_122 = tpu.memref_slice %arg7[%add3A_120, %dma_start3A_121] : memref<80x125xi32, #tpu.memory_space<vmem>> -> memref<1x125xi32, #tpu.memory_space<vmem>>
      %dma_start3A_123 = tpu.memref_squeeze %dma_start3A_122 : memref<1x125xi32, #tpu.memory_space<vmem>> -> memref<125xi32, #tpu.memory_space<vmem>>
      %dma_start3A_124 = arith.constant 0 : i32
      %dma_start3A_125 = arith.constant 0 : i32
      %dma_start3A_126 = tpu.memref_slice %arg6[%dma_start3A_124, %dma_start3A_125] : memref<10112x8xf32, #tpu.memory_space<vmem_shared>> -> memref<10112x8xf32, #tpu.memory_space<vmem_shared>>
      tpu.enqueue_indirect_dma source(%arg8 : memref<125x8xf32, #tpu.memory_space<vmem>>) target(%dma_start3A_126 : memref<10112x8xf32, #tpu.memory_space<vmem_shared>>) offsets(%dma_start3A_123 : memref<125xi32, #tpu.memory_space<vmem>>) semaphore(%arg12 : memref<!tpu.dma_semaphore, #tpu.memory_space<semaphore_mem>>) {add = true}
      %gt3A_127 = arith.constant 0 : i32
      %gt3A_128 = arith.cmpi sgt, %scan3A_69, %gt3A_127 : i32
      %convert_element_type3A_129 = arith.extui %gt3A_128 : i1 to i32
      %cond3A_130 = arith.constant 0 : i32
      %cond3A_131 = arith.cmpi ne, %convert_element_type3A_129, %cond3A_130 : i32
      scf.if %cond3A_131 {
        %dma_wait3A_188 = arith.constant 0 : i32
        %dma_wait3A_189 = arith.constant 0 : i32
        %dma_wait3A_190 = tpu.memref_slice %arg7[%dma_wait3A_188, %dma_wait3A_189] : memref<80x125xi32, #tpu.memory_space<vmem>> -> memref<1x125xi32, #tpu.memory_space<vmem>>
        %dma_wait3A_191 = tpu.memref_squeeze %dma_wait3A_190 : memref<1x125xi32, #tpu.memory_space<vmem>> -> memref<125xi32, #tpu.memory_space<vmem>>
        %dma_wait3A_192 = arith.constant 0 : i32
        %dma_wait3A_193 = arith.constant 0 : i32
        %dma_wait3A_194 = tpu.memref_slice %arg6[%dma_wait3A_192, %dma_wait3A_193] : memref<10112x8xf32, #tpu.memory_space<vmem_shared>> -> memref<10112x8xf32, #tpu.memory_space<vmem_shared>>
        tpu.wait_indirect_dma semaphore(%arg13 : memref<!tpu.dma_semaphore, #tpu.memory_space<semaphore_mem>>) src(%arg8 : memref<125x8xf32, #tpu.memory_space<vmem>>) dst(%dma_wait3A_194 : memref<10112x8xf32, #tpu.memory_space<vmem_shared>>)
      } else {
      }
      %mul3A_132 = arith.constant 8 : i32
      %mul3A_133 = arith.muli %scan3A_69, %mul3A_132 : i32
      %add3A_134 = arith.constant 4 : i32
      %add3A_135 = arith.addi %mul3A_133, %add3A_134 : i32
      %dma_start3A_136 = arith.constant 0 : i32
      %dma_start3A_137 = tpu.memref_slice %arg7[%add3A_135, %dma_start3A_136] : memref<80x125xi32, #tpu.memory_space<vmem>> -> memref<1x125xi32, #tpu.memory_space<vmem>>
      %dma_start3A_138 = tpu.memref_squeeze %dma_start3A_137 : memref<1x125xi32, #tpu.memory_space<vmem>> -> memref<125xi32, #tpu.memory_space<vmem>>
      %dma_start3A_139 = arith.constant 0 : i32
      %dma_start3A_140 = arith.constant 0 : i32
      %dma_start3A_141 = tpu.memref_slice %arg6[%dma_start3A_139, %dma_start3A_140] : memref<10112x8xf32, #tpu.memory_space<vmem_shared>> -> memref<10112x8xf32, #tpu.memory_space<vmem_shared>>
      tpu.enqueue_indirect_dma source(%arg8 : memref<125x8xf32, #tpu.memory_space<vmem>>) target(%dma_start3A_141 : memref<10112x8xf32, #tpu.memory_space<vmem_shared>>) offsets(%dma_start3A_138 : memref<125xi32, #tpu.memory_space<vmem>>) semaphore(%arg13 : memref<!tpu.dma_semaphore, #tpu.memory_space<semaphore_mem>>) {add = true}
      %gt3A_142 = arith.constant 0 : i32
      %gt3A_143 = arith.cmpi sgt, %scan3A_69, %gt3A_142 : i32
      %convert_element_type3A_144 = arith.extui %gt3A_143 : i1 to i32
      %cond3A_145 = arith.constant 0 : i32
      %cond3A_146 = arith.cmpi ne, %convert_element_type3A_144, %cond3A_145 : i32
      scf.if %cond3A_146 {
        %dma_wait3A_188 = arith.constant 0 : i32
        %dma_wait3A_189 = arith.constant 0 : i32
        %dma_wait3A_190 = tpu.memref_slice %arg7[%dma_wait3A_188, %dma_wait3A_189] : memref<80x125xi32, #tpu.memory_space<vmem>> -> memref<1x125xi32, #tpu.memory_space<vmem>>
        %dma_wait3A_191 = tpu.memref_squeeze %dma_wait3A_190 : memref<1x125xi32, #tpu.memory_space<vmem>> -> memref<125xi32, #tpu.memory_space<vmem>>
        %dma_wait3A_192 = arith.constant 0 : i32
        %dma_wait3A_193 = arith.constant 0 : i32
        %dma_wait3A_194 = tpu.memref_slice %arg6[%dma_wait3A_192, %dma_wait3A_193] : memref<10112x8xf32, #tpu.memory_space<vmem_shared>> -> memref<10112x8xf32, #tpu.memory_space<vmem_shared>>
        tpu.wait_indirect_dma semaphore(%arg14 : memref<!tpu.dma_semaphore, #tpu.memory_space<semaphore_mem>>) src(%arg8 : memref<125x8xf32, #tpu.memory_space<vmem>>) dst(%dma_wait3A_194 : memref<10112x8xf32, #tpu.memory_space<vmem_shared>>)
      } else {
      }
      %mul3A_147 = arith.constant 8 : i32
      %mul3A_148 = arith.muli %scan3A_69, %mul3A_147 : i32
      %add3A_149 = arith.constant 5 : i32
      %add3A_150 = arith.addi %mul3A_148, %add3A_149 : i32
      %dma_start3A_151 = arith.constant 0 : i32
      %dma_start3A_152 = tpu.memref_slice %arg7[%add3A_150, %dma_start3A_151] : memref<80x125xi32, #tpu.memory_space<vmem>> -> memref<1x125xi32, #tpu.memory_space<vmem>>
      %dma_start3A_153 = tpu.memref_squeeze %dma_start3A_152 : memref<1x125xi32, #tpu.memory_space<vmem>> -> memref<125xi32, #tpu.memory_space<vmem>>
      %dma_start3A_154 = arith.constant 0 : i32
      %dma_start3A_155 = arith.constant 0 : i32
      %dma_start3A_156 = tpu.memref_slice %arg6[%dma_start3A_154, %dma_start3A_155] : memref<10112x8xf32, #tpu.memory_space<vmem_shared>> -> memref<10112x8xf32, #tpu.memory_space<vmem_shared>>
      tpu.enqueue_indirect_dma source(%arg8 : memref<125x8xf32, #tpu.memory_space<vmem>>) target(%dma_start3A_156 : memref<10112x8xf32, #tpu.memory_space<vmem_shared>>) offsets(%dma_start3A_153 : memref<125xi32, #tpu.memory_space<vmem>>) semaphore(%arg14 : memref<!tpu.dma_semaphore, #tpu.memory_space<semaphore_mem>>) {add = true}
      %gt3A_157 = arith.constant 0 : i32
      %gt3A_158 = arith.cmpi sgt, %scan3A_69, %gt3A_157 : i32
      %convert_element_type3A_159 = arith.extui %gt3A_158 : i1 to i32
      %cond3A_160 = arith.constant 0 : i32
      %cond3A_161 = arith.cmpi ne, %convert_element_type3A_159, %cond3A_160 : i32
      scf.if %cond3A_161 {
        %dma_wait3A_188 = arith.constant 0 : i32
        %dma_wait3A_189 = arith.constant 0 : i32
        %dma_wait3A_190 = tpu.memref_slice %arg7[%dma_wait3A_188, %dma_wait3A_189] : memref<80x125xi32, #tpu.memory_space<vmem>> -> memref<1x125xi32, #tpu.memory_space<vmem>>
        %dma_wait3A_191 = tpu.memref_squeeze %dma_wait3A_190 : memref<1x125xi32, #tpu.memory_space<vmem>> -> memref<125xi32, #tpu.memory_space<vmem>>
        %dma_wait3A_192 = arith.constant 0 : i32
        %dma_wait3A_193 = arith.constant 0 : i32
        %dma_wait3A_194 = tpu.memref_slice %arg6[%dma_wait3A_192, %dma_wait3A_193] : memref<10112x8xf32, #tpu.memory_space<vmem_shared>> -> memref<10112x8xf32, #tpu.memory_space<vmem_shared>>
        tpu.wait_indirect_dma semaphore(%arg15 : memref<!tpu.dma_semaphore, #tpu.memory_space<semaphore_mem>>) src(%arg8 : memref<125x8xf32, #tpu.memory_space<vmem>>) dst(%dma_wait3A_194 : memref<10112x8xf32, #tpu.memory_space<vmem_shared>>)
      } else {
      }
      %mul3A_162 = arith.constant 8 : i32
      %mul3A_163 = arith.muli %scan3A_69, %mul3A_162 : i32
      %add3A_164 = arith.constant 6 : i32
      %add3A_165 = arith.addi %mul3A_163, %add3A_164 : i32
      %dma_start3A_166 = arith.constant 0 : i32
      %dma_start3A_167 = tpu.memref_slice %arg7[%add3A_165, %dma_start3A_166] : memref<80x125xi32, #tpu.memory_space<vmem>> -> memref<1x125xi32, #tpu.memory_space<vmem>>
      %dma_start3A_168 = tpu.memref_squeeze %dma_start3A_167 : memref<1x125xi32, #tpu.memory_space<vmem>> -> memref<125xi32, #tpu.memory_space<vmem>>
      %dma_start3A_169 = arith.constant 0 : i32
      %dma_start3A_170 = arith.constant 0 : i32
      %dma_start3A_171 = tpu.memref_slice %arg6[%dma_start3A_169, %dma_start3A_170] : memref<10112x8xf32, #tpu.memory_space<vmem_shared>> -> memref<10112x8xf32, #tpu.memory_space<vmem_shared>>
      tpu.enqueue_indirect_dma source(%arg8 : memref<125x8xf32, #tpu.memory_space<vmem>>) target(%dma_start3A_171 : memref<10112x8xf32, #tpu.memory_space<vmem_shared>>) offsets(%dma_start3A_168 : memref<125xi32, #tpu.memory_space<vmem>>) semaphore(%arg15 : memref<!tpu.dma_semaphore, #tpu.memory_space<semaphore_mem>>) {add = true}
      %gt3A_172 = arith.constant 0 : i32
      %gt3A_173 = arith.cmpi sgt, %scan3A_69, %gt3A_172 : i32
      %convert_element_type3A_174 = arith.extui %gt3A_173 : i1 to i32
      %cond3A_175 = arith.constant 0 : i32
      %cond3A_176 = arith.cmpi ne, %convert_element_type3A_174, %cond3A_175 : i32
      scf.if %cond3A_176 {
        %dma_wait3A_188 = arith.constant 0 : i32
        %dma_wait3A_189 = arith.constant 0 : i32
        %dma_wait3A_190 = tpu.memref_slice %arg7[%dma_wait3A_188, %dma_wait3A_189] : memref<80x125xi32, #tpu.memory_space<vmem>> -> memref<1x125xi32, #tpu.memory_space<vmem>>
        %dma_wait3A_191 = tpu.memref_squeeze %dma_wait3A_190 : memref<1x125xi32, #tpu.memory_space<vmem>> -> memref<125xi32, #tpu.memory_space<vmem>>
        %dma_wait3A_192 = arith.constant 0 : i32
        %dma_wait3A_193 = arith.constant 0 : i32
        %dma_wait3A_194 = tpu.memref_slice %arg6[%dma_wait3A_192, %dma_wait3A_193] : memref<10112x8xf32, #tpu.memory_space<vmem_shared>> -> memref<10112x8xf32, #tpu.memory_space<vmem_shared>>
        tpu.wait_indirect_dma semaphore(%arg16 : memref<!tpu.dma_semaphore, #tpu.memory_space<semaphore_mem>>) src(%arg8 : memref<125x8xf32, #tpu.memory_space<vmem>>) dst(%dma_wait3A_194 : memref<10112x8xf32, #tpu.memory_space<vmem_shared>>)
      } else {
      }
      %mul3A_177 = arith.constant 8 : i32
      %mul3A_178 = arith.muli %scan3A_69, %mul3A_177 : i32
      %add3A_179 = arith.constant 7 : i32
      %add3A_180 = arith.addi %mul3A_178, %add3A_179 : i32
      %dma_start3A_181 = arith.constant 0 : i32
      %dma_start3A_182 = tpu.memref_slice %arg7[%add3A_180, %dma_start3A_181] : memref<80x125xi32, #tpu.memory_space<vmem>> -> memref<1x125xi32, #tpu.memory_space<vmem>>
      %dma_start3A_183 = tpu.memref_squeeze %dma_start3A_182 : memref<1x125xi32, #tpu.memory_space<vmem>> -> memref<125xi32, #tpu.memory_space<vmem>>
      %dma_start3A_184 = arith.constant 0 : i32
      %dma_start3A_185 = arith.constant 0 : i32
      %dma_start3A_186 = tpu.memref_slice %arg6[%dma_start3A_184, %dma_start3A_185] : memref<10112x8xf32, #tpu.memory_space<vmem_shared>> -> memref<10112x8xf32, #tpu.memory_space<vmem_shared>>
      tpu.enqueue_indirect_dma source(%arg8 : memref<125x8xf32, #tpu.memory_space<vmem>>) target(%dma_start3A_186 : memref<10112x8xf32, #tpu.memory_space<vmem_shared>>) offsets(%dma_start3A_183 : memref<125xi32, #tpu.memory_space<vmem>>) semaphore(%arg16 : memref<!tpu.dma_semaphore, #tpu.memory_space<semaphore_mem>>) {add = true}
      %scan3A_187 = arith.constant 0 : i32
      scf.yield %scan3A_187 : i32
    }
    %scan3A_10 = arith.constant 10 : i32
    %dma_wait3A = arith.constant 0 : i32
    %dma_wait3A_11 = arith.constant 0 : i32
    %dma_wait3A_12 = tpu.memref_slice %arg7[%dma_wait3A, %dma_wait3A_11] : memref<80x125xi32, #tpu.memory_space<vmem>> -> memref<1x125xi32, #tpu.memory_space<vmem>>
    %dma_wait3A_13 = tpu.memref_squeeze %dma_wait3A_12 : memref<1x125xi32, #tpu.memory_space<vmem>> -> memref<125xi32, #tpu.memory_space<vmem>>
    %dma_wait3A_14 = arith.constant 0 : i32
    %dma_wait3A_15 = arith.constant 0 : i32
    %dma_wait3A_16 = tpu.memref_slice %arg6[%dma_wait3A_14, %dma_wait3A_15] : memref<10112x8xf32, #tpu.memory_space<vmem_shared>> -> memref<10112x8xf32, #tpu.memory_space<vmem_shared>>
    tpu.wait_indirect_dma semaphore(%arg9 : memref<!tpu.dma_semaphore, #tpu.memory_space<semaphore_mem>>) src(%arg8 : memref<125x8xf32, #tpu.memory_space<vmem>>) dst(%dma_wait3A_16 : memref<10112x8xf32, #tpu.memory_space<vmem_shared>>)
    %dma_wait3A_17 = arith.constant 0 : i32
    %dma_wait3A_18 = arith.constant 0 : i32
    %dma_wait3A_19 = tpu.memref_slice %arg7[%dma_wait3A_17, %dma_wait3A_18] : memref<80x125xi32, #tpu.memory_space<vmem>> -> memref<1x125xi32, #tpu.memory_space<vmem>>
    %dma_wait3A_20 = tpu.memref_squeeze %dma_wait3A_19 : memref<1x125xi32, #tpu.memory_space<vmem>> -> memref<125xi32, #tpu.memory_space<vmem>>
    %dma_wait3A_21 = arith.constant 0 : i32
    %dma_wait3A_22 = arith.constant 0 : i32
    %dma_wait3A_23 = tpu.memref_slice %arg6[%dma_wait3A_21, %dma_wait3A_22] : memref<10112x8xf32, #tpu.memory_space<vmem_shared>> -> memref<10112x8xf32, #tpu.memory_space<vmem_shared>>
    tpu.wait_indirect_dma semaphore(%arg10 : memref<!tpu.dma_semaphore, #tpu.memory_space<semaphore_mem>>) src(%arg8 : memref<125x8xf32, #tpu.memory_space<vmem>>) dst(%dma_wait3A_23 : memref<10112x8xf32, #tpu.memory_space<vmem_shared>>)
    %dma_wait3A_24 = arith.constant 0 : i32
    %dma_wait3A_25 = arith.constant 0 : i32
    %dma_wait3A_26 = tpu.memref_slice %arg7[%dma_wait3A_24, %dma_wait3A_25] : memref<80x125xi32, #tpu.memory_space<vmem>> -> memref<1x125xi32, #tpu.memory_space<vmem>>
    %dma_wait3A_27 = tpu.memref_squeeze %dma_wait3A_26 : memref<1x125xi32, #tpu.memory_space<vmem>> -> memref<125xi32, #tpu.memory_space<vmem>>
    %dma_wait3A_28 = arith.constant 0 : i32
    %dma_wait3A_29 = arith.constant 0 : i32
    %dma_wait3A_30 = tpu.memref_slice %arg6[%dma_wait3A_28, %dma_wait3A_29] : memref<10112x8xf32, #tpu.memory_space<vmem_shared>> -> memref<10112x8xf32, #tpu.memory_space<vmem_shared>>
    tpu.wait_indirect_dma semaphore(%arg11 : memref<!tpu.dma_semaphore, #tpu.memory_space<semaphore_mem>>) src(%arg8 : memref<125x8xf32, #tpu.memory_space<vmem>>) dst(%dma_wait3A_30 : memref<10112x8xf32, #tpu.memory_space<vmem_shared>>)
    %dma_wait3A_31 = arith.constant 0 : i32
    %dma_wait3A_32 = arith.constant 0 : i32
    %dma_wait3A_33 = tpu.memref_slice %arg7[%dma_wait3A_31, %dma_wait3A_32] : memref<80x125xi32, #tpu.memory_space<vmem>> -> memref<1x125xi32, #tpu.memory_space<vmem>>
    %dma_wait3A_34 = tpu.memref_squeeze %dma_wait3A_33 : memref<1x125xi32, #tpu.memory_space<vmem>> -> memref<125xi32, #tpu.memory_space<vmem>>
    %dma_wait3A_35 = arith.constant 0 : i32
    %dma_wait3A_36 = arith.constant 0 : i32
    %dma_wait3A_37 = tpu.memref_slice %arg6[%dma_wait3A_35, %dma_wait3A_36] : memref<10112x8xf32, #tpu.memory_space<vmem_shared>> -> memref<10112x8xf32, #tpu.memory_space<vmem_shared>>
    tpu.wait_indirect_dma semaphore(%arg12 : memref<!tpu.dma_semaphore, #tpu.memory_space<semaphore_mem>>) src(%arg8 : memref<125x8xf32, #tpu.memory_space<vmem>>) dst(%dma_wait3A_37 : memref<10112x8xf32, #tpu.memory_space<vmem_shared>>)
    %dma_wait3A_38 = arith.constant 0 : i32
    %dma_wait3A_39 = arith.constant 0 : i32
    %dma_wait3A_40 = tpu.memref_slice %arg7[%dma_wait3A_38, %dma_wait3A_39] : memref<80x125xi32, #tpu.memory_space<vmem>> -> memref<1x125xi32, #tpu.memory_space<vmem>>
    %dma_wait3A_41 = tpu.memref_squeeze %dma_wait3A_40 : memref<1x125xi32, #tpu.memory_space<vmem>> -> memref<125xi32, #tpu.memory_space<vmem>>
    %dma_wait3A_42 = arith.constant 0 : i32
    %dma_wait3A_43 = arith.constant 0 : i32
    %dma_wait3A_44 = tpu.memref_slice %arg6[%dma_wait3A_42, %dma_wait3A_43] : memref<10112x8xf32, #tpu.memory_space<vmem_shared>> -> memref<10112x8xf32, #tpu.memory_space<vmem_shared>>
    tpu.wait_indirect_dma semaphore(%arg13 : memref<!tpu.dma_semaphore, #tpu.memory_space<semaphore_mem>>) src(%arg8 : memref<125x8xf32, #tpu.memory_space<vmem>>) dst(%dma_wait3A_44 : memref<10112x8xf32, #tpu.memory_space<vmem_shared>>)
    %dma_wait3A_45 = arith.constant 0 : i32
    %dma_wait3A_46 = arith.constant 0 : i32
    %dma_wait3A_47 = tpu.memref_slice %arg7[%dma_wait3A_45, %dma_wait3A_46] : memref<80x125xi32, #tpu.memory_space<vmem>> -> memref<1x125xi32, #tpu.memory_space<vmem>>
    %dma_wait3A_48 = tpu.memref_squeeze %dma_wait3A_47 : memref<1x125xi32, #tpu.memory_space<vmem>> -> memref<125xi32, #tpu.memory_space<vmem>>
    %dma_wait3A_49 = arith.constant 0 : i32
    %dma_wait3A_50 = arith.constant 0 : i32
    %dma_wait3A_51 = tpu.memref_slice %arg6[%dma_wait3A_49, %dma_wait3A_50] : memref<10112x8xf32, #tpu.memory_space<vmem_shared>> -> memref<10112x8xf32, #tpu.memory_space<vmem_shared>>
    tpu.wait_indirect_dma semaphore(%arg14 : memref<!tpu.dma_semaphore, #tpu.memory_space<semaphore_mem>>) src(%arg8 : memref<125x8xf32, #tpu.memory_space<vmem>>) dst(%dma_wait3A_51 : memref<10112x8xf32, #tpu.memory_space<vmem_shared>>)
    %dma_wait3A_52 = arith.constant 0 : i32
    %dma_wait3A_53 = arith.constant 0 : i32
    %dma_wait3A_54 = tpu.memref_slice %arg7[%dma_wait3A_52, %dma_wait3A_53] : memref<80x125xi32, #tpu.memory_space<vmem>> -> memref<1x125xi32, #tpu.memory_space<vmem>>
    %dma_wait3A_55 = tpu.memref_squeeze %dma_wait3A_54 : memref<1x125xi32, #tpu.memory_space<vmem>> -> memref<125xi32, #tpu.memory_space<vmem>>
    %dma_wait3A_56 = arith.constant 0 : i32
    %dma_wait3A_57 = arith.constant 0 : i32
    %dma_wait3A_58 = tpu.memref_slice %arg6[%dma_wait3A_56, %dma_wait3A_57] : memref<10112x8xf32, #tpu.memory_space<vmem_shared>> -> memref<10112x8xf32, #tpu.memory_space<vmem_shared>>
    tpu.wait_indirect_dma semaphore(%arg15 : memref<!tpu.dma_semaphore, #tpu.memory_space<semaphore_mem>>) src(%arg8 : memref<125x8xf32, #tpu.memory_space<vmem>>) dst(%dma_wait3A_58 : memref<10112x8xf32, #tpu.memory_space<vmem_shared>>)
    %dma_wait3A_59 = arith.constant 0 : i32
    %dma_wait3A_60 = arith.constant 0 : i32
    %dma_wait3A_61 = tpu.memref_slice %arg7[%dma_wait3A_59, %dma_wait3A_60] : memref<80x125xi32, #tpu.memory_space<vmem>> -> memref<1x125xi32, #tpu.memory_space<vmem>>
    %dma_wait3A_62 = tpu.memref_squeeze %dma_wait3A_61 : memref<1x125xi32, #tpu.memory_space<vmem>> -> memref<125xi32, #tpu.memory_space<vmem>>
    %dma_wait3A_63 = arith.constant 0 : i32
    %dma_wait3A_64 = arith.constant 0 : i32
    %dma_wait3A_65 = tpu.memref_slice %arg6[%dma_wait3A_63, %dma_wait3A_64] : memref<10112x8xf32, #tpu.memory_space<vmem_shared>> -> memref<10112x8xf32, #tpu.memory_space<vmem_shared>>
    tpu.wait_indirect_dma semaphore(%arg16 : memref<!tpu.dma_semaphore, #tpu.memory_space<semaphore_mem>>) src(%arg8 : memref<125x8xf32, #tpu.memory_space<vmem>>) dst(%dma_wait3A_65 : memref<10112x8xf32, #tpu.memory_space<vmem_shared>>)
    %barrier3A_66 = arith.constant 0 : index
    tpu.barrier barrier_id(%barrier3A_66)
    %mul3A_67 = arith.constant 64 : i32
    %mul3A_68 = arith.muli %arg0, %mul3A_67 : i32
    "tpu.region"() ({
      %run_scoped3A = tpu.sem_alloc : memref<!tpu.dma_semaphore, #tpu.memory_space<semaphore_mem>>
      %dma_start3A = tpu.memref_slice %arg5[%mul3A_2, %mul3A_68] : memref<10112x128xf32, #tpu.memory_space<hbm>> -> memref<632x8xf32, #tpu.memory_space<hbm>>
      %dma_start3A_69 = arith.constant 0 : i32
      %dma_start3A_70 = tpu.memref_slice %arg6[%mul3A_2, %dma_start3A_69] : memref<10112x8xf32, #tpu.memory_space<vmem_shared>> -> memref<632x8xf32, #tpu.memory_space<vmem_shared>>
      tpu.enqueue_dma source(%dma_start3A_70 : memref<632x8xf32, #tpu.memory_space<vmem_shared>>) target(%dma_start3A : memref<632x8xf32, #tpu.memory_space<hbm>>) target_semaphore(%run_scoped3A : memref<!tpu.dma_semaphore, #tpu.memory_space<semaphore_mem>>)
      %dma_wait3A_71 = tpu.memref_slice %arg5[%mul3A_2, %mul3A_68] : memref<10112x128xf32, #tpu.memory_space<hbm>> -> memref<632x8xf32, #tpu.memory_space<hbm>>
      %dma_wait3A_72 = arith.constant 0 : i32
      %dma_wait3A_73 = tpu.memref_slice %arg6[%mul3A_2, %dma_wait3A_72] : memref<10112x8xf32, #tpu.memory_space<vmem_shared>> -> memref<632x8xf32, #tpu.memory_space<vmem_shared>>
      tpu.wait_dma2 semaphore(%run_scoped3A : memref<!tpu.dma_semaphore, #tpu.memory_space<semaphore_mem>>) src(%dma_wait3A_73 : memref<632x8xf32, #tpu.memory_space<vmem_shared>>) dst(%dma_wait3A_71 : memref<632x8xf32, #tpu.memory_space<hbm>>)
      tpu.yield
    }) : () -> ()
    return
  }
}

module attributes {stable_mosaic.version = 14 : i64} {
  func.func @_h1_body(%arg0: memref<10000x128xf32, #tpu.memory_space<vmem>>, %arg1: memref<128x64xf32, #tpu.memory_space<vmem>>, %arg2: memref<10000x64xf32, #tpu.memory_space<vmem>>) attributes {dimension_semantics = [], scalar_prefetch = 0 : i64, scratch_operands = 0 : i64, tpu.core_type = #tpu.core_type<tc>} {
    %get3A = arith.constant 0 : index
    %get3A_0 = arith.constant 0 : index
    %get3A_1 = vector.load %arg0[%get3A, %get3A_0] : memref<10000x128xf32, #tpu.memory_space<vmem>>, vector<10000x128xf32>
    %get3A_2 = arith.constant 0 : index
    %get3A_3 = arith.constant 0 : index
    %get3A_4 = vector.load %arg1[%get3A_2, %get3A_3] : memref<128x64xf32, #tpu.memory_space<vmem>>, vector<128x64xf32>
    %dot_general3A = arith.constant dense<0.000000e+00> : vector<10000x64xf32>
    %dot_general3A_5 = tpu.matmul %get3A_1, %get3A_4, %dot_general3A {dimension_numbers = #tpu.dot_dimension_numbers<[1], [0], [0], [1], [0, 0, 1, 1], [], []>, transpose_lhs_hint = false} : vector<10000x128xf32>, vector<128x64xf32>, vector<10000x64xf32> -> vector<10000x64xf32>
    %swap3A = arith.constant 0 : index
    %swap3A_6 = arith.constant 0 : index
    %swap3A_7 = vector.load %arg2[%swap3A, %swap3A_6] : memref<10000x64xf32, #tpu.memory_space<vmem>>, vector<10000x64xf32>
    tpu.vector_store %arg2[%swap3A, %swap3A_6], %dot_general3A_5 {strides = array<i32>} : memref<10000x64xf32, #tpu.memory_space<vmem>>, vector<10000x64xf32>,
    return
  }
}

module attributes {stable_mosaic.version = 14 : i64} {
  func.func @_prep1_body(%arg0: memref<10000x64xf32, #tpu.memory_space<vmem>>, %arg1: memref<10112x128xf32, #tpu.memory_space<vmem>>, %arg2: memref<10112x64xf32, #tpu.memory_space<vmem>>, %arg3: memref<10112xf32, #tpu.memory_space<vmem>>) attributes {dimension_semantics = [], scalar_prefetch = 0 : i64, scratch_operands = 0 : i64, tpu.core_type = #tpu.core_type<tc>} {
    %get3A = arith.constant 0 : index
    %get3A_0 = arith.constant 0 : index
    %get3A_1 = vector.load %arg1[%get3A, %get3A_0] : memref<10112x128xf32, #tpu.memory_space<vmem>>, vector<10112x1xf32>
    %get3A_2 = vector.shape_cast %get3A_1 : vector<10112x1xf32> to vector<10112xf32>
    %get3A_3 = arith.constant 0 : index
    %get3A_4 = arith.constant 64 : index
    %get3A_5 = vector.load %arg1[%get3A_3, %get3A_4] : memref<10112x128xf32, #tpu.memory_space<vmem>>, vector<10112x1xf32>
    %get3A_6 = vector.shape_cast %get3A_5 : vector<10112x1xf32> to vector<10112xf32>
    %add3A = arith.addf %get3A_2, %get3A_6 : vector<10112xf32>
    %add3A_7 = arith.constant 1.000000e+00 : f32
    %add3A_8 = vector.broadcast %add3A_7 : f32 to vector<10112xf32>
    %add3A_9 = arith.addf %add3A, %add3A_8 : vector<10112xf32>
    %rsqrt3A = math.rsqrt %add3A_9 : vector<10112xf32>
    %get3A_10 = arith.constant 0 : index
    %get3A_11 = arith.constant 0 : index
    %get3A_12 = vector.load %arg0[%get3A_10, %get3A_11] : memref<10000x64xf32, #tpu.memory_space<vmem>>, vector<10000x64xf32>
    %slice3A = vector.extract_strided_slice %rsqrt3A {offsets = [0], sizes = [10000], strides = [1]} : vector<10112xf32> to vector<10000xf32>
    %broadcast_in_dim3A = vector.shape_cast %slice3A : vector<10000xf32> to vector<10000x1xf32>
    %mul3A = vector.broadcast %broadcast_in_dim3A : vector<10000x1xf32> to vector<10000x64xf32>
    %mul3A_13 = arith.mulf %get3A_12, %mul3A : vector<10000x64xf32>
    %swap3A = arith.constant 0 : index
    %swap3A_14 = arith.constant 0 : index
    %swap3A_15 = vector.load %arg2[%swap3A, %swap3A_14] : memref<10112x64xf32, #tpu.memory_space<vmem>>, vector<10000x64xf32>
    tpu.vector_store %arg2[%swap3A, %swap3A_14], %mul3A_13 {strides = array<i32>} : memref<10112x64xf32, #tpu.memory_space<vmem>>, vector<10000x64xf32>,
    %broadcast_in_dim3A_16 = arith.constant 0.000000e+00 : f32
    %broadcast_in_dim3A_17 = vector.broadcast %broadcast_in_dim3A_16 : f32 to vector<112x64xf32>
    %swap3A_18 = arith.constant 10000 : index
    %swap3A_19 = arith.constant 0 : index
    %swap3A_20 = vector.load %arg2[%swap3A_18, %swap3A_19] : memref<10112x64xf32, #tpu.memory_space<vmem>>, vector<112x64xf32>
    tpu.vector_store %arg2[%swap3A_18, %swap3A_19], %broadcast_in_dim3A_17 {strides = array<i32>} : memref<10112x64xf32, #tpu.memory_space<vmem>>, vector<112x64xf32>,
    %swap3A_21 = arith.constant 0 : index
    %swap3A_22 = vector.load %arg3[%swap3A_21] : memref<10112xf32, #tpu.memory_space<vmem>>, vector<10112xf32>
    tpu.vector_store %arg3[%swap3A_21], %rsqrt3A {strides = array<i32>} : memref<10112xf32, #tpu.memory_space<vmem>>, vector<10112xf32>,
    return
  }
}

module attributes {stable_mosaic.version = 14 : i64} {
  func.func @_mid_body(%arg0: memref<10112x128xf32, #tpu.memory_space<vmem>>, %arg1: memref<10112x64xf32, #tpu.memory_space<vmem>>, %arg2: memref<10112xf32, #tpu.memory_space<vmem>>, %arg3: memref<64xf32, #tpu.memory_space<vmem>>, %arg4: memref<64xf32, #tpu.memory_space<vmem>>, %arg5: memref<64xf32, #tpu.memory_space<vmem>>, %arg6: memref<64x32xf32, #tpu.memory_space<vmem>>, %arg7: memref<10112x32xf32, #tpu.memory_space<vmem>>) attributes {dimension_semantics = [], scalar_prefetch = 0 : i64, scratch_operands = 0 : i64, tpu.core_type = #tpu.core_type<tc>} {
    %get3A = arith.constant 0 : index
    %get3A_0 = vector.load %arg2[%get3A] : memref<10112xf32, #tpu.memory_space<vmem>>, vector<10112xf32>
    %get3A_1 = arith.constant 0 : index
    %get3A_2 = arith.constant 0 : index
    %get3A_3 = vector.load %arg0[%get3A_1, %get3A_2] : memref<10112x128xf32, #tpu.memory_space<vmem>>, vector<10112x64xf32>
    %get3A_4 = arith.constant 0 : index
    %get3A_5 = arith.constant 64 : index
    %get3A_6 = vector.load %arg0[%get3A_4, %get3A_5] : memref<10112x128xf32, #tpu.memory_space<vmem>>, vector<10112x64xf32>
    %add3A = arith.addf %get3A_3, %get3A_6 : vector<10112x64xf32>
    %broadcast_in_dim3A = vector.shape_cast %get3A_0 : vector<10112xf32> to vector<10112x1xf32>
    %get3A_7 = arith.constant 0 : index
    %get3A_8 = arith.constant 0 : index
    %get3A_9 = vector.load %arg1[%get3A_7, %get3A_8] : memref<10112x64xf32, #tpu.memory_space<vmem>>, vector<10112x64xf32>
    %add3A_10 = arith.addf %add3A, %get3A_9 : vector<10112x64xf32>
    %mul3A = vector.broadcast %broadcast_in_dim3A : vector<10112x1xf32> to vector<10112x64xf32>
    %mul3A_11 = arith.mulf %mul3A, %add3A_10 : vector<10112x64xf32>
    %get3A_12 = arith.constant 0 : index
    %get3A_13 = vector.load %arg3[%get3A_12] : memref<64xf32, #tpu.memory_space<vmem>>, vector<64xf32>
    %broadcast_in_dim3A_14 = vector.shape_cast %get3A_13 : vector<64xf32> to vector<1x64xf32>
    %add3A_15 = vector.broadcast %broadcast_in_dim3A_14 : vector<1x64xf32> to vector<10112x64xf32>
    %add3A_16 = arith.addf %mul3A_11, %add3A_15 : vector<10112x64xf32>
    %slice3A = vector.extract_strided_slice %add3A_16 {offsets = [0, 0], sizes = [10000, 64], strides = [1, 1]} : vector<10112x64xf32> to vector<10000x64xf32>
    %reduce_sum3A = arith.constant dense<0.000000e+00> : vector<64xf32>
    %reduce_sum3A_17 = vector.multi_reduction <add>, %slice3A, %reduce_sum3A [0] : vector<10000x64xf32> to vector<64xf32>
    %mul3A_18 = arith.constant 9.99999974E-5 : f32
    %mul3A_19 = vector.broadcast %mul3A_18 : f32 to vector<64xf32>
    %mul3A_20 = arith.mulf %reduce_sum3A_17, %mul3A_19 : vector<64xf32>
    %broadcast_in_dim3A_21 = vector.shape_cast %mul3A_20 : vector<64xf32> to vector<1x64xf32>
    %sub3A = vector.broadcast %broadcast_in_dim3A_21 : vector<1x64xf32> to vector<10000x64xf32>
    %sub3A_22 = arith.subf %slice3A, %sub3A : vector<10000x64xf32>
    %integer_pow3A = arith.mulf %sub3A_22, %sub3A_22 : vector<10000x64xf32>
    %reduce_sum3A_23 = arith.constant dense<0.000000e+00> : vector<64xf32>
    %reduce_sum3A_24 = vector.multi_reduction <add>, %integer_pow3A, %reduce_sum3A_23 [0] : vector<10000x64xf32> to vector<64xf32>
    %mul3A_25 = arith.constant 9.99999974E-5 : f32
    %mul3A_26 = vector.broadcast %mul3A_25 : f32 to vector<64xf32>
    %mul3A_27 = arith.mulf %reduce_sum3A_24, %mul3A_26 : vector<64xf32>
    %broadcast_in_dim3A_28 = vector.shape_cast %mul3A_20 : vector<64xf32> to vector<1x64xf32>
    %sub3A_29 = vector.broadcast %broadcast_in_dim3A_28 : vector<1x64xf32> to vector<10112x64xf32>
    %sub3A_30 = arith.subf %add3A_16, %sub3A_29 : vector<10112x64xf32>
    %add3A_31 = arith.constant 9.99999974E-6 : f32
    %add3A_32 = vector.broadcast %add3A_31 : f32 to vector<64xf32>
    %add3A_33 = arith.addf %mul3A_27, %add3A_32 : vector<64xf32>
    %rsqrt3A = math.rsqrt %add3A_33 : vector<64xf32>
    %broadcast_in_dim3A_34 = vector.shape_cast %rsqrt3A : vector<64xf32> to vector<1x64xf32>
    %mul3A_35 = vector.broadcast %broadcast_in_dim3A_34 : vector<1x64xf32> to vector<10112x64xf32>
    %mul3A_36 = arith.mulf %sub3A_30, %mul3A_35 : vector<10112x64xf32>
    %get3A_37 = arith.constant 0 : index
    %get3A_38 = vector.load %arg4[%get3A_37] : memref<64xf32, #tpu.memory_space<vmem>>, vector<64xf32>
    %broadcast_in_dim3A_39 = vector.shape_cast %get3A_38 : vector<64xf32> to vector<1x64xf32>
    %mul3A_40 = vector.broadcast %broadcast_in_dim3A_39 : vector<1x64xf32> to vector<10112x64xf32>
    %mul3A_41 = arith.mulf %mul3A_36, %mul3A_40 : vector<10112x64xf32>
    %get3A_42 = arith.constant 0 : index
    %get3A_43 = vector.load %arg5[%get3A_42] : memref<64xf32, #tpu.memory_space<vmem>>, vector<64xf32>
    %broadcast_in_dim3A_44 = vector.shape_cast %get3A_43 : vector<64xf32> to vector<1x64xf32>
    %add3A_45 = vector.broadcast %broadcast_in_dim3A_44 : vector<1x64xf32> to vector<10112x64xf32>
    %add3A_46 = arith.addf %mul3A_41, %add3A_45 : vector<10112x64xf32>
    %max3A = arith.constant 0.000000e+00 : f32
    %max3A_47 = vector.broadcast %max3A : f32 to vector<10112x64xf32>
    %max3A_48 = arith.maximumf %add3A_46, %max3A_47 : vector<10112x64xf32>
    %get3A_49 = arith.constant 0 : index
    %get3A_50 = arith.constant 0 : index
    %get3A_51 = vector.load %arg6[%get3A_49, %get3A_50] : memref<64x32xf32, #tpu.memory_space<vmem>>, vector<64x32xf32>
    %dot_general3A = arith.constant dense<0.000000e+00> : vector<10112x32xf32>
    %dot_general3A_52 = tpu.matmul %max3A_48, %get3A_51, %dot_general3A {dimension_numbers = #tpu.dot_dimension_numbers<[1], [0], [0], [1], [0, 0, 1, 1], [], []>, transpose_lhs_hint = false} : vector<10112x64xf32>, vector<64x32xf32>, vector<10112x32xf32> -> vector<10112x32xf32>
    %broadcast_in_dim3A_53 = vector.shape_cast %get3A_0 : vector<10112xf32> to vector<10112x1xf32>
    %mul3A_54 = vector.broadcast %broadcast_in_dim3A_53 : vector<10112x1xf32> to vector<10112x32xf32>
    %mul3A_55 = arith.mulf %dot_general3A_52, %mul3A_54 : vector<10112x32xf32>
    %swap3A = arith.constant 0 : index
    %swap3A_56 = arith.constant 0 : index
    %swap3A_57 = vector.load %arg7[%swap3A, %swap3A_56] : memref<10112x32xf32, #tpu.memory_space<vmem>>, vector<10112x32xf32>
    tpu.vector_store %arg7[%swap3A, %swap3A_56], %mul3A_55 {strides = array<i32>} : memref<10112x32xf32, #tpu.memory_space<vmem>>, vector<10112x32xf32>,
    return
  }
}

module attributes {stable_mosaic.version = 14 : i64} {
  func.func @_final_body(%arg0: memref<10112x128xf32, #tpu.memory_space<vmem>>, %arg1: memref<10112x32xf32, #tpu.memory_space<vmem>>, %arg2: memref<10112xf32, #tpu.memory_space<vmem>>, %arg3: memref<32xf32, #tpu.memory_space<vmem>>, %arg4: memref<10000x32xf32, #tpu.memory_space<vmem>>) attributes {dimension_semantics = [], scalar_prefetch = 0 : i64, scratch_operands = 0 : i64, tpu.core_type = #tpu.core_type<tc>} {
    %get3A = arith.constant 0 : index
    %get3A_0 = arith.constant 0 : index
    %get3A_1 = vector.load %arg0[%get3A, %get3A_0] : memref<10112x128xf32, #tpu.memory_space<vmem>>, vector<10112x32xf32>
    %get3A_2 = arith.constant 0 : index
    %get3A_3 = arith.constant 32 : index
    %get3A_4 = vector.load %arg0[%get3A_2, %get3A_3] : memref<10112x128xf32, #tpu.memory_space<vmem>>, vector<10112x32xf32>
    %add3A = arith.addf %get3A_1, %get3A_4 : vector<10112x32xf32>
    %get3A_5 = arith.constant 0 : index
    %get3A_6 = vector.load %arg2[%get3A_5] : memref<10112xf32, #tpu.memory_space<vmem>>, vector<10112xf32>
    %broadcast_in_dim3A = vector.shape_cast %get3A_6 : vector<10112xf32> to vector<10112x1xf32>
    %get3A_7 = arith.constant 0 : index
    %get3A_8 = arith.constant 0 : index
    %get3A_9 = vector.load %arg1[%get3A_7, %get3A_8] : memref<10112x32xf32, #tpu.memory_space<vmem>>, vector<10112x32xf32>
    %add3A_10 = arith.addf %add3A, %get3A_9 : vector<10112x32xf32>
    %mul3A = vector.broadcast %broadcast_in_dim3A : vector<10112x1xf32> to vector<10112x32xf32>
    %mul3A_11 = arith.mulf %mul3A, %add3A_10 : vector<10112x32xf32>
    %get3A_12 = arith.constant 0 : index
    %get3A_13 = vector.load %arg3[%get3A_12] : memref<32xf32, #tpu.memory_space<vmem>>, vector<32xf32>
    %broadcast_in_dim3A_14 = vector.shape_cast %get3A_13 : vector<32xf32> to vector<1x32xf32>
    %add3A_15 = vector.broadcast %broadcast_in_dim3A_14 : vector<1x32xf32> to vector<10112x32xf32>
    %add3A_16 = arith.addf %mul3A_11, %add3A_15 : vector<10112x32xf32>
    %slice3A = vector.extract_strided_slice %add3A_16 {offsets = [0, 0], sizes = [10000, 32], strides = [1, 1]} : vector<10112x32xf32> to vector<10000x32xf32>
    %swap3A = arith.constant 0 : index
    %swap3A_17 = arith.constant 0 : index
    %swap3A_18 = vector.load %arg4[%swap3A, %swap3A_17] : memref<10000x32xf32, #tpu.memory_space<vmem>>, vector<10000x32xf32>
    tpu.vector_store %arg4[%swap3A, %swap3A_17], %slice3A {strides = array<i32>} : memref<10000x32xf32, #tpu.memory_space<vmem>>, vector<10000x32xf32>,
    return
  }
}

</mosaic_0001>

<sc_bundles>
// kernel: kernel.12.cloned.1.call-start
scs
__scs_entry_jumppad:
0x0: {  	(pc) =	sbr.rel $0x88, $3  }
0x1: {  	(tag) =	ssettag $0x0;
	lr =	simm.s32 $0x1  }
0x2: {  	[smem:$0x3F99] =	sst lr;
	_ =	strace $0xD0000000  }
0x3: {  	_ = 	snop  }
0x4: {  	_ = 	snop  }
0x5: {  	_ = 	snop  }
0x6: {  	_ = 	snop  }
0x7: {  	_ = 	snop  }
__scs_overlays_trampoline_lowered:
0x8: {  	[smem:$0x3FA8] =	sst s0  }
0x9: {  	[smem:$0x3FA9] =	sst s1  }
0xa: {  	[smem:$0x3FAA] =	sst s2  }
0xb: {  	[smem:$0x3FAB] =	sst s3  }
0xc: {  	[smem:$0x3FAC] =	sst s4  }
0xd: {  	[smem:$0x3FAD] =	sst s5  }
0xe: {  	[smem:$0x3FAE] =	sst s6  }
0xf: {  	[smem:$0x3FAF] =	sst s7  }
0x10: {  	[smem:$0x3FB0] =	sst s8  }
0x11: {  	[smem:$0x3FB1] =	sst s9;
	s0 =	simm.s32 @!p0 $0x0  }
0x12: {  	s1 =	sld [smem:$0x3F97];
	s0 =	simm.s32 @p0 $0x1  }
0x13: {  	[smem:$0x3FB2] =	sst s0;
	s0 =	simm.s32 @!p1 $0x0  }
0x14: {  	s2 =	sld [smem:$0x3F96];
	s0 =	simm.s32 @p1 $0x1  }
0x15: {  	[smem:$0x3FB3] =	sst s0;
	s0 =	simm.s32 @!p2 $0x0  }
0x16: {  	s3 =	sld [smem:$0x3FDB];
	s0 =	simm.s32 @p2 $0x1  }
0x17: {  	s4 =	simm.s32 $0x1BF5;
	[smem:$0x3FB5] =	sst s0  }
0x18: {  	s0 =	sld [smem:$0x3F98];
	_ =	swait.ge [sflag:s4], $0x0  }
0x19: {  	s7 =	sld [smem:$0x3F99]  }
0x1a: {  	s8 =	sadd.s32 $0xFFFFE003, lr  }
0x1b: {  	s9 =	sadd.s32 $0xFFFFFEF7, lr;
	s5 =	simm.s32 $0xFFFFFFFF;
	p2 =	slt.u32 s8, $0xFFFFF086  }
0x1c: {  	p1 =	slt.u32 s9, $0xF7A;
	s5 =	simm.s32 @!p2 $0x0  }
0x1d: {  	s5 =	simm.s32 @p1 $0x1;
	p0 =	seq.s32 s7, s2  }
0x1e: {  	s7 =	smul.u32 @!p0 $0xF7A, s2;
	p2 =	seq.s32 @!p0 s5, $0x0  }
0x1f: {  	s9 =	smul.u32 $0xF7A, s1;
	s8 =	simm.s32 @!p0 $0x1BF5;
	p2 =	por !p2, p0  }
0x20: {  	[sflag:s8] =	ssyncset.s32 @!p0 $0xFFFFF086;
	s6 =	sadd.s32 @!p0 s3, s7;
	s7 =	simm.s32 @!p0 $0x108  }
0x21: {  	s3 =	sadd.s32 s3, s9;
	s6 =	sadd.s32 @!p0 $0x88, s6;
	s7 =	simm.s32 @p2 $0x1082  }
0x22: {  	[simem:s7], [sflag:s8] =	dma.local @!p0 [hbm:s6], $0xF7A  }
0x23: {  	s9 =	sor.u32 $0xD0000000, s2;
	s6 =	simm.s32 $0x108;
	_ =	swait.ge @!p0 [sflag:s8], $0x0  }
0x24: {  	s3 =	sadd.s32 $0x88, s3;
	s6 =	simm.s32 @!p1 $0x1082;
	[sflag:s4] =	ssyncset.s32 $0xFFFFF086  }
0x25: {  	[simem:s6], [sflag:s4] =	dma.local [hbm:s3], $0xF7A  }
0x26: {  	[smem:$0x3F99] =	sst s1;
	(tag) =	ssettag s2;
	_ =	strace s9  }
0x27: {  	s1 =	sld [smem:$0x3FA9]  }
0x28: {  	s2 =	sld [smem:$0x3FAA]  }
0x29: {  	s4 =	sld [smem:$0x3FAC]  }
0x2a: {  	p0 =	seq.s32 s5, $0x0;
	s5 =	sld [smem:$0x3FAD]  }
0x2b: {  	s6 =	sld [smem:$0x3FAE]  }
0x2c: {  	s7 =	sld [smem:$0x3FAF]  }
0x2d: {  	s3 =	simm.s32 $0x108;
	s8 =	sld [smem:$0x3FB0]  }
0x2e: {  	s3 =	simm.s32 @!p0 $0x1082;
	s9 =	sld [smem:$0x3FB1]  }
0x2f: {  	lr =	sadd.s32 s0, s3;
	s0 =	sld [smem:$0x3FA8]  }
0x30: {  	s3 =	sld [smem:$0x3FAB]  }
0x31: {  	[smem:$0x3FB4] =	sst s10  }
0x32: {  	s10 =	sld [smem:$0x3FB2];
	_ =	sdelay $0x3  }
0x33: {  	p0 =	seq.s32 s10, $0x1;
	s10 =	sld [smem:$0x3FB4];
	_ =	sdelay $0x3  }
0x34: {  	[smem:$0x3FB4] =	sst s10  }
0x35: {  	s10 =	sld [smem:$0x3FB3];
	_ =	sdelay $0x3  }
0x36: {  	p1 =	seq.s32 s10, $0x1;
	s10 =	sld [smem:$0x3FB4];
	_ =	sdelay $0x3  }
0x37: {  	[smem:$0x3FB4] =	sst s10  }
0x38: {  	s10 =	sld [smem:$0x3FB5]  }
0x39: {  	_ = 	snop;
	(pc) =	sbr.ind lr, $3  }
0x3a: {  	_ = 	snop  }
0x3b: {  	_ = 	snop  }
0x3c: {  	p2 =	seq.s32 s10, $0x1;
	s10 =	sld [smem:$0x3FB4]  }
0x3d: {  	_ =	shalt  }
0x3e: {  	_ =	shalt  }
0x3f: {  	_ =	shalt  }
0x40: {  	_ =	shalt  }
0x41: {  	_ =	shalt  }
0x42: {  	_ =	shalt  }
0x43: {  	_ =	shalt  }
0x44: {  	_ =	shalt  }
0x45: {  	_ =	shalt  }
0x46: {  	_ =	shalt  }
0x47: {  	_ =	shalt  }
0x48: {  	_ =	shalt  }
0x49: {  	_ =	shalt  }
0x4a: {  	_ =	shalt  }
0x4b: {  	_ =	shalt  }
0x4c: {  	_ =	shalt  }
0x4d: {  	_ =	shalt  }
0x4e: {  	_ =	shalt  }
0x4f: {  	_ =	shalt  }
0x50: {  	_ =	shalt  }
0x51: {  	_ =	shalt  }
0x52: {  	_ =	shalt  }
0x53: {  	_ =	shalt  }
0x54: {  	_ =	shalt  }
0x55: {  	_ =	shalt  }
0x56: {  	_ =	shalt  }
0x57: {  	_ =	shalt  }
0x58: {  	_ =	shalt  }
0x59: {  	_ =	shalt  }
0x5a: {  	_ =	shalt  }
0x5b: {  	_ =	shalt  }
0x5c: {  	_ =	shalt  }
0x5d: {  	_ =	shalt  }
0x5e: {  	_ =	shalt  }
0x5f: {  	_ =	shalt  }
0x60: {  	_ =	shalt  }
0x61: {  	_ =	shalt  }
0x62: {  	_ =	shalt  }
0x63: {  	_ =	shalt  }
0x64: {  	_ =	shalt  }
0x65: {  	_ =	shalt  }
0x66: {  	_ =	shalt  }
0x67: {  	_ =	shalt  }
0x68: {  	_ =	shalt  }
0x69: {  	_ =	shalt  }
0x6a: {  	_ =	shalt  }
0x6b: {  	_ =	shalt  }
0x6c: {  	_ =	shalt  }
0x6d: {  	_ =	shalt  }
0x6e: {  	_ =	shalt  }
0x6f: {  	_ =	shalt  }
0x70: {  	_ =	shalt  }
0x71: {  	_ =	shalt  }
0x72: {  	_ =	shalt  }
0x73: {  	_ =	shalt  }
0x74: {  	_ =	shalt  }
0x75: {  	_ =	shalt  }
0x76: {  	_ =	shalt  }
0x77: {  	_ =	shalt  }
0x78: {  	_ =	shalt  }
0x79: {  	_ =	shalt  }
0x7a: {  	_ =	shalt  }
0x7b: {  	_ =	shalt  }
0x7c: {  	_ =	shalt  }
0x7d: {  	_ =	shalt  }
0x7e: {  	_ =	shalt  }
0x7f: {  	_ =	shalt  }
0x80: {  	_ =	shalt  }
0x81: {  	_ =	shalt  }
0x82: {  	_ =	shalt  }
0x83: {  	_ =	shalt  }
0x84: {  	_ =	shalt  }
0x85: {  	_ =	shalt  }
0x86: {  	_ =	shalt  }
0x87: {  	_ =	shalt  }
.Lfunc_end0:
.L_simem_size_0:
called_computation.1_lowered:
.L_overlay_start_0:
0x88: {  	s2 =	sld [smem:$0x3FD9]  }
0x89: {  	s3 =	sld [smem:$0x3FFE];
	_ =	sdelay $0x1  }
0x8a: {  	s1 =	srdreg.scid  }
0x8b: {  	s0 =	sand.u32 $0x1, s1  }
0x8c: {  	s16 =	sshll.u32 s0, $0xA;
	s2 =	sadd.s32 s3, s2  }
0x8d: {  	s2 =	sadd.s32 s2, s16  }
0x8e: {  	[smem:$0x3FC0] =	sst s2  }
0x8f: {  	_ = 	snop  }
0x90: {  	(tm) =	ssettm $0x1  }
0x91: {  	s17 =	sld [smem:$0x3FFB];
	_ =	sdelay $0x3  }
0x92: {  	_ =	strace s17  }
0x93: {  	s2 =	sld [smem:$0x3FFC];
	_ =	sdelay $0x3  }
0x94: {  	_ =	strace s2  }
0x95: {  	s2 =	sld [smem:$0x3FFD];
	_ =	sdelay $0x3  }
0x96: {  	_ =	strace s2  }
0x97: {  	_ =	strace $0x8FFFFFFF  }
0x98: {  	s18 =	sld [smem:$0x3FDB];
	_ =	sdelay $0x1  }
0x99: {  	s19 =	simm.s32 $_scs_section_size  }
0x9a: {  	s4 =	simm.s32 $_size__tile_overlayer_lowered;
	s5 =	simm.s32 $_tile_overlayer_lowered  }
0x9b: {  	s22 =	simm.s32 $0x1BFF;
	s21 =	sshll.u32 s5, $0x1;
	s2 =	sadd.s32 s19, s18  }
0x9c: {  	s6 =	simm.s32 $0x0;
	s20 =	sshll.u32 s4, $0x1;
	s4 =	sadd.s32 s21, s2  }
0x9d: {  	[timem:s6], [sflag:s22] =	dma.local [hbm:s4], s20  }
0x9e: {  	_ =	swait.ge [sflag:s22], s20  }
0x9f: {  	s3 =	ssub.s32 $0x0, s20;
	[sflag:s22] =	ssyncset.done $0x0  }
0xa0: {  	[sflag:s22] =	ssyncadd.s32 s3;
	_ =	sdelay $0x1  }
0xa1: {  	s23 =	simm.s32 $0x1B8B  }
0xa2: {  	_ =	swait.ge [sflag:s23], $0x1  }
0xa3: {  	[sflag:s23] =	ssyncset.done $0x0  }
0xa4: {  	s25 =	simm.s32 $0x1B8E;
	s24 =	sld [smem:$0x3FFE];
	[sflag:s23] =	ssyncadd.s32 $0xFFFFFFFF  }
0xa5: {  	s26 =	simm.s32 $execute0_lowered;
	[smem:$0x3FD2] =	sst s25  }
0xa6: {  	s4 =	sshll.u32 s26, $0x1;
	_ =	strace $0x80000049;
	[dreg:$0x1] =	wrdreg $0xFFFFFFFF  }
0xa7: {  	s28 =	simm.s32 $_size_execute0_lowered;
	s2 =	sadd.s32 s2, s4;
	[dreg:$0x0] =	wrdreg $0x0  }
0xa8: {  	s4 =	sshll.u32 s28, $0x1;
	[dreg:$0x2] =	wrdreg s2  }
0xa9: {  	[dreg:$0x3] =	wrdreg s4  }
0xaa: {  	[dreg:$0x4] =	wrdreg $0xC0  }
0xab: {  	_ =	task [dreg:s6], $0x5FFFF  }
0xac: {  	[dreg:$0x1] =	wrdreg $0xFFFFFFFF  }
0xad: {  	[dreg:$0x0] =	wrdreg $0x60  }
0xae: {  	[dreg:$0x2] =	wrdreg s24  }
0xaf: {  	[dreg:$0x3] =	wrdreg $0x0  }
0xb0: {  	[dreg:$0x4] =	wrdreg $0x9  }
0xb1: {  	_ =	task.clear_ibuf [dreg:s6], $0x5FFFF;
	_ =	strace $0x90000049  }
0xb2: {  	s29 =	simm.s32 $0x9;
	_ =	strace $0x8000004B  }
0xb3: {  	_ =	swait.ge [sflag:s29], $0x1  }
0xb4: {  	[sflag:s29] =	ssyncadd.s32 $0xFFFFFFFF  }
0xb5: {  	_ =	strace $0x9000004B  }
0xb6: {  	_ =	sfence  }
0xb7: {  	s30 =	sld [smem:$0x0];
	_ =	sdelay $0x2  }
0xb8: {  	s31 =	sshll.u32 s1, $0xD;
	s1 =	sshrl.u32 s1, $0x2  }
0xb9: {  	s3 =	sand.u32 $0x4000, s31;
	s1 =	sadd.s32 s1, s30  }
0xba: {  	s0 =	sor.u32 s3, s0;
	s1 =	sshll.u32 s1, $0x11  }
0xbb: {  	s0 =	sor.u32 s1, s0  }
0xbc: {  	s0 =	sadd.s32 $0x8F2B, s0  }
0xbd: {  	[sflag:s0] =	ssyncadd.remote.s32 $0x1  }
0xbe: {  	_ =	sfence.sel $0xFFFF  }
0xbf: {  	[dreg:$0x0] =	wrdreg $0xFFFFFFFF;
	(pc) =	sbr.abs _section_cstart, $3  }
0xc0: {  	[dreg:$0x1] =	wrdreg $0xFFFFFFFF  }
0xc1: {  	_ =	task.clear_ibuf [dreg:s6], $0x2FFFF;
	_ =	strace $0x9FFFFFFF  }
0xc2: {  	(tm) =	ssettm $0x7FFFFFFF  }
0xc3: {  	_ =	shalt  }
tec
execute0_lowered:
.L_overlay_start_1:
0x0: {  	(tag) =	ssettag $0x1  }
0x1: {  	s0 =	srdreg.scid  }
0x2: {  	s8 =	stileid.u32;
	s1 =	rddreg [dreg:$0x0]  }
0x3: {  	s2 =	rddreg [dreg:$0x1];
	s4 =	simm.s32 $0x0;
	s12 =	simm.s32 $0xD  }
0x4: {  	s15 =	simm.s32 $0x7D;
	s16 =	simm.s32 $0xEE00;
	s17 =	simm.s32 $0x10D40  }
0x5: {  	s18 =	simm.s32 $0x12C80;
	s19 =	simm.s32 $0x14BC0;
	s20 =	simm.s32 $0x1  }
0x6: {  	s21 =	simm.s32 $0x2;
	s22 =	simm.s32 $0x3;
	s28 =	simm.s32 $0x1C8C0  }
0x7: {  	s30 =	simm.s32 $0x6;
	s31 =	simm.s32 $0x7;
	s13 =	simm.s32 $0xA  }
0x8: {  	s14 =	simm.s32 $0xB;
	s0 =	sand.u32 $0x1, s0;
	s5 =	smul.u32 $0x13C00, s8  }
0x9: {  	s3 =	sshll.u32 s8, $0x1;
	[smem:$0x7FF] =	sst s4;
	s6 =	smul.u32 $0x9E00, s8  }
0xa: {  	s4 =	sadd.s32 $0xC000, s1;
	s26 =	sshll.u32 s8, $0x6;
	s3 =	sor.u32 s0, s3  }
0xb: {  	_ =	strace $0x8000004A;
	s7 =	sshll.u32 s0, $0x6;
	s0 =	ssub.s32 $0x2, s0  }
0xc: {  	s3 =	smul.u32 $0x500, s3;
	s5 =	sor.u32 s7, s5;
	s23 =	sshrl.u32 s6, $0x3  }
0xd: {  	s24 =	sshrl.u32 s0, $0x1;
	s25 =	sadd.s32 s6, s2;
	s6 =	sor.u32 $0x1C0D, s26  }
0xe: {  	s26 =	simm.s32 $0x1A980;
	s5 =	sshrl.u32 s5, $0x3;
	s7 =	sadd.s32 s23, s1  }
0xf: {  	s0 =	ssub.s32 s0, s24;
	s11 =	sshrl.u32 s25, $0x3;
	s23 =	simm.s32 $0x4  }
0x10: {  	s24 =	simm.s32 $0x16B00;
	s25 =	simm.s32 $0x18A40;
	s7 =	sadd.s32 $0x1FC00, s7  }
0x11: {  	s3 =	sadd.s32 s3, s1;
	s0 =	smax.u32 s0, $0x1;
	[dreg:$0x3] =	wrdreg s7  }
0x12: {  	s1 =	sadd.s32 s5, s1;
	s29 =	sadd.s32 $0x33A00, s3;
	[dreg:$0x7] =	wrdreg s0  }
0x13: {  	s5 =	simm.s32 $0x0;
	s3 =	sadd.s32 $0x2000, s3;
	[dreg:$0x4] =	wrdreg s29  }
0x14: {  	s1 =	sadd.s32 $0x3DA00, s1;
	s0 =	simm.s32 $0x9;
	[dreg:$0x5] =	wrdreg s3  }
0x15: {  	[dreg:$0x6] =	wrdreg s1;
	s1 =	simm.s32 $0x8;
	s3 =	simm.s32 $0xC  }
.LBB2_1:
0x16: {  	s7 =	rddreg [dreg:$0x3]  }
0x17: {  	[spmem:s11], [sflag:s6] =	dma.local [hbm:s7], $0x13C0  }
0x18: {  	_ =	swait.ge [sflag:s12], $0x13C0  }
0x19: {  	s9 =	simm.s32 $0x9E00;
	[sflag:s12] =	ssyncset.done $0x0  }
0x1a: {  	s7 =	simm.s32 $0x0;
	s8 =	rddreg [dreg:$0x4];
	[sflag:s12] =	ssyncadd.s32 $0xFFFFEC40  }
0x1b: {  	[tilespmem:s9], [sflag:$0xD] =	stream.linear.gather [hbm4b:s8+s7], $0x2800, $0x38;
	[tilespmem:$0x1E800] =	vst v63  }
0x1c: {  	_ =	swait.ge [sflag:s12], $0x2800  }
0x1d: {  	[sflag:s12] =	ssyncset.done $0x0  }
0x1e: {  	s29 =	simm.s32 $0xC600;
	s10 =	rddreg [dreg:$0x5];
	[sflag:s12] =	ssyncadd.s32 $0xFFFFD800  }
0x1f: {  	[tilespmem:s29], [sflag:$0xD] =	stream.linear.gather [hbm4b:s10+s7], $0x2800, $0x38;
	[tilespmem:$0x1E800] =	vst v63  }
0x20: {  	_ =	swait.ge [sflag:s12], $0x2800  }
0x21: {  	[sflag:s12] =	ssyncset.done $0x0  }
0x22: {  	p0 =	por $0x1, $0x1;
	[sflag:s12] =	ssyncadd.s32 $0xFFFFD800  }
0x23: {  	s7 =	simm.s32 @!p0 $0x5;
	[bflag:$0x0] =	sbarrier.arrive $0xFFFF  }
0x24: {  	_ =	swait.ge @!p0 [sflag:s7], $0x1F40  }
0x25: {  	[sflag:s7] =	ssyncset.done @!p0 $0x0  }
0x26: {  	[sflag:s7] =	ssyncadd.s32 @!p0 $0xFFFFE0C0;
	s7 =	simm.s32 @!p0 $0x6  }
0x27: {  	_ =	swait.ge @!p0 [sflag:s7], $0x1F40  }
0x28: {  	[sflag:s7] =	ssyncset.done @!p0 $0x0  }
0x29: {  	[sflag:s7] =	ssyncadd.s32 @!p0 $0xFFFFE0C0;
	s7 =	simm.s32 @!p0 $0x7  }
0x2a: {  	_ =	swait.ge @!p0 [sflag:s7], $0x1F40  }
0x2b: {  	[sflag:s7] =	ssyncset.done @!p0 $0x0  }
0x2c: {  	[sflag:s7] =	ssyncadd.s32 @!p0 $0xFFFFE0C0;
	s7 =	simm.s32 @!p0 $0x8  }
0x2d: {  	_ =	swait.ge @!p0 [sflag:s7], $0x1F40  }
0x2e: {  	[sflag:s7] =	ssyncset.done @!p0 $0x0  }
0x2f: {  	s8 =	simm.s32 $0x9E00;
	[sflag:s7] =	ssyncadd.s32 @!p0 $0xFFFFE0C0  }
0x30: {  	[tilespmem:s16], [sflag:$0x1] =	stream.indirect.gather [hbm4b:s4+s15], $0x40, s8, s15, $0xb8;
	[tilespmem:$0x1E800] =	vst v63  }
0x31: {  	s9 =	simm.s32 $0x9E80  }
0x32: {  	[tilespmem:s17], [sflag:$0x2] =	stream.indirect.gather [hbm4b:s4+s15], $0x40, s9, s15, $0xb8;
	[tilespmem:$0x1E800] =	vst v63  }
0x33: {  	s10 =	simm.s32 $0x9F00  }
0x34: {  	[tilespmem:s18], [sflag:$0x3] =	stream.indirect.gather [hbm4b:s4+s15], $0x40, s10, s15, $0xb8;
	[tilespmem:$0x1E800] =	vst v63  }
0x35: {  	s29 =	simm.s32 $0x9F80  }
0x36: {  	[tilespmem:s19], [sflag:$0x4] =	stream.indirect.gather [hbm4b:s4+s15], $0x40, s29, s15, $0xb8;
	[tilespmem:$0x1E800] =	vst v63  }
0x37: {  	_ =	swait.ge [sflag:s20], $0x1F40  }
0x38: {  	[sflag:s20] =	ssyncset.done $0x0  }
0x39: {  	s8 =	simm.s32 $0xC600;
	[sflag:s20] =	ssyncadd.s32 $0xFFFFE0C0  }
0x3a: {  	[spmem:s2] =	stream.indirect.scatter.add.f32 [tilespmem:s16], [sflag:$0x5], $0x40, s8, s15, $0xb8;
	[tilespmem:$0x1E800] =	vst v63  }
0x3b: {  	_ =	swait.ge [sflag:s21], $0x1F40  }
0x3c: {  	[sflag:s21] =	ssyncset.done $0x0  }
0x3d: {  	s9 =	simm.s32 $0xC680;
	[sflag:s21] =	ssyncadd.s32 $0xFFFFE0C0  }
0x3e: {  	[spmem:s2] =	stream.indirect.scatter.add.f32 [tilespmem:s17], [sflag:$0x6], $0x40, s9, s15, $0xb8;
	[tilespmem:$0x1E800] =	vst v63  }
0x3f: {  	_ =	swait.ge [sflag:s22], $0x1F40  }
0x40: {  	[sflag:s22] =	ssyncset.done $0x0  }
0x41: {  	s10 =	simm.s32 $0xC700;
	[sflag:s22] =	ssyncadd.s32 $0xFFFFE0C0  }
0x42: {  	[spmem:s2] =	stream.indirect.scatter.add.f32 [tilespmem:s18], [sflag:$0x7], $0x40, s10, s15, $0xb8;
	[tilespmem:$0x1E800] =	vst v63  }
0x43: {  	_ =	swait.ge [sflag:s23], $0x1F40  }
0x44: {  	[sflag:s23] =	ssyncset.done $0x0  }
0x45: {  	s29 =	simm.s32 $0xC780;
	s8 =	simm.s32 @!p0 $0x9;
	[sflag:s23] =	ssyncadd.s32 $0xFFFFE0C0  }
0x46: {  	[spmem:s2] =	stream.indirect.scatter.add.f32 [tilespmem:s19], [sflag:$0x8], $0x40, s29, s15, $0xb8;
	[tilespmem:$0x1E800] =	vst v63  }
0x47: {  	_ =	swait.ge @!p0 [sflag:s8], $0x1F40  }
0x48: {  	[sflag:s8] =	ssyncset.done @!p0 $0x0  }
0x49: {  	s7 =	simm.s32 @!p0 $0xA;
	[sflag:s8] =	ssyncadd.s32 @!p0 $0xFFFFE0C0  }
0x4a: {  	_ =	swait.ge @!p0 [sflag:s7], $0x1F40  }
0x4b: {  	[sflag:s7] =	ssyncset.done @!p0 $0x0  }
0x4c: {  	[sflag:s7] =	ssyncadd.s32 @!p0 $0xFFFFE0C0;
	s7 =	simm.s32 @!p0 $0xB  }
0x4d: {  	_ =	swait.ge @!p0 [sflag:s7], $0x1F40  }
0x4e: {  	[sflag:s7] =	ssyncset.done @!p0 $0x0  }
0x4f: {  	[sflag:s7] =	ssyncadd.s32 @!p0 $0xFFFFE0C0;
	s7 =	simm.s32 @!p0 $0xC  }
0x50: {  	_ =	swait.ge @!p0 [sflag:s7], $0x1F40  }
0x51: {  	[sflag:s7] =	ssyncset.done @!p0 $0x0  }
0x52: {  	s9 =	simm.s32 $0xA000;
	[sflag:s7] =	ssyncadd.s32 @!p0 $0xFFFFE0C0  }
0x53: {  	[tilespmem:s24], [sflag:$0x1] =	stream.indirect.gather [hbm4b:s4+s15], $0x40, s9, s15, $0xb8;
	[tilespmem:$0x1E800] =	vst v63  }
0x54: {  	s10 =	simm.s32 $0xA080  }
0x55: {  	[tilespmem:s25], [sflag:$0x2] =	stream.indirect.gather [hbm4b:s4+s15], $0x40, s10, s15, $0xb8;
	[tilespmem:$0x1E800] =	vst v63  }
0x56: {  	s29 =	simm.s32 $0xA100  }
0x57: {  	[tilespmem:s26], [sflag:$0x3] =	stream.indirect.gather [hbm4b:s4+s15], $0x40, s29, s15, $0xb8;
	[tilespmem:$0x1E800] =	vst v63  }
0x58: {  	s8 =	simm.s32 $0xA180  }
0x59: {  	[tilespmem:s28], [sflag:$0x4] =	stream.indirect.gather [hbm4b:s4+s15], $0x40, s8, s15, $0xb8;
	[tilespmem:$0x1E800] =	vst v63  }
0x5a: {  	_ =	swait.ge [sflag:s20], $0x1F40  }
0x5b: {  	[sflag:s20] =	ssyncset.done $0x0  }
0x5c: {  	s9 =	simm.s32 $0xC800;
	[sflag:s20] =	ssyncadd.s32 $0xFFFFE0C0  }
0x5d: {  	[spmem:s2] =	stream.indirect.scatter.add.f32 [tilespmem:s24], [sflag:$0x9], $0x40, s9, s15, $0xb8;
	[tilespmem:$0x1E800] =	vst v63  }
0x5e: {  	_ =	swait.ge [sflag:s21], $0x1F40  }
0x5f: {  	[sflag:s21] =	ssyncset.done $0x0  }
0x60: {  	s10 =	simm.s32 $0xC880;
	[sflag:s21] =	ssyncadd.s32 $0xFFFFE0C0  }
0x61: {  	[spmem:s2] =	stream.indirect.scatter.add.f32 [tilespmem:s25], [sflag:$0xA], $0x40, s10, s15, $0xb8;
	[tilespmem:$0x1E800] =	vst v63  }
0x62: {  	_ =	swait.ge [sflag:s22], $0x1F40  }
0x63: {  	[sflag:s22] =	ssyncset.done $0x0  }
0x64: {  	s29 =	simm.s32 $0xC900;
	[sflag:s22] =	ssyncadd.s32 $0xFFFFE0C0  }
0x65: {  	[spmem:s2] =	stream.indirect.scatter.add.f32 [tilespmem:s26], [sflag:$0xB], $0x40, s29, s15, $0xb8;
	[tilespmem:$0x1E800] =	vst v63  }
0x66: {  	s7 =	simm.s32 $0x1000;
	p0 =	por $0x0, $0x0;
	_ =	swait.ge [sflag:s23], $0x1F40  }
0x67: {  	s8 =	simm.s32 $0x2000;
	s9 =	simm.s32 $0xC980;
	[sflag:s23] =	ssyncset.done $0x0  }
.LBB2_2:
0x68: {  	s10 =	simm.s32 @!p0 $0x5  }
0x69: {  	[sflag:s23] =	ssyncadd.s32 $0xFFFFE0C0;
	s29 =	smov.u32 s8;
	s8 =	sadd.s32 $0x1000, s8  }
0x6a: {  	[spmem:s2] =	stream.indirect.scatter.add.f32 [tilespmem:s28], [sflag:$0xC], $0x40, s9, s15, $0xb8;
	[tilespmem:$0x1E800] =	vst v63  }
0x6b: {  	p1 =	sne.s32 s8, $0xA000;
	_ =	swait.ge @!p0 [sflag:s10], $0x1F40  }
0x6c: {  	[sflag:s10] =	ssyncset.done @!p0 $0x0  }
0x6d: {  	s9 =	simm.s32 @!p0 $0x6;
	[sflag:s10] =	ssyncadd.s32 @!p0 $0xFFFFE0C0  }
0x6e: {  	_ =	swait.ge @!p0 [sflag:s9], $0x1F40  }
0x6f: {  	[sflag:s9] =	ssyncset.done @!p0 $0x0  }
0x70: {  	[sflag:s9] =	ssyncadd.s32 @!p0 $0xFFFFE0C0;
	s9 =	simm.s32 @!p0 $0x7  }
0x71: {  	_ =	swait.ge @!p0 [sflag:s9], $0x1F40  }
0x72: {  	[sflag:s9] =	ssyncset.done @!p0 $0x0  }
0x73: {  	s10 =	simm.s32 @!p0 $0x8;
	[sflag:s9] =	ssyncadd.s32 @!p0 $0xFFFFE0C0  }
0x74: {  	_ =	swait.ge @!p0 [sflag:s10], $0x1F40  }
0x75: {  	s9 =	sshra.s32 s7, $0x2;
	s7 =	smov.u32 s29;
	[sflag:s10] =	ssyncset.done @!p0 $0x0  }
0x76: {  	[sflag:s10] =	ssyncadd.s32 @!p0 $0xFFFFE0C0;
	s10 =	sadd.s32 $0x9E00, s9  }
0x77: {  	[tilespmem:s16], [sflag:$0x1] =	stream.indirect.gather [hbm4b:s4+s15], $0x40, s10, s15, $0xb8;
	[tilespmem:$0x1E800] =	vst v63  }
0x78: {  	s10 =	sadd.s32 $0x9E80, s9  }
0x79: {  	[tilespmem:s17], [sflag:$0x2] =	stream.indirect.gather [hbm4b:s4+s15], $0x40, s10, s15, $0xb8;
	[tilespmem:$0x1E800] =	vst v63  }
0x7a: {  	s10 =	sadd.s32 $0x9F00, s9  }
0x7b: {  	[tilespmem:s18], [sflag:$0x3] =	stream.indirect.gather [hbm4b:s4+s15], $0x40, s10, s15, $0xb8;
	[tilespmem:$0x1E800] =	vst v63  }
0x7c: {  	s10 =	sadd.s32 $0x9F80, s9  }
0x7d: {  	[tilespmem:s19], [sflag:$0x4] =	stream.indirect.gather [hbm4b:s4+s15], $0x40, s10, s15, $0xb8;
	[tilespmem:$0x1E800] =	vst v63  }
0x7e: {  	_ =	swait.ge [sflag:s20], $0x1F40  }
0x7f: {  	[sflag:s20] =	ssyncset.done $0x0  }
0x80: {  	s10 =	sadd.s32 $0xC600, s9;
	[sflag:s20] =	ssyncadd.s32 $0xFFFFE0C0  }
0x81: {  	[spmem:s2] =	stream.indirect.scatter.add.f32 [tilespmem:s16], [sflag:$0x5], $0x40, s10, s15, $0xb8;
	[tilespmem:$0x1E800] =	vst v63  }
0x82: {  	_ =	swait.ge [sflag:s21], $0x1F40  }
0x83: {  	[sflag:s21] =	ssyncset.done $0x0  }
0x84: {  	s10 =	sadd.s32 $0xC680, s9;
	[sflag:s21] =	ssyncadd.s32 $0xFFFFE0C0  }
0x85: {  	[spmem:s2] =	stream.indirect.scatter.add.f32 [tilespmem:s17], [sflag:$0x6], $0x40, s10, s15, $0xb8;
	[tilespmem:$0x1E800] =	vst v63  }
0x86: {  	_ =	swait.ge [sflag:s22], $0x1F40  }
0x87: {  	[sflag:s22] =	ssyncset.done $0x0  }
0x88: {  	s10 =	sadd.s32 $0xC700, s9;
	[sflag:s22] =	ssyncadd.s32 $0xFFFFE0C0  }
0x89: {  	[spmem:s2] =	stream.indirect.scatter.add.f32 [tilespmem:s18], [sflag:$0x7], $0x40, s10, s15, $0xb8;
	[tilespmem:$0x1E800] =	vst v63  }
0x8a: {  	_ =	swait.ge [sflag:s23], $0x1F40  }
0x8b: {  	[sflag:s23] =	ssyncset.done $0x0  }
0x8c: {  	s29 =	simm.s32 @!p0 $0x9;
	s10 =	sadd.s32 $0xC780, s9;
	[sflag:s23] =	ssyncadd.s32 $0xFFFFE0C0  }
0x8d: {  	[spmem:s2] =	stream.indirect.scatter.add.f32 [tilespmem:s19], [sflag:$0x8], $0x40, s10, s15, $0xb8;
	[tilespmem:$0x1E800] =	vst v63  }
0x8e: {  	_ =	swait.ge @!p0 [sflag:s29], $0x1F40  }
0x8f: {  	[sflag:s29] =	ssyncset.done @!p0 $0x0  }
0x90: {  	s10 =	simm.s32 @!p0 $0xA;
	[sflag:s29] =	ssyncadd.s32 @!p0 $0xFFFFE0C0  }
0x91: {  	_ =	swait.ge @!p0 [sflag:s10], $0x1F40  }
0x92: {  	[sflag:s10] =	ssyncset.done @!p0 $0x0  }
0x93: {  	[sflag:s10] =	ssyncadd.s32 @!p0 $0xFFFFE0C0;
	s10 =	simm.s32 @!p0 $0xB  }
0x94: {  	_ =	swait.ge @!p0 [sflag:s10], $0x1F40  }
0x95: {  	[sflag:s10] =	ssyncset.done @!p0 $0x0  }
0x96: {  	[sflag:s10] =	ssyncadd.s32 @!p0 $0xFFFFE0C0;
	s10 =	simm.s32 @!p0 $0xC  }
0x97: {  	_ =	swait.ge @!p0 [sflag:s10], $0x1F40  }
0x98: {  	[sflag:s10] =	ssyncset.done @!p0 $0x0  }
0x99: {  	[sflag:s10] =	ssyncadd.s32 @!p0 $0xFFFFE0C0;
	s10 =	sadd.s32 $0xA000, s9  }
0x9a: {  	[tilespmem:s24], [sflag:$0x1] =	stream.indirect.gather [hbm4b:s4+s15], $0x40, s10, s15, $0xb8;
	[tilespmem:$0x1E800] =	vst v63  }
0x9b: {  	s10 =	sadd.s32 $0xA080, s9  }
0x9c: {  	[tilespmem:s25], [sflag:$0x2] =	stream.indirect.gather [hbm4b:s4+s15], $0x40, s10, s15, $0xb8;
	[tilespmem:$0x1E800] =	vst v63  }
0x9d: {  	s10 =	sadd.s32 $0xA100, s9  }
0x9e: {  	[tilespmem:s26], [sflag:$0x3] =	stream.indirect.gather [hbm4b:s4+s15], $0x40, s10, s15, $0xb8;
	[tilespmem:$0x1E800] =	vst v63  }
0x9f: {  	s10 =	sadd.s32 $0xA180, s9  }
0xa0: {  	[tilespmem:s28], [sflag:$0x4] =	stream.indirect.gather [hbm4b:s4+s15], $0x40, s10, s15, $0xb8;
	[tilespmem:$0x1E800] =	vst v63  }
0xa1: {  	_ =	swait.ge [sflag:s20], $0x1F40  }
0xa2: {  	[sflag:s20] =	ssyncset.done $0x0  }
0xa3: {  	s10 =	sadd.s32 $0xC800, s9;
	[sflag:s20] =	ssyncadd.s32 $0xFFFFE0C0  }
0xa4: {  	[spmem:s2] =	stream.indirect.scatter.add.f32 [tilespmem:s24], [sflag:$0x9], $0x40, s10, s15, $0xb8;
	[tilespmem:$0x1E800] =	vst v63  }
0xa5: {  	_ =	swait.ge [sflag:s21], $0x1F40  }
0xa6: {  	[sflag:s21] =	ssyncset.done $0x0  }
0xa7: {  	s10 =	sadd.s32 $0xC880, s9;
	[sflag:s21] =	ssyncadd.s32 $0xFFFFE0C0  }
0xa8: {  	[spmem:s2] =	stream.indirect.scatter.add.f32 [tilespmem:s25], [sflag:$0xA], $0x40, s10, s15, $0xb8;
	[tilespmem:$0x1E800] =	vst v63  }
0xa9: {  	_ =	swait.ge [sflag:s22], $0x1F40  }
.Ltmp0:
0xaa: {  	[sflag:s22] =	ssyncset.done $0x0;
	(pc) =	sbr.rel @p1 .LBB2_2-.Ltmp0, $4  }
0xab: {  	s10 =	sadd.s32 $0xC900, s9;
	[sflag:s22] =	ssyncadd.s32 $0xFFFFE0C0  }
0xac: {  	[spmem:s2] =	stream.indirect.scatter.add.f32 [tilespmem:s26], [sflag:$0xB], $0x40, s10, s15, $0xb8;
	[tilespmem:$0x1E800] =	vst v63  }
0xad: {  	_ =	swait.ge [sflag:s23], $0x1F40  }
0xae: {  	p0 =	seq.s32 s7, $0x0;
	s9 =	sadd.s32 $0xC980, s9;
	[sflag:s23] =	ssyncset.done $0x0  }
0xaf: {  	[sflag:s23] =	ssyncadd.s32 $0xFFFFE0C0;
	s8 =	simm.s32 @!p0 $0x5  }
0xb0: {  	[spmem:s2] =	stream.indirect.scatter.add.f32 [tilespmem:s28], [sflag:$0xC], $0x40, s9, s15, $0xb8;
	[tilespmem:$0x1E800] =	vst v63  }
0xb1: {  	_ =	swait.ge @!p0 [sflag:s8], $0x1F40  }
0xb2: {  	[sflag:s8] =	ssyncset.done @!p0 $0x0  }
0xb3: {  	[sflag:s8] =	ssyncadd.s32 @!p0 $0xFFFFE0C0;
	s8 =	simm.s32 @!p0 $0x6  }
0xb4: {  	_ =	swait.ge @!p0 [sflag:s8], $0x1F40  }
0xb5: {  	[sflag:s8] =	ssyncset.done @!p0 $0x0  }
0xb6: {  	[sflag:s8] =	ssyncadd.s32 @!p0 $0xFFFFE0C0;
	s8 =	simm.s32 @!p0 $0x7  }
0xb7: {  	_ =	swait.ge @!p0 [sflag:s8], $0x1F40  }
0xb8: {  	[sflag:s8] =	ssyncset.done @!p0 $0x0  }
0xb9: {  	[sflag:s8] =	ssyncadd.s32 @!p0 $0xFFFFE0C0;
	s8 =	simm.s32 @!p0 $0x8  }
0xba: {  	_ =	swait.ge @!p0 [sflag:s8], $0x1F40  }
0xbb: {  	s7 =	sshra.s32 s7, $0x2;
	[sflag:s8] =	ssyncset.done @!p0 $0x0  }
0xbc: {  	s9 =	sadd.s32 $0x9E00, s7;
	[sflag:s8] =	ssyncadd.s32 @!p0 $0xFFFFE0C0  }
0xbd: {  	[tilespmem:s16], [sflag:$0x1] =	stream.indirect.gather [hbm4b:s4+s15], $0x40, s9, s15, $0xb8;
	[tilespmem:$0x1E800] =	vst v63  }
0xbe: {  	s10 =	sadd.s32 $0x9E80, s7  }
0xbf: {  	[tilespmem:s17], [sflag:$0x2] =	stream.indirect.gather [hbm4b:s4+s15], $0x40, s10, s15, $0xb8;
	[tilespmem:$0x1E800] =	vst v63  }
0xc0: {  	s29 =	sadd.s32 $0x9F00, s7  }
0xc1: {  	[tilespmem:s18], [sflag:$0x3] =	stream.indirect.gather [hbm4b:s4+s15], $0x40, s29, s15, $0xb8;
	[tilespmem:$0x1E800] =	vst v63  }
0xc2: {  	s9 =	sadd.s32 $0x9F80, s7  }
0xc3: {  	[tilespmem:s19], [sflag:$0x4] =	stream.indirect.gather [hbm4b:s4+s15], $0x40, s9, s15, $0xb8;
	[tilespmem:$0x1E800] =	vst v63  }
0xc4: {  	_ =	swait.ge [sflag:s20], $0x1F40  }
0xc5: {  	[sflag:s20] =	ssyncset.done $0x0  }
0xc6: {  	s10 =	sadd.s32 $0xC600, s7;
	[sflag:s20] =	ssyncadd.s32 $0xFFFFE0C0  }
0xc7: {  	[spmem:s2] =	stream.indirect.scatter.add.f32 [tilespmem:s16], [sflag:$0x5], $0x40, s10, s15, $0xb8;
	[tilespmem:$0x1E800] =	vst v63  }
0xc8: {  	_ =	swait.ge [sflag:s21], $0x1F40  }
0xc9: {  	[sflag:s21] =	ssyncset.done $0x0  }
0xca: {  	s29 =	sadd.s32 $0xC680, s7;
	[sflag:s21] =	ssyncadd.s32 $0xFFFFE0C0  }
0xcb: {  	[spmem:s2] =	stream.indirect.scatter.add.f32 [tilespmem:s17], [sflag:$0x6], $0x40, s29, s15, $0xb8;
	[tilespmem:$0x1E800] =	vst v63  }
0xcc: {  	_ =	swait.ge [sflag:s22], $0x1F40  }
0xcd: {  	[sflag:s22] =	ssyncset.done $0x0  }
0xce: {  	s9 =	sadd.s32 $0xC700, s7;
	[sflag:s22] =	ssyncadd.s32 $0xFFFFE0C0  }
0xcf: {  	[spmem:s2] =	stream.indirect.scatter.add.f32 [tilespmem:s18], [sflag:$0x7], $0x40, s9, s15, $0xb8;
	[tilespmem:$0x1E800] =	vst v63  }
0xd0: {  	_ =	swait.ge [sflag:s23], $0x1F40  }
0xd1: {  	[sflag:s23] =	ssyncset.done $0x0  }
0xd2: {  	s8 =	simm.s32 @!p0 $0x9;
	s10 =	sadd.s32 $0xC780, s7;
	[sflag:s23] =	ssyncadd.s32 $0xFFFFE0C0  }
0xd3: {  	[spmem:s2] =	stream.indirect.scatter.add.f32 [tilespmem:s19], [sflag:$0x8], $0x40, s10, s15, $0xb8;
	[tilespmem:$0x1E800] =	vst v63  }
0xd4: {  	_ =	swait.ge @!p0 [sflag:s8], $0x1F40  }
0xd5: {  	[sflag:s8] =	ssyncset.done @!p0 $0x0  }
0xd6: {  	[sflag:s8] =	ssyncadd.s32 @!p0 $0xFFFFE0C0;
	s8 =	simm.s32 @!p0 $0xA  }
0xd7: {  	_ =	swait.ge @!p0 [sflag:s8], $0x1F40  }
0xd8: {  	[sflag:s8] =	ssyncset.done @!p0 $0x0  }
0xd9: {  	[sflag:s8] =	ssyncadd.s32 @!p0 $0xFFFFE0C0;
	s8 =	simm.s32 @!p0 $0xB  }
0xda: {  	_ =	swait.ge @!p0 [sflag:s8], $0x1F40  }
0xdb: {  	[sflag:s8] =	ssyncset.done @!p0 $0x0  }
0xdc: {  	[sflag:s8] =	ssyncadd.s32 @!p0 $0xFFFFE0C0;
	s8 =	simm.s32 @!p0 $0xC  }
0xdd: {  	_ =	swait.ge @!p0 [sflag:s8], $0x1F40  }
0xde: {  	[sflag:s8] =	ssyncset.done @!p0 $0x0  }
0xdf: {  	s29 =	sadd.s32 $0xA000, s7;
	[sflag:s8] =	ssyncadd.s32 @!p0 $0xFFFFE0C0  }
0xe0: {  	[tilespmem:s24], [sflag:$0x1] =	stream.indirect.gather [hbm4b:s4+s15], $0x40, s29, s15, $0xb8;
	[tilespmem:$0x1E800] =	vst v63  }
0xe1: {  	s9 =	sadd.s32 $0xA080, s7  }
0xe2: {  	[tilespmem:s25], [sflag:$0x2] =	stream.indirect.gather [hbm4b:s4+s15], $0x40, s9, s15, $0xb8;
	[tilespmem:$0x1E800] =	vst v63  }
0xe3: {  	s10 =	sadd.s32 $0xA100, s7  }
0xe4: {  	[tilespmem:s26], [sflag:$0x3] =	stream.indirect.gather [hbm4b:s4+s15], $0x40, s10, s15, $0xb8;
	[tilespmem:$0x1E800] =	vst v63  }
0xe5: {  	s29 =	sadd.s32 $0xA180, s7  }
0xe6: {  	[tilespmem:s28], [sflag:$0x4] =	stream.indirect.gather [hbm4b:s4+s15], $0x40, s29, s15, $0xb8;
	[tilespmem:$0x1E800] =	vst v63  }
0xe7: {  	_ =	swait.ge [sflag:s20], $0x1F40  }
0xe8: {  	[sflag:s20] =	ssyncset.done $0x0  }
0xe9: {  	s9 =	sadd.s32 $0xC800, s7;
	[sflag:s20] =	ssyncadd.s32 $0xFFFFE0C0  }
0xea: {  	[spmem:s2] =	stream.indirect.scatter.add.f32 [tilespmem:s24], [sflag:$0x9], $0x40, s9, s15, $0xb8;
	[tilespmem:$0x1E800] =	vst v63  }
0xeb: {  	_ =	swait.ge [sflag:s21], $0x1F40  }
0xec: {  	[sflag:s21] =	ssyncset.done $0x0  }
0xed: {  	s10 =	sadd.s32 $0xC880, s7;
	[sflag:s21] =	ssyncadd.s32 $0xFFFFE0C0  }
0xee: {  	[spmem:s2] =	stream.indirect.scatter.add.f32 [tilespmem:s25], [sflag:$0xA], $0x40, s10, s15, $0xb8;
	[tilespmem:$0x1E800] =	vst v63  }
0xef: {  	_ =	swait.ge [sflag:s22], $0x1F40  }
0xf0: {  	[sflag:s22] =	ssyncset.done $0x0  }
0xf1: {  	s29 =	sadd.s32 $0xC900, s7;
	[sflag:s22] =	ssyncadd.s32 $0xFFFFE0C0  }
0xf2: {  	[spmem:s2] =	stream.indirect.scatter.add.f32 [tilespmem:s26], [sflag:$0xB], $0x40, s29, s15, $0xb8;
	[tilespmem:$0x1E800] =	vst v63  }
0xf3: {  	_ =	swait.ge [sflag:s23], $0x1F40  }
0xf4: {  	[sflag:s23] =	ssyncset.done $0x0  }
0xf5: {  	s8 =	simm.s32 $0x5;
	s7 =	sadd.s32 $0xC980, s7;
	[sflag:s23] =	ssyncadd.s32 $0xFFFFE0C0  }
0xf6: {  	[spmem:s2] =	stream.indirect.scatter.add.f32 [tilespmem:s28], [sflag:$0xC], $0x40, s7, s15, $0xb8;
	[tilespmem:$0x1E800] =	vst v63  }
0xf7: {  	_ =	swait.ge [sflag:s8], $0x1F40  }
0xf8: {  	[sflag:s8] =	ssyncset.done $0x0  }
0xf9: {  	[sflag:s8] =	ssyncadd.s32 $0xFFFFE0C0  }
0xfa: {  	_ =	swait.ge [sflag:s30], $0x1F40  }
0xfb: {  	[sflag:s30] =	ssyncset.done $0x0  }
0xfc: {  	[sflag:s30] =	ssyncadd.s32 $0xFFFFE0C0  }
0xfd: {  	_ =	swait.ge [sflag:s31], $0x1F40  }
0xfe: {  	[sflag:s31] =	ssyncset.done $0x0  }
0xff: {  	[sflag:s31] =	ssyncadd.s32 $0xFFFFE0C0  }
0x100: {  	_ =	swait.ge [sflag:s1], $0x1F40  }
0x101: {  	[sflag:s1] =	ssyncset.done $0x0  }
0x102: {  	[sflag:s1] =	ssyncadd.s32 $0xFFFFE0C0  }
0x103: {  	_ =	swait.ge [sflag:s0], $0x1F40  }
0x104: {  	[sflag:s0] =	ssyncset.done $0x0  }
0x105: {  	[sflag:s0] =	ssyncadd.s32 $0xFFFFE0C0  }
0x106: {  	_ =	swait.ge [sflag:s13], $0x1F40  }
0x107: {  	[sflag:s13] =	ssyncset.done $0x0  }
0x108: {  	[sflag:s13] =	ssyncadd.s32 $0xFFFFE0C0  }
0x109: {  	_ =	swait.ge [sflag:s14], $0x1F40  }
0x10a: {  	[sflag:s14] =	ssyncset.done $0x0  }
0x10b: {  	[sflag:s14] =	ssyncadd.s32 $0xFFFFE0C0  }
0x10c: {  	_ =	swait.ge [sflag:s3], $0x1F40  }
0x10d: {  	[sflag:s3] =	ssyncset.done $0x0  }
0x10e: {  	[sflag:s3] =	ssyncadd.s32 $0xFFFFE0C0  }
0x10f: {  	[bflag:$0x0] =	sbarrier.arrive $0xFFFF  }
0x110: {  	s10 =	simm.s32 $0x10;
	s9 =	rddreg [dreg:$0x6]  }
0x111: {  	[hbm:s9@s10], [sflag:s6] =	dma.strided [spmem:s11@s1], $0x13C0, s20, $0x8   }
0x112: {  	_ =	swait.ge [sflag:s12], $0x13C0  }
0x113: {  	s5 =	sadd.s32 $0x1, s5;
	s29 =	rddreg [dreg:$0x7]  }
0x114: {  	p0 =	sne.s32 s5, s29  }
.Ltmp1:
0x115: {  	_ = 	snop;
	(pc) =	sbr.rel @p0 .LBB2_1-.Ltmp1, $3  }
0x116: {  	_ =	sdelay $0x1  }
0x117: {  	[sflag:s12] =	ssyncset.done $0x0  }
0x118: {  	[sflag:s12] =	ssyncadd.s32 $0xFFFFEC40  }
0x119: {  	_ =	sfence.sel $0x180000  }
0x11a: {  	[bflag:$0x0] =	sbarrier.arrive $0xFFFF  }
0x11b: {  	_ =	strace $0x9000004A  }
0x11c: {  	s0 =	stileid.u32;
	[bflag:$0x2] =	sbarrier.arrive $0xFFFF  }
0x11d: {  	p0 =	sne.s32 s0, $0x0;
	s0 =	rddreg [dreg:$0x2]  }
0x11e: {  	s0 =	sadd.s32 @!p0 $0x100000, s0  }
0x11f: {  	[sflag:s0] =	ssyncadd.tile.s32 @!p0 $0x1;
	_ =	shalt  }
.Lfunc_end2:
_tile_overlayer_lowered:
.L_overlay_start_2:
0x120: {  	(tag) =	ssettag $0x2  }
0x121: {  	s0 =	rddreg [dreg:$0x0];
	s2 =	stileid.u32  }
0x122: {  	s1 =	rddreg [dreg:$0x1];
	p0 =	sne.s32 s2, $0x0  }
0x123: {  	s3 =	rddreg [dreg:$0x2];
	[bflag:$0x3] =	sbarrier.arrive $0xFFFF;
	s2 =	simm.s32 @!p0 $0x1C0D  }
0x124: {  	[timem:s3], [sflag:s2] =	dma.local @!p0 [hbm:s0], s1  }
0x125: {  	s0 =	simm.s32 @!p0 $0xD  }
0x126: {  	_ =	swait.ge @!p0 [sflag:s0], s1  }
0x127: {  	s1 =	ssub.s32 @!p0 $0x0, s1;
	[sflag:s0] =	ssyncset.done @!p0 $0x0  }
0x128: {  	[sflag:s0] =	ssyncadd.s32 @!p0 s1  }
0x129: {  	[bflag:$0x3] =	sbarrier.arrive $0xFFFF  }
0x12a: {  	_ =	shalt  }

// kernel: kernel.15.cloned.1.call-start
scs
__scs_entry_jumppad:
0x0: {  	(pc) =	sbr.rel $0x88, $3  }
0x1: {  	(tag) =	ssettag $0x0;
	lr =	simm.s32 $0x1  }
0x2: {  	[smem:$0x3F99] =	sst lr;
	_ =	strace $0xD0000000  }
0x3: {  	_ = 	snop  }
0x4: {  	_ = 	snop  }
0x5: {  	_ = 	snop  }
0x6: {  	_ = 	snop  }
0x7: {  	_ = 	snop  }
__scs_overlays_trampoline_lowered:
0x8: {  	[smem:$0x3FA8] =	sst s0  }
0x9: {  	[smem:$0x3FA9] =	sst s1  }
0xa: {  	[smem:$0x3FAA] =	sst s2  }
0xb: {  	[smem:$0x3FAB] =	sst s3  }
0xc: {  	[smem:$0x3FAC] =	sst s4  }
0xd: {  	[smem:$0x3FAD] =	sst s5  }
0xe: {  	[smem:$0x3FAE] =	sst s6  }
0xf: {  	[smem:$0x3FAF] =	sst s7  }
0x10: {  	[smem:$0x3FB0] =	sst s8  }
0x11: {  	[smem:$0x3FB1] =	sst s9;
	s0 =	simm.s32 @!p0 $0x0  }
0x12: {  	s1 =	sld [smem:$0x3F97];
	s0 =	simm.s32 @p0 $0x1  }
0x13: {  	[smem:$0x3FB2] =	sst s0;
	s0 =	simm.s32 @!p1 $0x0  }
0x14: {  	s2 =	sld [smem:$0x3F96];
	s0 =	simm.s32 @p1 $0x1  }
0x15: {  	[smem:$0x3FB3] =	sst s0;
	s0 =	simm.s32 @!p2 $0x0  }
0x16: {  	s3 =	sld [smem:$0x3FDB];
	s0 =	simm.s32 @p2 $0x1  }
0x17: {  	s4 =	simm.s32 $0x1BF5;
	[smem:$0x3FB5] =	sst s0  }
0x18: {  	s0 =	sld [smem:$0x3F98];
	_ =	swait.ge [sflag:s4], $0x0  }
0x19: {  	s7 =	sld [smem:$0x3F99]  }
0x1a: {  	s8 =	sadd.s32 $0xFFFFE003, lr  }
0x1b: {  	s9 =	sadd.s32 $0xFFFFFEF7, lr;
	s5 =	simm.s32 $0xFFFFFFFF;
	p2 =	slt.u32 s8, $0xFFFFF086  }
0x1c: {  	p1 =	slt.u32 s9, $0xF7A;
	s5 =	simm.s32 @!p2 $0x0  }
0x1d: {  	s5 =	simm.s32 @p1 $0x1;
	p0 =	seq.s32 s7, s2  }
0x1e: {  	s7 =	smul.u32 @!p0 $0xF7A, s2;
	p2 =	seq.s32 @!p0 s5, $0x0  }
0x1f: {  	s9 =	smul.u32 $0xF7A, s1;
	s8 =	simm.s32 @!p0 $0x1BF5;
	p2 =	por !p2, p0  }
0x20: {  	[sflag:s8] =	ssyncset.s32 @!p0 $0xFFFFF086;
	s6 =	sadd.s32 @!p0 s3, s7;
	s7 =	simm.s32 @!p0 $0x108  }
0x21: {  	s3 =	sadd.s32 s3, s9;
	s6 =	sadd.s32 @!p0 $0x88, s6;
	s7 =	simm.s32 @p2 $0x1082  }
0x22: {  	[simem:s7], [sflag:s8] =	dma.local @!p0 [hbm:s6], $0xF7A  }
0x23: {  	s9 =	sor.u32 $0xD0000000, s2;
	s6 =	simm.s32 $0x108;
	_ =	swait.ge @!p0 [sflag:s8], $0x0  }
0x24: {  	s3 =	sadd.s32 $0x88, s3;
	s6 =	simm.s32 @!p1 $0x1082;
	[sflag:s4] =	ssyncset.s32 $0xFFFFF086  }
0x25: {  	[simem:s6], [sflag:s4] =	dma.local [hbm:s3], $0xF7A  }
0x26: {  	[smem:$0x3F99] =	sst s1;
	(tag) =	ssettag s2;
	_ =	strace s9  }
0x27: {  	s1 =	sld [smem:$0x3FA9]  }
0x28: {  	s2 =	sld [smem:$0x3FAA]  }
0x29: {  	s4 =	sld [smem:$0x3FAC]  }
0x2a: {  	p0 =	seq.s32 s5, $0x0;
	s5 =	sld [smem:$0x3FAD]  }
0x2b: {  	s6 =	sld [smem:$0x3FAE]  }
0x2c: {  	s7 =	sld [smem:$0x3FAF]  }
0x2d: {  	s3 =	simm.s32 $0x108;
	s8 =	sld [smem:$0x3FB0]  }
0x2e: {  	s3 =	simm.s32 @!p0 $0x1082;
	s9 =	sld [smem:$0x3FB1]  }
0x2f: {  	lr =	sadd.s32 s0, s3;
	s0 =	sld [smem:$0x3FA8]  }
0x30: {  	s3 =	sld [smem:$0x3FAB]  }
0x31: {  	[smem:$0x3FB4] =	sst s10  }
0x32: {  	s10 =	sld [smem:$0x3FB2];
	_ =	sdelay $0x3  }
0x33: {  	p0 =	seq.s32 s10, $0x1;
	s10 =	sld [smem:$0x3FB4];
	_ =	sdelay $0x3  }
0x34: {  	[smem:$0x3FB4] =	sst s10  }
0x35: {  	s10 =	sld [smem:$0x3FB3];
	_ =	sdelay $0x3  }
0x36: {  	p1 =	seq.s32 s10, $0x1;
	s10 =	sld [smem:$0x3FB4];
	_ =	sdelay $0x3  }
0x37: {  	[smem:$0x3FB4] =	sst s10  }
0x38: {  	s10 =	sld [smem:$0x3FB5]  }
0x39: {  	_ = 	snop;
	(pc) =	sbr.ind lr, $3  }
0x3a: {  	_ = 	snop  }
0x3b: {  	_ = 	snop  }
0x3c: {  	p2 =	seq.s32 s10, $0x1;
	s10 =	sld [smem:$0x3FB4]  }
0x3d: {  	_ =	shalt  }
0x3e: {  	_ =	shalt  }
0x3f: {  	_ =	shalt  }
0x40: {  	_ =	shalt  }
0x41: {  	_ =	shalt  }
0x42: {  	_ =	shalt  }
0x43: {  	_ =	shalt  }
0x44: {  	_ =	shalt  }
0x45: {  	_ =	shalt  }
0x46: {  	_ =	shalt  }
0x47: {  	_ =	shalt  }
0x48: {  	_ =	shalt  }
0x49: {  	_ =	shalt  }
0x4a: {  	_ =	shalt  }
0x4b: {  	_ =	shalt  }
0x4c: {  	_ =	shalt  }
0x4d: {  	_ =	shalt  }
0x4e: {  	_ =	shalt  }
0x4f: {  	_ =	shalt  }
0x50: {  	_ =	shalt  }
0x51: {  	_ =	shalt  }
0x52: {  	_ =	shalt  }
0x53: {  	_ =	shalt  }
0x54: {  	_ =	shalt  }
0x55: {  	_ =	shalt  }
0x56: {  	_ =	shalt  }
0x57: {  	_ =	shalt  }
0x58: {  	_ =	shalt  }
0x59: {  	_ =	shalt  }
0x5a: {  	_ =	shalt  }
0x5b: {  	_ =	shalt  }
0x5c: {  	_ =	shalt  }
0x5d: {  	_ =	shalt  }
0x5e: {  	_ =	shalt  }
0x5f: {  	_ =	shalt  }
0x60: {  	_ =	shalt  }
0x61: {  	_ =	shalt  }
0x62: {  	_ =	shalt  }
0x63: {  	_ =	shalt  }
0x64: {  	_ =	shalt  }
0x65: {  	_ =	shalt  }
0x66: {  	_ =	shalt  }
0x67: {  	_ =	shalt  }
0x68: {  	_ =	shalt  }
0x69: {  	_ =	shalt  }
0x6a: {  	_ =	shalt  }
0x6b: {  	_ =	shalt  }
0x6c: {  	_ =	shalt  }
0x6d: {  	_ =	shalt  }
0x6e: {  	_ =	shalt  }
0x6f: {  	_ =	shalt  }
0x70: {  	_ =	shalt  }
0x71: {  	_ =	shalt  }
0x72: {  	_ =	shalt  }
0x73: {  	_ =	shalt  }
0x74: {  	_ =	shalt  }
0x75: {  	_ =	shalt  }
0x76: {  	_ =	shalt  }
0x77: {  	_ =	shalt  }
0x78: {  	_ =	shalt  }
0x79: {  	_ =	shalt  }
0x7a: {  	_ =	shalt  }
0x7b: {  	_ =	shalt  }
0x7c: {  	_ =	shalt  }
0x7d: {  	_ =	shalt  }
0x7e: {  	_ =	shalt  }
0x7f: {  	_ =	shalt  }
0x80: {  	_ =	shalt  }
0x81: {  	_ =	shalt  }
0x82: {  	_ =	shalt  }
0x83: {  	_ =	shalt  }
0x84: {  	_ =	shalt  }
0x85: {  	_ =	shalt  }
0x86: {  	_ =	shalt  }
0x87: {  	_ =	shalt  }
.Lfunc_end0:
.L_simem_size_0:
called_computation.2_lowered:
.L_overlay_start_0:
0x88: {  	s2 =	sld [smem:$0x3FD9]  }
0x89: {  	s3 =	sld [smem:$0x3FFE];
	_ =	sdelay $0x1  }
0x8a: {  	s1 =	srdreg.scid  }
0x8b: {  	s0 =	sand.u32 $0x1, s1  }
0x8c: {  	s17 =	sshll.u32 s0, $0xA;
	s2 =	sadd.s32 s3, s2  }
0x8d: {  	s2 =	sadd.s32 s2, s17  }
0x8e: {  	[smem:$0x3FC0] =	sst s2  }
0x8f: {  	_ = 	snop  }
0x90: {  	s2 =	sld [smem:$0x3FD0];
	(tm) =	ssettm $0x1  }
0x91: {  	s18 =	sld [smem:$0x3FFB];
	_ =	sdelay $0x3  }
0x92: {  	_ =	strace s18  }
0x93: {  	s3 =	sld [smem:$0x3FFC];
	_ =	sdelay $0x3  }
0x94: {  	_ =	strace s3  }
0x95: {  	s3 =	sld [smem:$0x3FFD];
	_ =	sdelay $0x3  }
0x96: {  	_ =	strace s3  }
0x97: {  	_ =	strace $0x8FFFFFFF  }
0x98: {  	s19 =	sld [smem:$0x3FDB];
	_ =	sdelay $0x1  }
0x99: {  	s4 =	simm.s32 $_scs_section_size  }
0x9a: {  	s5 =	simm.s32 $_size__tile_overlayer_lowered;
	s6 =	simm.s32 $_tile_overlayer_lowered  }
0x9b: {  	s22 =	simm.s32 $0x1BFF;
	s21 =	sshll.u32 s6, $0x1;
	s3 =	sadd.s32 s4, s19  }
0x9c: {  	s7 =	simm.s32 $0x0;
	s20 =	sshll.u32 s5, $0x1;
	s5 =	sadd.s32 s21, s3  }
0x9d: {  	[timem:s7], [sflag:s22] =	dma.local [hbm:s5], s20  }
0x9e: {  	_ =	swait.ge [sflag:s22], s20  }
0x9f: {  	s4 =	ssub.s32 $0x0, s20;
	[sflag:s22] =	ssyncset.done $0x0  }
0xa0: {  	[sflag:s22] =	ssyncadd.s32 s4;
	_ =	sdelay $0x1  }
0xa1: {  	s23 =	simm.s32 $0x1B8B  }
0xa2: {  	_ =	swait.ge [sflag:s23], $0x1  }
0xa3: {  	[sflag:s23] =	ssyncset.done $0x0  }
0xa4: {  	s25 =	simm.s32 $0x1B8E;
	s24 =	sld [smem:$0x3FFE];
	[sflag:s23] =	ssyncadd.s32 $0xFFFFFFFF  }
0xa5: {  	s26 =	simm.s32 $execute0_lowered;
	[smem:$0x3FD2] =	sst s25  }
0xa6: {  	s5 =	sshll.u32 s26, $0x1;
	_ =	strace $0x8000004C;
	[dreg:$0x1] =	wrdreg $0xFFFFFFFF  }
0xa7: {  	s28 =	simm.s32 $_size_execute0_lowered;
	s3 =	sadd.s32 s3, s5;
	[dreg:$0x0] =	wrdreg $0x0  }
0xa8: {  	s5 =	sshll.u32 s28, $0x1;
	[dreg:$0x2] =	wrdreg s3  }
0xa9: {  	[dreg:$0x3] =	wrdreg s5  }
0xaa: {  	[dreg:$0x4] =	wrdreg $0xC0  }
0xab: {  	_ =	task [dreg:s7], $0x5FFFF  }
0xac: {  	[dreg:$0x1] =	wrdreg $0xFFFFFFFF  }
0xad: {  	[dreg:$0x0] =	wrdreg $0x60  }
0xae: {  	[dreg:$0x2] =	wrdreg s2  }
0xaf: {  	[dreg:$0x3] =	wrdreg s24  }
0xb0: {  	[dreg:$0x4] =	wrdreg $0x0  }
0xb1: {  	[dreg:$0x5] =	wrdreg $0x9  }
0xb2: {  	_ =	task.clear_ibuf [dreg:s7], $0x6FFFF;
	_ =	strace $0x9000004C  }
0xb3: {  	s29 =	simm.s32 $0x9;
	_ =	strace $0x8000004E  }
0xb4: {  	_ =	swait.ge [sflag:s29], $0x1  }
0xb5: {  	[sflag:s29] =	ssyncadd.s32 $0xFFFFFFFF  }
0xb6: {  	_ =	strace $0x9000004E  }
0xb7: {  	_ =	sfence  }
0xb8: {  	s30 =	sld [smem:$0x0];
	_ =	sdelay $0x2  }
0xb9: {  	s31 =	sshll.u32 s1, $0xD;
	s1 =	sshrl.u32 s1, $0x2  }
0xba: {  	s3 =	sand.u32 $0x4000, s31;
	s1 =	sadd.s32 s1, s30  }
0xbb: {  	s0 =	sor.u32 s3, s0;
	s1 =	sshll.u32 s1, $0x11  }
0xbc: {  	s0 =	sor.u32 s1, s0  }
0xbd: {  	s0 =	sadd.s32 $0x8F2B, s0  }
0xbe: {  	[sflag:s0] =	ssyncadd.remote.s32 $0x1  }
0xbf: {  	_ =	sfence.sel $0xFFFF  }
0xc0: {  	[dreg:$0x0] =	wrdreg $0xFFFFFFFF;
	(pc) =	sbr.abs _section_cstart, $3  }
0xc1: {  	[dreg:$0x1] =	wrdreg $0xFFFFFFFF  }
0xc2: {  	_ =	task.clear_ibuf [dreg:s7], $0x2FFFF;
	_ =	strace $0x9FFFFFFF  }
0xc3: {  	(tm) =	ssettm $0x7FFFFFFF  }
tec
execute0_lowered:
.L_overlay_start_1:
0x0: {  	(tag) =	ssettag $0x1  }
0x1: {  	s1 =	rddreg [dreg:$0x0]  }
0x2: {  	s0 =	srdreg.scid;
	s4 =	rddreg [dreg:$0x1]  }
0x3: {  	s8 =	stileid.u32;
	s3 =	rddreg [dreg:$0x2];
	s6 =	simm.s32 $0x0  }
0x4: {  	s12 =	simm.s32 $0xD;
	s15 =	simm.s32 $0x7D;
	s16 =	simm.s32 $0x9F00  }
0x5: {  	s17 =	simm.s32 $0xAEA0;
	s18 =	simm.s32 $0xBE40;
	s19 =	simm.s32 $0xCDE0  }
0x6: {  	s20 =	simm.s32 $0x1;
	s28 =	simm.s32 $0x10C60;
	s30 =	simm.s32 $0x6  }
0x7: {  	s31 =	simm.s32 $0x7;
	s13 =	simm.s32 $0xA;
	s14 =	simm.s32 $0xB  }
0x8: {  	s0 =	sand.u32 $0x1, s0;
	s2 =	sshll.u32 s8, $0x1;
	s5 =	smul.u32 $0x13C00, s8  }
0x9: {  	[smem:$0x7FF] =	sst s6;
	s21 =	smul.u32 $0x4F00, s8;
	s25 =	sshll.u32 s8, $0x6  }
0xa: {  	s2 =	sor.u32 s0, s2;
	s7 =	sshll.u32 s0, $0x5;
	_ =	strace $0x8000004D  }
0xb: {  	s0 =	ssub.s32 $0x2, s0;
	s6 =	sor.u32 $0x1C0D, s25;
	s25 =	simm.s32 $0xED20  }
0xc: {  	s2 =	smul.u32 $0x500, s2;
	s5 =	sor.u32 s7, s5;
	s22 =	sshrl.u32 s21, $0x3  }
0xd: {  	s23 =	sshrl.u32 s0, $0x1;
	s24 =	sadd.s32 s21, s3;
	s21 =	simm.s32 $0x2  }
0xe: {  	s5 =	sshrl.u32 s5, $0x3;
	s7 =	sadd.s32 s22, s4;
	s0 =	ssub.s32 s0, s23  }
0xf: {  	s11 =	sshrl.u32 s24, $0x3;
	s22 =	simm.s32 $0x3;
	s23 =	simm.s32 $0x4  }
0x10: {  	s24 =	simm.s32 $0xDD80;
	s2 =	sadd.s32 s2, s4;
	s7 =	sadd.s32 $0xC000, s7  }
0x11: {  	s4 =	sadd.s32 s5, s4;
	s0 =	smax.u32 s0, $0x1;
	[dreg:$0x4] =	wrdreg s7  }
0x12: {  	s5 =	simm.s32 $0x0;
	s26 =	sadd.s32 $0x33A00, s2;
	[dreg:$0x8] =	wrdreg s0  }
0x13: {  	s2 =	sadd.s32 $0x2000, s2;
	s29 =	sadd.s32 $0x3DA00, s4;
	[dreg:$0x5] =	wrdreg s26  }
0x14: {  	s0 =	simm.s32 $0x9;
	s4 =	simm.s32 $0xC;
	[dreg:$0x6] =	wrdreg s2  }
0x15: {  	[dreg:$0x7] =	wrdreg s29;
	s26 =	simm.s32 $0xFCC0;
	s2 =	simm.s32 $0x8  }
.LBB2_1:
0x16: {  	s7 =	rddreg [dreg:$0x4]  }
0x17: {  	[spmem:s11], [sflag:s6] =	dma.local [hbm:s7], $0x9E0  }
0x18: {  	_ =	swait.ge [sflag:s12], $0x9E0  }
0x19: {  	s9 =	simm.s32 $0x4F00;
	[sflag:s12] =	ssyncset.done $0x0  }
0x1a: {  	s7 =	simm.s32 $0x0;
	s8 =	rddreg [dreg:$0x5];
	[sflag:s12] =	ssyncadd.s32 $0xFFFFF620  }
0x1b: {  	[tilespmem:s9], [sflag:$0xD] =	stream.linear.gather [hbm4b:s8+s7], $0x2800, $0x38;
	[tilespmem:$0x11C00] =	vst v63  }
0x1c: {  	_ =	swait.ge [sflag:s12], $0x2800  }
0x1d: {  	[sflag:s12] =	ssyncset.done $0x0  }
0x1e: {  	s29 =	simm.s32 $0x7700;
	s10 =	rddreg [dreg:$0x6];
	[sflag:s12] =	ssyncadd.s32 $0xFFFFD800  }
0x1f: {  	[tilespmem:s29], [sflag:$0xD] =	stream.linear.gather [hbm4b:s10+s7], $0x2800, $0x38;
	[tilespmem:$0x11C00] =	vst v63  }
0x20: {  	_ =	swait.ge [sflag:s12], $0x2800  }
0x21: {  	[sflag:s12] =	ssyncset.done $0x0  }
0x22: {  	p0 =	por $0x1, $0x1;
	[sflag:s12] =	ssyncadd.s32 $0xFFFFD800  }
0x23: {  	s7 =	simm.s32 @!p0 $0x5;
	[bflag:$0x0] =	sbarrier.arrive $0xFFFF  }
0x24: {  	_ =	swait.ge @!p0 [sflag:s7], $0xFA0  }
0x25: {  	[sflag:s7] =	ssyncset.done @!p0 $0x0  }
0x26: {  	[sflag:s7] =	ssyncadd.s32 @!p0 $0xFFFFF060;
	s7 =	simm.s32 @!p0 $0x6  }
0x27: {  	_ =	swait.ge @!p0 [sflag:s7], $0xFA0  }
0x28: {  	[sflag:s7] =	ssyncset.done @!p0 $0x0  }
0x29: {  	[sflag:s7] =	ssyncadd.s32 @!p0 $0xFFFFF060;
	s7 =	simm.s32 @!p0 $0x7  }
0x2a: {  	_ =	swait.ge @!p0 [sflag:s7], $0xFA0  }
0x2b: {  	[sflag:s7] =	ssyncset.done @!p0 $0x0  }
0x2c: {  	[sflag:s7] =	ssyncadd.s32 @!p0 $0xFFFFF060;
	s7 =	simm.s32 @!p0 $0x8  }
0x2d: {  	_ =	swait.ge @!p0 [sflag:s7], $0xFA0  }
0x2e: {  	[sflag:s7] =	ssyncset.done @!p0 $0x0  }
0x2f: {  	s8 =	simm.s32 $0x4F00;
	[sflag:s7] =	ssyncadd.s32 @!p0 $0xFFFFF060  }
0x30: {  	[tilespmem:s16], [sflag:$0x1] =	stream.indirect.gather [hbm4b:s1+s15], $0x20, s8, s15, $0xb8;
	[tilespmem:$0x11C00] =	vst v63  }
0x31: {  	s9 =	simm.s32 $0x4F80  }
0x32: {  	[tilespmem:s17], [sflag:$0x2] =	stream.indirect.gather [hbm4b:s1+s15], $0x20, s9, s15, $0xb8;
	[tilespmem:$0x11C00] =	vst v63  }
0x33: {  	s10 =	simm.s32 $0x5000  }
0x34: {  	[tilespmem:s18], [sflag:$0x3] =	stream.indirect.gather [hbm4b:s1+s15], $0x20, s10, s15, $0xb8;
	[tilespmem:$0x11C00] =	vst v63  }
0x35: {  	s29 =	simm.s32 $0x5080  }
0x36: {  	[tilespmem:s19], [sflag:$0x4] =	stream.indirect.gather [hbm4b:s1+s15], $0x20, s29, s15, $0xb8;
	[tilespmem:$0x11C00] =	vst v63  }
0x37: {  	_ =	swait.ge [sflag:s20], $0xFA0  }
0x38: {  	[sflag:s20] =	ssyncset.done $0x0  }
0x39: {  	s8 =	simm.s32 $0x7700;
	[sflag:s20] =	ssyncadd.s32 $0xFFFFF060  }
0x3a: {  	[spmem:s3] =	stream.indirect.scatter.add.f32 [tilespmem:s16], [sflag:$0x5], $0x20, s8, s15, $0xb8;
	[tilespmem:$0x11C00] =	vst v63  }
0x3b: {  	_ =	swait.ge [sflag:s21], $0xFA0  }
0x3c: {  	[sflag:s21] =	ssyncset.done $0x0  }
0x3d: {  	s9 =	simm.s32 $0x7780;
	[sflag:s21] =	ssyncadd.s32 $0xFFFFF060  }
0x3e: {  	[spmem:s3] =	stream.indirect.scatter.add.f32 [tilespmem:s17], [sflag:$0x6], $0x20, s9, s15, $0xb8;
	[tilespmem:$0x11C00] =	vst v63  }
0x3f: {  	_ =	swait.ge [sflag:s22], $0xFA0  }
0x40: {  	[sflag:s22] =	ssyncset.done $0x0  }
0x41: {  	s10 =	simm.s32 $0x7800;
	[sflag:s22] =	ssyncadd.s32 $0xFFFFF060  }
0x42: {  	[spmem:s3] =	stream.indirect.scatter.add.f32 [tilespmem:s18], [sflag:$0x7], $0x20, s10, s15, $0xb8;
	[tilespmem:$0x11C00] =	vst v63  }
0x43: {  	_ =	swait.ge [sflag:s23], $0xFA0  }
0x44: {  	[sflag:s23] =	ssyncset.done $0x0  }
0x45: {  	s29 =	simm.s32 $0x7880;
	s8 =	simm.s32 @!p0 $0x9;
	[sflag:s23] =	ssyncadd.s32 $0xFFFFF060  }
0x46: {  	[spmem:s3] =	stream.indirect.scatter.add.f32 [tilespmem:s19], [sflag:$0x8], $0x20, s29, s15, $0xb8;
	[tilespmem:$0x11C00] =	vst v63  }
0x47: {  	_ =	swait.ge @!p0 [sflag:s8], $0xFA0  }
0x48: {  	[sflag:s8] =	ssyncset.done @!p0 $0x0  }
0x49: {  	s7 =	simm.s32 @!p0 $0xA;
	[sflag:s8] =	ssyncadd.s32 @!p0 $0xFFFFF060  }
0x4a: {  	_ =	swait.ge @!p0 [sflag:s7], $0xFA0  }
0x4b: {  	[sflag:s7] =	ssyncset.done @!p0 $0x0  }
0x4c: {  	[sflag:s7] =	ssyncadd.s32 @!p0 $0xFFFFF060;
	s7 =	simm.s32 @!p0 $0xB  }
0x4d: {  	_ =	swait.ge @!p0 [sflag:s7], $0xFA0  }
0x4e: {  	[sflag:s7] =	ssyncset.done @!p0 $0x0  }
0x4f: {  	[sflag:s7] =	ssyncadd.s32 @!p0 $0xFFFFF060;
	s7 =	simm.s32 @!p0 $0xC  }
0x50: {  	_ =	swait.ge @!p0 [sflag:s7], $0xFA0  }
0x51: {  	[sflag:s7] =	ssyncset.done @!p0 $0x0  }
0x52: {  	s9 =	simm.s32 $0x5100;
	[sflag:s7] =	ssyncadd.s32 @!p0 $0xFFFFF060  }
0x53: {  	[tilespmem:s24], [sflag:$0x1] =	stream.indirect.gather [hbm4b:s1+s15], $0x20, s9, s15, $0xb8;
	[tilespmem:$0x11C00] =	vst v63  }
0x54: {  	s10 =	simm.s32 $0x5180  }
0x55: {  	[tilespmem:s25], [sflag:$0x2] =	stream.indirect.gather [hbm4b:s1+s15], $0x20, s10, s15, $0xb8;
	[tilespmem:$0x11C00] =	vst v63  }
0x56: {  	s29 =	simm.s32 $0x5200  }
0x57: {  	[tilespmem:s26], [sflag:$0x3] =	stream.indirect.gather [hbm4b:s1+s15], $0x20, s29, s15, $0xb8;
	[tilespmem:$0x11C00] =	vst v63  }
0x58: {  	s8 =	simm.s32 $0x5280  }
0x59: {  	[tilespmem:s28], [sflag:$0x4] =	stream.indirect.gather [hbm4b:s1+s15], $0x20, s8, s15, $0xb8;
	[tilespmem:$0x11C00] =	vst v63  }
0x5a: {  	_ =	swait.ge [sflag:s20], $0xFA0  }
0x5b: {  	[sflag:s20] =	ssyncset.done $0x0  }
0x5c: {  	s9 =	simm.s32 $0x7900;
	[sflag:s20] =	ssyncadd.s32 $0xFFFFF060  }
0x5d: {  	[spmem:s3] =	stream.indirect.scatter.add.f32 [tilespmem:s24], [sflag:$0x9], $0x20, s9, s15, $0xb8;
	[tilespmem:$0x11C00] =	vst v63  }
0x5e: {  	_ =	swait.ge [sflag:s21], $0xFA0  }
0x5f: {  	[sflag:s21] =	ssyncset.done $0x0  }
0x60: {  	s10 =	simm.s32 $0x7980;
	[sflag:s21] =	ssyncadd.s32 $0xFFFFF060  }
0x61: {  	[spmem:s3] =	stream.indirect.scatter.add.f32 [tilespmem:s25], [sflag:$0xA], $0x20, s10, s15, $0xb8;
	[tilespmem:$0x11C00] =	vst v63  }
0x62: {  	_ =	swait.ge [sflag:s22], $0xFA0  }
0x63: {  	[sflag:s22] =	ssyncset.done $0x0  }
0x64: {  	s29 =	simm.s32 $0x7A00;
	[sflag:s22] =	ssyncadd.s32 $0xFFFFF060  }
0x65: {  	[spmem:s3] =	stream.indirect.scatter.add.f32 [tilespmem:s26], [sflag:$0xB], $0x20, s29, s15, $0xb8;
	[tilespmem:$0x11C00] =	vst v63  }
0x66: {  	s7 =	simm.s32 $0x1000;
	p0 =	por $0x0, $0x0;
	_ =	swait.ge [sflag:s23], $0xFA0  }
0x67: {  	s8 =	simm.s32 $0x2000;
	s9 =	simm.s32 $0x7A80;
	[sflag:s23] =	ssyncset.done $0x0  }
.LBB2_2:
0x68: {  	s10 =	simm.s32 @!p0 $0x5  }
0x69: {  	[sflag:s23] =	ssyncadd.s32 $0xFFFFF060;
	s29 =	smov.u32 s8;
	s8 =	sadd.s32 $0x1000, s8  }
0x6a: {  	[spmem:s3] =	stream.indirect.scatter.add.f32 [tilespmem:s28], [sflag:$0xC], $0x20, s9, s15, $0xb8;
	[tilespmem:$0x11C00] =	vst v63  }
0x6b: {  	p1 =	sne.s32 s8, $0xA000;
	_ =	swait.ge @!p0 [sflag:s10], $0xFA0  }
0x6c: {  	[sflag:s10] =	ssyncset.done @!p0 $0x0  }
0x6d: {  	s9 =	simm.s32 @!p0 $0x6;
	[sflag:s10] =	ssyncadd.s32 @!p0 $0xFFFFF060  }
0x6e: {  	_ =	swait.ge @!p0 [sflag:s9], $0xFA0  }
0x6f: {  	[sflag:s9] =	ssyncset.done @!p0 $0x0  }
0x70: {  	[sflag:s9] =	ssyncadd.s32 @!p0 $0xFFFFF060;
	s9 =	simm.s32 @!p0 $0x7  }
0x71: {  	_ =	swait.ge @!p0 [sflag:s9], $0xFA0  }
0x72: {  	[sflag:s9] =	ssyncset.done @!p0 $0x0  }
0x73: {  	s10 =	simm.s32 @!p0 $0x8;
	[sflag:s9] =	ssyncadd.s32 @!p0 $0xFFFFF060  }
0x74: {  	_ =	swait.ge @!p0 [sflag:s10], $0xFA0  }
0x75: {  	s9 =	sshra.s32 s7, $0x2;
	s7 =	smov.u32 s29;
	[sflag:s10] =	ssyncset.done @!p0 $0x0  }
0x76: {  	[sflag:s10] =	ssyncadd.s32 @!p0 $0xFFFFF060;
	s10 =	sadd.s32 $0x4F00, s9  }
0x77: {  	[tilespmem:s16], [sflag:$0x1] =	stream.indirect.gather [hbm4b:s1+s15], $0x20, s10, s15, $0xb8;
	[tilespmem:$0x11C00] =	vst v63  }
0x78: {  	s10 =	sadd.s32 $0x4F80, s9  }
0x79: {  	[tilespmem:s17], [sflag:$0x2] =	stream.indirect.gather [hbm4b:s1+s15], $0x20, s10, s15, $0xb8;
	[tilespmem:$0x11C00] =	vst v63  }
0x7a: {  	s10 =	sadd.s32 $0x5000, s9  }
0x7b: {  	[tilespmem:s18], [sflag:$0x3] =	stream.indirect.gather [hbm4b:s1+s15], $0x20, s10, s15, $0xb8;
	[tilespmem:$0x11C00] =	vst v63  }
0x7c: {  	s10 =	sadd.s32 $0x5080, s9  }
0x7d: {  	[tilespmem:s19], [sflag:$0x4] =	stream.indirect.gather [hbm4b:s1+s15], $0x20, s10, s15, $0xb8;
	[tilespmem:$0x11C00] =	vst v63  }
0x7e: {  	_ =	swait.ge [sflag:s20], $0xFA0  }
0x7f: {  	[sflag:s20] =	ssyncset.done $0x0  }
0x80: {  	s10 =	sadd.s32 $0x7700, s9;
	[sflag:s20] =	ssyncadd.s32 $0xFFFFF060  }
0x81: {  	[spmem:s3] =	stream.indirect.scatter.add.f32 [tilespmem:s16], [sflag:$0x5], $0x20, s10, s15, $0xb8;
	[tilespmem:$0x11C00] =	vst v63  }
0x82: {  	_ =	swait.ge [sflag:s21], $0xFA0  }
0x83: {  	[sflag:s21] =	ssyncset.done $0x0  }
0x84: {  	s10 =	sadd.s32 $0x7780, s9;
	[sflag:s21] =	ssyncadd.s32 $0xFFFFF060  }
0x85: {  	[spmem:s3] =	stream.indirect.scatter.add.f32 [tilespmem:s17], [sflag:$0x6], $0x20, s10, s15, $0xb8;
	[tilespmem:$0x11C00] =	vst v63  }
0x86: {  	_ =	swait.ge [sflag:s22], $0xFA0  }
0x87: {  	[sflag:s22] =	ssyncset.done $0x0  }
0x88: {  	s10 =	sadd.s32 $0x7800, s9;
	[sflag:s22] =	ssyncadd.s32 $0xFFFFF060  }
0x89: {  	[spmem:s3] =	stream.indirect.scatter.add.f32 [tilespmem:s18], [sflag:$0x7], $0x20, s10, s15, $0xb8;
	[tilespmem:$0x11C00] =	vst v63  }
0x8a: {  	_ =	swait.ge [sflag:s23], $0xFA0  }
0x8b: {  	[sflag:s23] =	ssyncset.done $0x0  }
0x8c: {  	s29 =	simm.s32 @!p0 $0x9;
	s10 =	sadd.s32 $0x7880, s9;
	[sflag:s23] =	ssyncadd.s32 $0xFFFFF060  }
0x8d: {  	[spmem:s3] =	stream.indirect.scatter.add.f32 [tilespmem:s19], [sflag:$0x8], $0x20, s10, s15, $0xb8;
	[tilespmem:$0x11C00] =	vst v63  }
0x8e: {  	_ =	swait.ge @!p0 [sflag:s29], $0xFA0  }
0x8f: {  	[sflag:s29] =	ssyncset.done @!p0 $0x0  }
0x90: {  	s10 =	simm.s32 @!p0 $0xA;
	[sflag:s29] =	ssyncadd.s32 @!p0 $0xFFFFF060  }
0x91: {  	_ =	swait.ge @!p0 [sflag:s10], $0xFA0  }
0x92: {  	[sflag:s10] =	ssyncset.done @!p0 $0x0  }
0x93: {  	[sflag:s10] =	ssyncadd.s32 @!p0 $0xFFFFF060;
	s10 =	simm.s32 @!p0 $0xB  }
0x94: {  	_ =	swait.ge @!p0 [sflag:s10], $0xFA0  }
0x95: {  	[sflag:s10] =	ssyncset.done @!p0 $0x0  }
0x96: {  	[sflag:s10] =	ssyncadd.s32 @!p0 $0xFFFFF060;
	s10 =	simm.s32 @!p0 $0xC  }
0x97: {  	_ =	swait.ge @!p0 [sflag:s10], $0xFA0  }
0x98: {  	[sflag:s10] =	ssyncset.done @!p0 $0x0  }
0x99: {  	[sflag:s10] =	ssyncadd.s32 @!p0 $0xFFFFF060;
	s10 =	sadd.s32 $0x5100, s9  }
0x9a: {  	[tilespmem:s24], [sflag:$0x1] =	stream.indirect.gather [hbm4b:s1+s15], $0x20, s10, s15, $0xb8;
	[tilespmem:$0x11C00] =	vst v63  }
0x9b: {  	s10 =	sadd.s32 $0x5180, s9  }
0x9c: {  	[tilespmem:s25], [sflag:$0x2] =	stream.indirect.gather [hbm4b:s1+s15], $0x20, s10, s15, $0xb8;
	[tilespmem:$0x11C00] =	vst v63  }
0x9d: {  	s10 =	sadd.s32 $0x5200, s9  }
0x9e: {  	[tilespmem:s26], [sflag:$0x3] =	stream.indirect.gather [hbm4b:s1+s15], $0x20, s10, s15, $0xb8;
	[tilespmem:$0x11C00] =	vst v63  }
0x9f: {  	s10 =	sadd.s32 $0x5280, s9  }
0xa0: {  	[tilespmem:s28], [sflag:$0x4] =	stream.indirect.gather [hbm4b:s1+s15], $0x20, s10, s15, $0xb8;
	[tilespmem:$0x11C00] =	vst v63  }
0xa1: {  	_ =	swait.ge [sflag:s20], $0xFA0  }
0xa2: {  	[sflag:s20] =	ssyncset.done $0x0  }
0xa3: {  	s10 =	sadd.s32 $0x7900, s9;
	[sflag:s20] =	ssyncadd.s32 $0xFFFFF060  }
0xa4: {  	[spmem:s3] =	stream.indirect.scatter.add.f32 [tilespmem:s24], [sflag:$0x9], $0x20, s10, s15, $0xb8;
	[tilespmem:$0x11C00] =	vst v63  }
0xa5: {  	_ =	swait.ge [sflag:s21], $0xFA0  }
0xa6: {  	[sflag:s21] =	ssyncset.done $0x0  }
0xa7: {  	s10 =	sadd.s32 $0x7980, s9;
	[sflag:s21] =	ssyncadd.s32 $0xFFFFF060  }
0xa8: {  	[spmem:s3] =	stream.indirect.scatter.add.f32 [tilespmem:s25], [sflag:$0xA], $0x20, s10, s15, $0xb8;
	[tilespmem:$0x11C00] =	vst v63  }
0xa9: {  	_ =	swait.ge [sflag:s22], $0xFA0  }
.Ltmp0:
0xaa: {  	[sflag:s22] =	ssyncset.done $0x0;
	(pc) =	sbr.rel @p1 .LBB2_2-.Ltmp0, $4  }
0xab: {  	s10 =	sadd.s32 $0x7A00, s9;
	[sflag:s22] =	ssyncadd.s32 $0xFFFFF060  }
0xac: {  	[spmem:s3] =	stream.indirect.scatter.add.f32 [tilespmem:s26], [sflag:$0xB], $0x20, s10, s15, $0xb8;
	[tilespmem:$0x11C00] =	vst v63  }
0xad: {  	_ =	swait.ge [sflag:s23], $0xFA0  }
0xae: {  	p0 =	seq.s32 s7, $0x0;
	s9 =	sadd.s32 $0x7A80, s9;
	[sflag:s23] =	ssyncset.done $0x0  }
0xaf: {  	[sflag:s23] =	ssyncadd.s32 $0xFFFFF060;
	s8 =	simm.s32 @!p0 $0x5  }
0xb0: {  	[spmem:s3] =	stream.indirect.scatter.add.f32 [tilespmem:s28], [sflag:$0xC], $0x20, s9, s15, $0xb8;
	[tilespmem:$0x11C00] =	vst v63  }
0xb1: {  	_ =	swait.ge @!p0 [sflag:s8], $0xFA0  }
0xb2: {  	[sflag:s8] =	ssyncset.done @!p0 $0x0  }
0xb3: {  	[sflag:s8] =	ssyncadd.s32 @!p0 $0xFFFFF060;
	s8 =	simm.s32 @!p0 $0x6  }
0xb4: {  	_ =	swait.ge @!p0 [sflag:s8], $0xFA0  }
0xb5: {  	[sflag:s8] =	ssyncset.done @!p0 $0x0  }
0xb6: {  	[sflag:s8] =	ssyncadd.s32 @!p0 $0xFFFFF060;
	s8 =	simm.s32 @!p0 $0x7  }
0xb7: {  	_ =	swait.ge @!p0 [sflag:s8], $0xFA0  }
0xb8: {  	[sflag:s8] =	ssyncset.done @!p0 $0x0  }
0xb9: {  	[sflag:s8] =	ssyncadd.s32 @!p0 $0xFFFFF060;
	s8 =	simm.s32 @!p0 $0x8  }
0xba: {  	_ =	swait.ge @!p0 [sflag:s8], $0xFA0  }
0xbb: {  	s7 =	sshra.s32 s7, $0x2;
	[sflag:s8] =	ssyncset.done @!p0 $0x0  }
0xbc: {  	s9 =	sadd.s32 $0x4F00, s7;
	[sflag:s8] =	ssyncadd.s32 @!p0 $0xFFFFF060  }
0xbd: {  	[tilespmem:s16], [sflag:$0x1] =	stream.indirect.gather [hbm4b:s1+s15], $0x20, s9, s15, $0xb8;
	[tilespmem:$0x11C00] =	vst v63  }
0xbe: {  	s10 =	sadd.s32 $0x4F80, s7  }
0xbf: {  	[tilespmem:s17], [sflag:$0x2] =	stream.indirect.gather [hbm4b:s1+s15], $0x20, s10, s15, $0xb8;
	[tilespmem:$0x11C00] =	vst v63  }
0xc0: {  	s29 =	sadd.s32 $0x5000, s7  }
0xc1: {  	[tilespmem:s18], [sflag:$0x3] =	stream.indirect.gather [hbm4b:s1+s15], $0x20, s29, s15, $0xb8;
	[tilespmem:$0x11C00] =	vst v63  }
0xc2: {  	s9 =	sadd.s32 $0x5080, s7  }
0xc3: {  	[tilespmem:s19], [sflag:$0x4] =	stream.indirect.gather [hbm4b:s1+s15], $0x20, s9, s15, $0xb8;
	[tilespmem:$0x11C00] =	vst v63  }
0xc4: {  	_ =	swait.ge [sflag:s20], $0xFA0  }
0xc5: {  	[sflag:s20] =	ssyncset.done $0x0  }
0xc6: {  	s10 =	sadd.s32 $0x7700, s7;
	[sflag:s20] =	ssyncadd.s32 $0xFFFFF060  }
0xc7: {  	[spmem:s3] =	stream.indirect.scatter.add.f32 [tilespmem:s16], [sflag:$0x5], $0x20, s10, s15, $0xb8;
	[tilespmem:$0x11C00] =	vst v63  }
0xc8: {  	_ =	swait.ge [sflag:s21], $0xFA0  }
0xc9: {  	[sflag:s21] =	ssyncset.done $0x0  }
0xca: {  	s29 =	sadd.s32 $0x7780, s7;
	[sflag:s21] =	ssyncadd.s32 $0xFFFFF060  }
0xcb: {  	[spmem:s3] =	stream.indirect.scatter.add.f32 [tilespmem:s17], [sflag:$0x6], $0x20, s29, s15, $0xb8;
	[tilespmem:$0x11C00] =	vst v63  }
0xcc: {  	_ =	swait.ge [sflag:s22], $0xFA0  }
0xcd: {  	[sflag:s22] =	ssyncset.done $0x0  }
0xce: {  	s9 =	sadd.s32 $0x7800, s7;
	[sflag:s22] =	ssyncadd.s32 $0xFFFFF060  }
0xcf: {  	[spmem:s3] =	stream.indirect.scatter.add.f32 [tilespmem:s18], [sflag:$0x7], $0x20, s9, s15, $0xb8;
	[tilespmem:$0x11C00] =	vst v63  }
0xd0: {  	_ =	swait.ge [sflag:s23], $0xFA0  }
0xd1: {  	[sflag:s23] =	ssyncset.done $0x0  }
0xd2: {  	s8 =	simm.s32 @!p0 $0x9;
	s10 =	sadd.s32 $0x7880, s7;
	[sflag:s23] =	ssyncadd.s32 $0xFFFFF060  }
0xd3: {  	[spmem:s3] =	stream.indirect.scatter.add.f32 [tilespmem:s19], [sflag:$0x8], $0x20, s10, s15, $0xb8;
	[tilespmem:$0x11C00] =	vst v63  }
0xd4: {  	_ =	swait.ge @!p0 [sflag:s8], $0xFA0  }
0xd5: {  	[sflag:s8] =	ssyncset.done @!p0 $0x0  }
0xd6: {  	[sflag:s8] =	ssyncadd.s32 @!p0 $0xFFFFF060;
	s8 =	simm.s32 @!p0 $0xA  }
0xd7: {  	_ =	swait.ge @!p0 [sflag:s8], $0xFA0  }
0xd8: {  	[sflag:s8] =	ssyncset.done @!p0 $0x0  }
0xd9: {  	[sflag:s8] =	ssyncadd.s32 @!p0 $0xFFFFF060;
	s8 =	simm.s32 @!p0 $0xB  }
0xda: {  	_ =	swait.ge @!p0 [sflag:s8], $0xFA0  }
0xdb: {  	[sflag:s8] =	ssyncset.done @!p0 $0x0  }
0xdc: {  	[sflag:s8] =	ssyncadd.s32 @!p0 $0xFFFFF060;
	s8 =	simm.s32 @!p0 $0xC  }
0xdd: {  	_ =	swait.ge @!p0 [sflag:s8], $0xFA0  }
0xde: {  	[sflag:s8] =	ssyncset.done @!p0 $0x0  }
0xdf: {  	s29 =	sadd.s32 $0x5100, s7;
	[sflag:s8] =	ssyncadd.s32 @!p0 $0xFFFFF060  }
0xe0: {  	[tilespmem:s24], [sflag:$0x1] =	stream.indirect.gather [hbm4b:s1+s15], $0x20, s29, s15, $0xb8;
	[tilespmem:$0x11C00] =	vst v63  }
0xe1: {  	s9 =	sadd.s32 $0x5180, s7  }
0xe2: {  	[tilespmem:s25], [sflag:$0x2] =	stream.indirect.gather [hbm4b:s1+s15], $0x20, s9, s15, $0xb8;
	[tilespmem:$0x11C00] =	vst v63  }
0xe3: {  	s10 =	sadd.s32 $0x5200, s7  }
0xe4: {  	[tilespmem:s26], [sflag:$0x3] =	stream.indirect.gather [hbm4b:s1+s15], $0x20, s10, s15, $0xb8;
	[tilespmem:$0x11C00] =	vst v63  }
0xe5: {  	s29 =	sadd.s32 $0x5280, s7  }
0xe6: {  	[tilespmem:s28], [sflag:$0x4] =	stream.indirect.gather [hbm4b:s1+s15], $0x20, s29, s15, $0xb8;
	[tilespmem:$0x11C00] =	vst v63  }
0xe7: {  	_ =	swait.ge [sflag:s20], $0xFA0  }
0xe8: {  	[sflag:s20] =	ssyncset.done $0x0  }
0xe9: {  	s9 =	sadd.s32 $0x7900, s7;
	[sflag:s20] =	ssyncadd.s32 $0xFFFFF060  }
0xea: {  	[spmem:s3] =	stream.indirect.scatter.add.f32 [tilespmem:s24], [sflag:$0x9], $0x20, s9, s15, $0xb8;
	[tilespmem:$0x11C00] =	vst v63  }
0xeb: {  	_ =	swait.ge [sflag:s21], $0xFA0  }
0xec: {  	[sflag:s21] =	ssyncset.done $0x0  }
0xed: {  	s10 =	sadd.s32 $0x7980, s7;
	[sflag:s21] =	ssyncadd.s32 $0xFFFFF060  }
0xee: {  	[spmem:s3] =	stream.indirect.scatter.add.f32 [tilespmem:s25], [sflag:$0xA], $0x20, s10, s15, $0xb8;
	[tilespmem:$0x11C00] =	vst v63  }
0xef: {  	_ =	swait.ge [sflag:s22], $0xFA0  }
0xf0: {  	[sflag:s22] =	ssyncset.done $0x0  }
0xf1: {  	s29 =	sadd.s32 $0x7A00, s7;
	[sflag:s22] =	ssyncadd.s32 $0xFFFFF060  }
0xf2: {  	[spmem:s3] =	stream.indirect.scatter.add.f32 [tilespmem:s26], [sflag:$0xB], $0x20, s29, s15, $0xb8;
	[tilespmem:$0x11C00] =	vst v63  }
0xf3: {  	_ =	swait.ge [sflag:s23], $0xFA0  }
0xf4: {  	[sflag:s23] =	ssyncset.done $0x0  }
0xf5: {  	s8 =	simm.s32 $0x5;
	s7 =	sadd.s32 $0x7A80, s7;
	[sflag:s23] =	ssyncadd.s32 $0xFFFFF060  }
0xf6: {  	[spmem:s3] =	stream.indirect.scatter.add.f32 [tilespmem:s28], [sflag:$0xC], $0x20, s7, s15, $0xb8;
	[tilespmem:$0x11C00] =	vst v63  }
0xf7: {  	_ =	swait.ge [sflag:s8], $0xFA0  }
0xf8: {  	[sflag:s8] =	ssyncset.done $0x0  }
0xf9: {  	[sflag:s8] =	ssyncadd.s32 $0xFFFFF060  }
0xfa: {  	_ =	swait.ge [sflag:s30], $0xFA0  }
0xfb: {  	[sflag:s30] =	ssyncset.done $0x0  }
0xfc: {  	[sflag:s30] =	ssyncadd.s32 $0xFFFFF060  }
0xfd: {  	_ =	swait.ge [sflag:s31], $0xFA0  }
0xfe: {  	[sflag:s31] =	ssyncset.done $0x0  }
0xff: {  	[sflag:s31] =	ssyncadd.s32 $0xFFFFF060  }
0x100: {  	_ =	swait.ge [sflag:s2], $0xFA0  }
0x101: {  	[sflag:s2] =	ssyncset.done $0x0  }
0x102: {  	[sflag:s2] =	ssyncadd.s32 $0xFFFFF060  }
0x103: {  	_ =	swait.ge [sflag:s0], $0xFA0  }
0x104: {  	[sflag:s0] =	ssyncset.done $0x0  }
0x105: {  	[sflag:s0] =	ssyncadd.s32 $0xFFFFF060  }
0x106: {  	_ =	swait.ge [sflag:s13], $0xFA0  }
0x107: {  	[sflag:s13] =	ssyncset.done $0x0  }
0x108: {  	[sflag:s13] =	ssyncadd.s32 $0xFFFFF060  }
0x109: {  	_ =	swait.ge [sflag:s14], $0xFA0  }
0x10a: {  	[sflag:s14] =	ssyncset.done $0x0  }
0x10b: {  	[sflag:s14] =	ssyncadd.s32 $0xFFFFF060  }
0x10c: {  	_ =	swait.ge [sflag:s4], $0xFA0  }
0x10d: {  	[sflag:s4] =	ssyncset.done $0x0  }
0x10e: {  	[sflag:s4] =	ssyncadd.s32 $0xFFFFF060  }
0x10f: {  	[bflag:$0x0] =	sbarrier.arrive $0xFFFF  }
0x110: {  	s10 =	simm.s32 $0x10;
	s9 =	rddreg [dreg:$0x7]  }
0x111: {  	[hbm:s9@s10], [sflag:s6] =	dma.strided [spmem:s11@s23], $0x9E0, s20, $0x4   }
0x112: {  	_ =	swait.ge [sflag:s12], $0x9E0  }
0x113: {  	s5 =	sadd.s32 $0x1, s5;
	s29 =	rddreg [dreg:$0x8]  }
0x114: {  	p0 =	sne.s32 s5, s29  }
.Ltmp1:
0x115: {  	_ = 	snop;
	(pc) =	sbr.rel @p0 .LBB2_1-.Ltmp1, $3  }
0x116: {  	_ =	sdelay $0x1  }
0x117: {  	[sflag:s12] =	ssyncset.done $0x0  }
0x118: {  	[sflag:s12] =	ssyncadd.s32 $0xFFFFF620  }
0x119: {  	_ =	sfence.sel $0x180000  }
0x11a: {  	[bflag:$0x0] =	sbarrier.arrive $0xFFFF  }
0x11b: {  	_ =	strace $0x9000004D  }
0x11c: {  	s0 =	stileid.u32;
	[bflag:$0x2] =	sbarrier.arrive $0xFFFF  }
0x11d: {  	p0 =	sne.s32 s0, $0x0;
	s0 =	rddreg [dreg:$0x3]  }
0x11e: {  	s0 =	sadd.s32 @!p0 $0x100000, s0  }
0x11f: {  	[sflag:s0] =	ssyncadd.tile.s32 @!p0 $0x1;
	_ =	shalt  }
.Lfunc_end2:
_tile_overlayer_lowered:
.L_overlay_start_2:
0x120: {  	(tag) =	ssettag $0x2  }
0x121: {  	s0 =	rddreg [dreg:$0x0];
	s2 =	stileid.u32  }
0x122: {  	s1 =	rddreg [dreg:$0x1];
	p0 =	sne.s32 s2, $0x0  }
0x123: {  	s3 =	rddreg [dreg:$0x2];
	[bflag:$0x3] =	sbarrier.arrive $0xFFFF;
	s2 =	simm.s32 @!p0 $0x1C0D  }
0x124: {  	[timem:s3], [sflag:s2] =	dma.local @!p0 [hbm:s0], s1  }
0x125: {  	s0 =	simm.s32 @!p0 $0xD  }
0x126: {  	_ =	swait.ge @!p0 [sflag:s0], s1  }
0x127: {  	s1 =	ssub.s32 @!p0 $0x0, s1;
	[sflag:s0] =	ssyncset.done @!p0 $0x0  }
0x128: {  	[sflag:s0] =	ssyncadd.s32 @!p0 s1  }
0x129: {  	[bflag:$0x3] =	sbarrier.arrive $0xFFFF  }
0x12a: {  	_ =	shalt  }

// kernel: kernel.9.cloned.1.call-start
scs
__scs_entry_jumppad:
0x0: {  	(pc) =	sbr.rel $0x88, $3  }
0x1: {  	(tag) =	ssettag $0x0;
	lr =	simm.s32 $0x1  }
0x2: {  	[smem:$0x3F99] =	sst lr;
	_ =	strace $0xD0000000  }
0x3: {  	_ = 	snop  }
0x4: {  	_ = 	snop  }
0x5: {  	_ = 	snop  }
0x6: {  	_ = 	snop  }
0x7: {  	_ = 	snop  }
__scs_overlays_trampoline_lowered:
0x8: {  	[smem:$0x3FA8] =	sst s0  }
0x9: {  	[smem:$0x3FA9] =	sst s1  }
0xa: {  	[smem:$0x3FAA] =	sst s2  }
0xb: {  	[smem:$0x3FAB] =	sst s3  }
0xc: {  	[smem:$0x3FAC] =	sst s4  }
0xd: {  	[smem:$0x3FAD] =	sst s5  }
0xe: {  	[smem:$0x3FAE] =	sst s6  }
0xf: {  	[smem:$0x3FAF] =	sst s7  }
0x10: {  	[smem:$0x3FB0] =	sst s8  }
0x11: {  	[smem:$0x3FB1] =	sst s9;
	s0 =	simm.s32 @!p0 $0x0  }
0x12: {  	s1 =	sld [smem:$0x3F97];
	s0 =	simm.s32 @p0 $0x1  }
0x13: {  	[smem:$0x3FB2] =	sst s0;
	s0 =	simm.s32 @!p1 $0x0  }
0x14: {  	s2 =	sld [smem:$0x3F96];
	s0 =	simm.s32 @p1 $0x1  }
0x15: {  	[smem:$0x3FB3] =	sst s0;
	s0 =	simm.s32 @!p2 $0x0  }
0x16: {  	s3 =	sld [smem:$0x3FDB];
	s0 =	simm.s32 @p2 $0x1  }
0x17: {  	s4 =	simm.s32 $0x1BF5;
	[smem:$0x3FB5] =	sst s0  }
0x18: {  	s0 =	sld [smem:$0x3F98];
	_ =	swait.ge [sflag:s4], $0x0  }
0x19: {  	s7 =	sld [smem:$0x3F99]  }
0x1a: {  	s8 =	sadd.s32 $0xFFFFE003, lr  }
0x1b: {  	s9 =	sadd.s32 $0xFFFFFEF7, lr;
	s5 =	simm.s32 $0xFFFFFFFF;
	p2 =	slt.u32 s8, $0xFFFFF086  }
0x1c: {  	p1 =	slt.u32 s9, $0xF7A;
	s5 =	simm.s32 @!p2 $0x0  }
0x1d: {  	s5 =	simm.s32 @p1 $0x1;
	p0 =	seq.s32 s7, s2  }
0x1e: {  	s7 =	smul.u32 @!p0 $0xF7A, s2;
	p2 =	seq.s32 @!p0 s5, $0x0  }
0x1f: {  	s9 =	smul.u32 $0xF7A, s1;
	s8 =	simm.s32 @!p0 $0x1BF5;
	p2 =	por !p2, p0  }
0x20: {  	[sflag:s8] =	ssyncset.s32 @!p0 $0xFFFFF086;
	s6 =	sadd.s32 @!p0 s3, s7;
	s7 =	simm.s32 @!p0 $0x108  }
0x21: {  	s3 =	sadd.s32 s3, s9;
	s6 =	sadd.s32 @!p0 $0x88, s6;
	s7 =	simm.s32 @p2 $0x1082  }
0x22: {  	[simem:s7], [sflag:s8] =	dma.local @!p0 [hbm:s6], $0xF7A  }
0x23: {  	s9 =	sor.u32 $0xD0000000, s2;
	s6 =	simm.s32 $0x108;
	_ =	swait.ge @!p0 [sflag:s8], $0x0  }
0x24: {  	s3 =	sadd.s32 $0x88, s3;
	s6 =	simm.s32 @!p1 $0x1082;
	[sflag:s4] =	ssyncset.s32 $0xFFFFF086  }
0x25: {  	[simem:s6], [sflag:s4] =	dma.local [hbm:s3], $0xF7A  }
0x26: {  	[smem:$0x3F99] =	sst s1;
	(tag) =	ssettag s2;
	_ =	strace s9  }
0x27: {  	s1 =	sld [smem:$0x3FA9]  }
0x28: {  	s2 =	sld [smem:$0x3FAA]  }
0x29: {  	s4 =	sld [smem:$0x3FAC]  }
0x2a: {  	p0 =	seq.s32 s5, $0x0;
	s5 =	sld [smem:$0x3FAD]  }
0x2b: {  	s6 =	sld [smem:$0x3FAE]  }
0x2c: {  	s7 =	sld [smem:$0x3FAF]  }
0x2d: {  	s3 =	simm.s32 $0x108;
	s8 =	sld [smem:$0x3FB0]  }
0x2e: {  	s3 =	simm.s32 @!p0 $0x1082;
	s9 =	sld [smem:$0x3FB1]  }
0x2f: {  	lr =	sadd.s32 s0, s3;
	s0 =	sld [smem:$0x3FA8]  }
0x30: {  	s3 =	sld [smem:$0x3FAB]  }
0x31: {  	[smem:$0x3FB4] =	sst s10  }
0x32: {  	s10 =	sld [smem:$0x3FB2];
	_ =	sdelay $0x3  }
0x33: {  	p0 =	seq.s32 s10, $0x1;
	s10 =	sld [smem:$0x3FB4];
	_ =	sdelay $0x3  }
0x34: {  	[smem:$0x3FB4] =	sst s10  }
0x35: {  	s10 =	sld [smem:$0x3FB3];
	_ =	sdelay $0x3  }
0x36: {  	p1 =	seq.s32 s10, $0x1;
	s10 =	sld [smem:$0x3FB4];
	_ =	sdelay $0x3  }
0x37: {  	[smem:$0x3FB4] =	sst s10  }
0x38: {  	s10 =	sld [smem:$0x3FB5]  }
0x39: {  	_ = 	snop;
	(pc) =	sbr.ind lr, $3  }
0x3a: {  	_ = 	snop  }
0x3b: {  	_ = 	snop  }
0x3c: {  	p2 =	seq.s32 s10, $0x1;
	s10 =	sld [smem:$0x3FB4]  }
0x3d: {  	_ =	shalt  }
0x3e: {  	_ =	shalt  }
0x3f: {  	_ =	shalt  }
0x40: {  	_ =	shalt  }
0x41: {  	_ =	shalt  }
0x42: {  	_ =	shalt  }
0x43: {  	_ =	shalt  }
0x44: {  	_ =	shalt  }
0x45: {  	_ =	shalt  }
0x46: {  	_ =	shalt  }
0x47: {  	_ =	shalt  }
0x48: {  	_ =	shalt  }
0x49: {  	_ =	shalt  }
0x4a: {  	_ =	shalt  }
0x4b: {  	_ =	shalt  }
0x4c: {  	_ =	shalt  }
0x4d: {  	_ =	shalt  }
0x4e: {  	_ =	shalt  }
0x4f: {  	_ =	shalt  }
0x50: {  	_ =	shalt  }
0x51: {  	_ =	shalt  }
0x52: {  	_ =	shalt  }
0x53: {  	_ =	shalt  }
0x54: {  	_ =	shalt  }
0x55: {  	_ =	shalt  }
0x56: {  	_ =	shalt  }
0x57: {  	_ =	shalt  }
0x58: {  	_ =	shalt  }
0x59: {  	_ =	shalt  }
0x5a: {  	_ =	shalt  }
0x5b: {  	_ =	shalt  }
0x5c: {  	_ =	shalt  }
0x5d: {  	_ =	shalt  }
0x5e: {  	_ =	shalt  }
0x5f: {  	_ =	shalt  }
0x60: {  	_ =	shalt  }
0x61: {  	_ =	shalt  }
0x62: {  	_ =	shalt  }
0x63: {  	_ =	shalt  }
0x64: {  	_ =	shalt  }
0x65: {  	_ =	shalt  }
0x66: {  	_ =	shalt  }
0x67: {  	_ =	shalt  }
0x68: {  	_ =	shalt  }
0x69: {  	_ =	shalt  }
0x6a: {  	_ =	shalt  }
0x6b: {  	_ =	shalt  }
0x6c: {  	_ =	shalt  }
0x6d: {  	_ =	shalt  }
0x6e: {  	_ =	shalt  }
0x6f: {  	_ =	shalt  }
0x70: {  	_ =	shalt  }
0x71: {  	_ =	shalt  }
0x72: {  	_ =	shalt  }
0x73: {  	_ =	shalt  }
0x74: {  	_ =	shalt  }
0x75: {  	_ =	shalt  }
0x76: {  	_ =	shalt  }
0x77: {  	_ =	shalt  }
0x78: {  	_ =	shalt  }
0x79: {  	_ =	shalt  }
0x7a: {  	_ =	shalt  }
0x7b: {  	_ =	shalt  }
0x7c: {  	_ =	shalt  }
0x7d: {  	_ =	shalt  }
0x7e: {  	_ =	shalt  }
0x7f: {  	_ =	shalt  }
0x80: {  	_ =	shalt  }
0x81: {  	_ =	shalt  }
0x82: {  	_ =	shalt  }
0x83: {  	_ =	shalt  }
0x84: {  	_ =	shalt  }
0x85: {  	_ =	shalt  }
0x86: {  	_ =	shalt  }
0x87: {  	_ =	shalt  }
.Lfunc_end0:
.L_simem_size_0:
called_computation_lowered:
.L_overlay_start_0:
0x88: {  	s2 =	sld [smem:$0x3FD9]  }
0x89: {  	s3 =	sld [smem:$0x3FFE];
	_ =	sdelay $0x1  }
0x8a: {  	s1 =	srdreg.scid  }
0x8b: {  	s0 =	sand.u32 $0x1, s1  }
0x8c: {  	s17 =	sshll.u32 s0, $0xA;
	s2 =	sadd.s32 s3, s2  }
0x8d: {  	s2 =	sadd.s32 s2, s17  }
0x8e: {  	[smem:$0x3FC0] =	sst s2  }
0x8f: {  	_ = 	snop  }
0x90: {  	s2 =	sld [smem:$0x3FD0];
	(tm) =	ssettm $0x1  }
0x91: {  	s18 =	sld [smem:$0x3FFB];
	_ =	sdelay $0x3  }
0x92: {  	_ =	strace s18  }
0x93: {  	s3 =	sld [smem:$0x3FFC];
	_ =	sdelay $0x3  }
0x94: {  	_ =	strace s3  }
0x95: {  	s3 =	sld [smem:$0x3FFD];
	_ =	sdelay $0x3  }
0x96: {  	_ =	strace s3  }
0x97: {  	_ =	strace $0x8FFFFFFF  }
0x98: {  	s19 =	sld [smem:$0x3FDB];
	_ =	sdelay $0x1  }
0x99: {  	s4 =	simm.s32 $_scs_section_size  }
0x9a: {  	s5 =	simm.s32 $_size__tile_overlayer_lowered;
	s6 =	simm.s32 $_tile_overlayer_lowered  }
0x9b: {  	s22 =	simm.s32 $0x1BFF;
	s21 =	sshll.u32 s6, $0x1;
	s3 =	sadd.s32 s4, s19  }
0x9c: {  	s7 =	simm.s32 $0x0;
	s20 =	sshll.u32 s5, $0x1;
	s5 =	sadd.s32 s21, s3  }
0x9d: {  	[timem:s7], [sflag:s22] =	dma.local [hbm:s5], s20  }
0x9e: {  	_ =	swait.ge [sflag:s22], s20  }
0x9f: {  	s4 =	ssub.s32 $0x0, s20;
	[sflag:s22] =	ssyncset.done $0x0  }
0xa0: {  	[sflag:s22] =	ssyncadd.s32 s4;
	_ =	sdelay $0x1  }
0xa1: {  	s23 =	simm.s32 $0x1B8B  }
0xa2: {  	_ =	swait.ge [sflag:s23], $0x1  }
0xa3: {  	[sflag:s23] =	ssyncset.done $0x0  }
0xa4: {  	s25 =	simm.s32 $0x1B8E;
	s24 =	sld [smem:$0x3FFE];
	[sflag:s23] =	ssyncadd.s32 $0xFFFFFFFF  }
0xa5: {  	s26 =	simm.s32 $execute0_lowered;
	[smem:$0x3FD2] =	sst s25  }
0xa6: {  	s5 =	sshll.u32 s26, $0x1;
	_ =	strace $0x80000046;
	[dreg:$0x1] =	wrdreg $0xFFFFFFFF  }
0xa7: {  	s28 =	simm.s32 $_size_execute0_lowered;
	s3 =	sadd.s32 s3, s5;
	[dreg:$0x0] =	wrdreg $0x0  }
0xa8: {  	s5 =	sshll.u32 s28, $0x1;
	[dreg:$0x2] =	wrdreg s3  }
0xa9: {  	[dreg:$0x3] =	wrdreg s5  }
0xaa: {  	[dreg:$0x4] =	wrdreg $0xC0  }
0xab: {  	_ =	task [dreg:s7], $0x5FFFF  }
0xac: {  	[dreg:$0x1] =	wrdreg $0xFFFFFFFF  }
0xad: {  	[dreg:$0x0] =	wrdreg $0x60  }
0xae: {  	[dreg:$0x2] =	wrdreg s24  }
0xaf: {  	[dreg:$0x3] =	wrdreg s2  }
0xb0: {  	[dreg:$0x4] =	wrdreg $0x0  }
0xb1: {  	[dreg:$0x5] =	wrdreg $0x9  }
0xb2: {  	_ =	task.clear_ibuf [dreg:s7], $0x6FFFF;
	_ =	strace $0x90000046  }
0xb3: {  	s29 =	simm.s32 $0x9;
	_ =	strace $0x80000048  }
0xb4: {  	_ =	swait.ge [sflag:s29], $0x1  }
0xb5: {  	[sflag:s29] =	ssyncadd.s32 $0xFFFFFFFF  }
0xb6: {  	_ =	strace $0x90000048  }
0xb7: {  	_ =	sfence  }
0xb8: {  	s30 =	sld [smem:$0x0];
	_ =	sdelay $0x2  }
0xb9: {  	s31 =	sshll.u32 s1, $0xD;
	s1 =	sshrl.u32 s1, $0x2  }
0xba: {  	s3 =	sand.u32 $0x4000, s31;
	s1 =	sadd.s32 s1, s30  }
0xbb: {  	s0 =	sor.u32 s3, s0;
	s1 =	sshll.u32 s1, $0x11  }
0xbc: {  	s0 =	sor.u32 s1, s0  }
0xbd: {  	s0 =	sadd.s32 $0x8F2B, s0  }
0xbe: {  	[sflag:s0] =	ssyncadd.remote.s32 $0x1  }
0xbf: {  	_ =	sfence.sel $0xFFFF  }
0xc0: {  	[dreg:$0x0] =	wrdreg $0xFFFFFFFF;
	(pc) =	sbr.abs _section_cstart, $3  }
0xc1: {  	[dreg:$0x1] =	wrdreg $0xFFFFFFFF  }
0xc2: {  	_ =	task.clear_ibuf [dreg:s7], $0x2FFFF;
	_ =	strace $0x9FFFFFFF  }
0xc3: {  	(tm) =	ssettm $0x7FFFFFFF  }
tec
execute0_lowered:
.L_overlay_start_1:
0x0: {  	(tag) =	ssettag $0x1  }
0x1: {  	s0 =	rddreg [dreg:$0x0]  }
0x2: {  	s1 =	srdreg.scid;
	s5 =	rddreg [dreg:$0x1]  }
0x3: {  	s11 =	stileid.u32;
	s2 =	rddreg [dreg:$0x2];
	s12 =	simm.s32 $0x3BC0  }
0x4: {  	s13 =	simm.s32 $0x13C0;
	s14 =	simm.s32 $0x7D;
	s17 =	simm.s32 $0x1540  }
0x5: {  	s18 =	simm.s32 $0x15C0;
	s19 =	simm.s32 $0x1640;
	s20 =	simm.s32 $0x16C0  }
0x6: {  	s21 =	simm.s32 $0x1740;
	s22 =	simm.s32 $0x1;
	s28 =	simm.s32 $0x6  }
0x7: {  	s29 =	simm.s32 $0x7;
	s30 =	simm.s32 $0x8;
	s31 =	simm.s32 $0x10  }
0x8: {  	s1 =	sand.u32 $0x1, s1;
	s3 =	sshll.u32 s11, $0x1;
	s6 =	smul.u32 $0x13C00, s11  }
0x9: {  	s9 =	smul.u32 $0x13C0, s11;
	s26 =	sshll.u32 s11, $0x6;
	s11 =	simm.s32 $0x9  }
0xa: {  	s4 =	sor.u32 s1, s3;
	s3 =	simm.s32 $0x0;
	s7 =	sshll.u32 s1, $0x6  }
0xb: {  	s1 =	ssub.s32 $0x2, s1;
	s4 =	smul.u32 $0x500, s4;
	[smem:$0x7FF] =	sst s3  }
0xc: {  	s23 =	sor.u32 s7, s6;
	s24 =	sshrl.u32 s1, $0x1;
	s10 =	sadd.s32 s9, s2  }
0xd: {  	s25 =	sshrl.u32 s9, $0x3;
	_ =	strace $0x80000047;
	s6 =	sshrl.u32 s23, $0x3  }
0xe: {  	s1 =	ssub.s32 s1, s24;
	s5 =	sadd.s32 s5, s25;
	s10 =	sshrl.u32 s10, $0x3  }
0xf: {  	s23 =	simm.s32 $0x2;
	s24 =	simm.s32 $0x3;
	s25 =	simm.s32 $0x4  }
0x10: {  	s8 =	sadd.s32 s4, s0;
	s4 =	sadd.s32 $0xC000, s0;
	s0 =	sadd.s32 s6, s0  }
0x11: {  	s6 =	sor.u32 $0x1C09, s26;
	s9 =	smax.u32 s1, $0x1;
	s26 =	simm.s32 $0x5  }
0x12: {  	s1 =	simm.s32 $0x0;
	s7 =	sadd.s32 $0x2000, s8;
	s8 =	sadd.s32 $0xC200, s0  }
.LBB2_1:
0x13: {  	[spmem:s10], [sflag:s6] =	dma.local [hbm:s5], $0x278  }
0x14: {  	_ =	swait.ge [sflag:s11], $0x278  }
0x15: {  	[sflag:s11] =	ssyncset.done $0x0  }
0x16: {  	[sflag:s11] =	ssyncadd.s32 $0xFFFFFD88  }
0x17: {  	[tilespmem:s12], [sflag:$0x9] =	stream.linear.gather [hbm4b:s4+s3], $0x3E8, $0x38;
	[tilespmem:$0x3FA8] =	vst v63  }
0x18: {  	_ =	swait.ge [sflag:s11], $0x3E8  }
0x19: {  	[sflag:s11] =	ssyncset.done $0x0  }
0x1a: {  	[sflag:s11] =	ssyncadd.s32 $0xFFFFFC18  }
0x1b: {  	[tilespmem:s13], [sflag:$0x9] =	stream.linear.gather [hbm4b:s7+s3], $0x2800, $0x38;
	[tilespmem:$0x3FA8] =	vst v63  }
0x1c: {  	_ =	swait.ge [sflag:s11], $0x2800  }
0x1d: {  	[sflag:s11] =	ssyncset.done $0x0  }
0x1e: {  	[sflag:s11] =	ssyncadd.s32 $0xFFFFD800  }
0x1f: {  	[bflag:$0x0] =	sbarrier.arrive $0xFFFF  }
0x20: {  	[spmem:s2] =	stream.indirect.scatter.add.f32 [tilespmem:s12], [sflag:$0x1], $0x8, s13, s14, $0xb8;
	[tilespmem:$0x3FA8] =	vst v63  }
0x21: {  	s0 =	simm.s32 $0x1440  }
0x22: {  	[spmem:s2] =	stream.indirect.scatter.add.f32 [tilespmem:s12], [sflag:$0x2], $0x8, s0, s14, $0xb8;
	[tilespmem:$0x3FA8] =	vst v63  }
0x23: {  	s15 =	simm.s32 $0x14C0  }
0x24: {  	[spmem:s2] =	stream.indirect.scatter.add.f32 [tilespmem:s12], [sflag:$0x3], $0x8, s15, s14, $0xb8;
	[tilespmem:$0x3FA8] =	vst v63  }
0x25: {  	_ = 	snop  }
0x26: {  	[spmem:s2] =	stream.indirect.scatter.add.f32 [tilespmem:s12], [sflag:$0x4], $0x8, s17, s14, $0xb8;
	[tilespmem:$0x3FA8] =	vst v63  }
0x27: {  	_ = 	snop  }
0x28: {  	[spmem:s2] =	stream.indirect.scatter.add.f32 [tilespmem:s12], [sflag:$0x5], $0x8, s18, s14, $0xb8;
	[tilespmem:$0x3FA8] =	vst v63  }
0x29: {  	_ = 	snop  }
0x2a: {  	[spmem:s2] =	stream.indirect.scatter.add.f32 [tilespmem:s12], [sflag:$0x6], $0x8, s19, s14, $0xb8;
	[tilespmem:$0x3FA8] =	vst v63  }
0x2b: {  	_ = 	snop  }
0x2c: {  	[spmem:s2] =	stream.indirect.scatter.add.f32 [tilespmem:s12], [sflag:$0x7], $0x8, s20, s14, $0xb8;
	[tilespmem:$0x3FA8] =	vst v63  }
0x2d: {  	_ = 	snop  }
0x2e: {  	[spmem:s2] =	stream.indirect.scatter.add.f32 [tilespmem:s12], [sflag:$0x8], $0x8, s21, s14, $0xb8;
	[tilespmem:$0x3FA8] =	vst v63  }
0x2f: {  	_ =	swait.ge [sflag:s22], $0x3E8  }
0x30: {  	[sflag:s22] =	ssyncset.done $0x0  }
0x31: {  	s16 =	simm.s32 $0x17C0;
	[sflag:s22] =	ssyncadd.s32 $0xFFFFFC18  }
0x32: {  	[spmem:s2] =	stream.indirect.scatter.add.f32 [tilespmem:s12], [sflag:$0x1], $0x8, s16, s14, $0xb8;
	[tilespmem:$0x3FA8] =	vst v63  }
0x33: {  	_ =	swait.ge [sflag:s23], $0x3E8  }
0x34: {  	[sflag:s23] =	ssyncset.done $0x0  }
0x35: {  	s15 =	simm.s32 $0x1840;
	[sflag:s23] =	ssyncadd.s32 $0xFFFFFC18  }
0x36: {  	[spmem:s2] =	stream.indirect.scatter.add.f32 [tilespmem:s12], [sflag:$0x2], $0x8, s15, s14, $0xb8;
	[tilespmem:$0x3FA8] =	vst v63  }
0x37: {  	_ =	swait.ge [sflag:s24], $0x3E8  }
0x38: {  	[sflag:s24] =	ssyncset.done $0x0  }
0x39: {  	s16 =	simm.s32 $0x18C0;
	[sflag:s24] =	ssyncadd.s32 $0xFFFFFC18  }
0x3a: {  	[spmem:s2] =	stream.indirect.scatter.add.f32 [tilespmem:s12], [sflag:$0x3], $0x8, s16, s14, $0xb8;
	[tilespmem:$0x3FA8] =	vst v63  }
0x3b: {  	_ =	swait.ge [sflag:s25], $0x3E8  }
0x3c: {  	[sflag:s25] =	ssyncset.done $0x0  }
0x3d: {  	s15 =	simm.s32 $0x1940;
	[sflag:s25] =	ssyncadd.s32 $0xFFFFFC18  }
0x3e: {  	[spmem:s2] =	stream.indirect.scatter.add.f32 [tilespmem:s12], [sflag:$0x4], $0x8, s15, s14, $0xb8;
	[tilespmem:$0x3FA8] =	vst v63  }
0x3f: {  	_ =	swait.ge [sflag:s26], $0x3E8  }
0x40: {  	[sflag:s26] =	ssyncset.done $0x0  }
0x41: {  	s16 =	simm.s32 $0x19C0;
	[sflag:s26] =	ssyncadd.s32 $0xFFFFFC18  }
0x42: {  	[spmem:s2] =	stream.indirect.scatter.add.f32 [tilespmem:s12], [sflag:$0x5], $0x8, s16, s14, $0xb8;
	[tilespmem:$0x3FA8] =	vst v63  }
0x43: {  	_ =	swait.ge [sflag:s28], $0x3E8  }
0x44: {  	[sflag:s28] =	ssyncset.done $0x0  }
0x45: {  	s15 =	simm.s32 $0x1A40;
	[sflag:s28] =	ssyncadd.s32 $0xFFFFFC18  }
0x46: {  	[spmem:s2] =	stream.indirect.scatter.add.f32 [tilespmem:s12], [sflag:$0x6], $0x8, s15, s14, $0xb8;
	[tilespmem:$0x3FA8] =	vst v63  }
0x47: {  	_ =	swait.ge [sflag:s29], $0x3E8  }
0x48: {  	[sflag:s29] =	ssyncset.done $0x0  }
0x49: {  	s16 =	simm.s32 $0x1AC0;
	[sflag:s29] =	ssyncadd.s32 $0xFFFFFC18  }
0x4a: {  	[spmem:s2] =	stream.indirect.scatter.add.f32 [tilespmem:s12], [sflag:$0x7], $0x8, s16, s14, $0xb8;
	[tilespmem:$0x3FA8] =	vst v63  }
0x4b: {  	_ =	swait.ge [sflag:s30], $0x3E8  }
0x4c: {  	[sflag:s30] =	ssyncset.done $0x0  }
0x4d: {  	s0 =	simm.s32 $0x1000;
	s15 =	simm.s32 $0x1B40;
	[sflag:s30] =	ssyncadd.s32 $0xFFFFFC18  }
.LBB2_2:
0x4e: {  	[spmem:s2] =	stream.indirect.scatter.add.f32 [tilespmem:s12], [sflag:$0x8], $0x8, s15, s14, $0xb8;
	[tilespmem:$0x3FA8] =	vst v63  }
0x4f: {  	s15 =	smov.u32 s0  }
0x50: {  	p0 =	sne.s32 s0, $0x8000;
	s0 =	sadd.s32 $0x1000, s0;
	_ =	swait.ge [sflag:s22], $0x3E8  }
0x51: {  	s15 =	sshra.s32 s15, $0x2;
	[sflag:s22] =	ssyncset.done $0x0  }
0x52: {  	s16 =	sadd.s32 $0x17C0, s15;
	[sflag:s22] =	ssyncadd.s32 $0xFFFFFC18  }
0x53: {  	[spmem:s2] =	stream.indirect.scatter.add.f32 [tilespmem:s12], [sflag:$0x1], $0x8, s16, s14, $0xb8;
	[tilespmem:$0x3FA8] =	vst v63  }
0x54: {  	_ =	swait.ge [sflag:s23], $0x3E8  }
0x55: {  	[sflag:s23] =	ssyncset.done $0x0  }
0x56: {  	s16 =	sadd.s32 $0x1840, s15;
	[sflag:s23] =	ssyncadd.s32 $0xFFFFFC18  }
0x57: {  	[spmem:s2] =	stream.indirect.scatter.add.f32 [tilespmem:s12], [sflag:$0x2], $0x8, s16, s14, $0xb8;
	[tilespmem:$0x3FA8] =	vst v63  }
0x58: {  	_ =	swait.ge [sflag:s24], $0x3E8  }
0x59: {  	[sflag:s24] =	ssyncset.done $0x0  }
0x5a: {  	s16 =	sadd.s32 $0x18C0, s15;
	[sflag:s24] =	ssyncadd.s32 $0xFFFFFC18  }
0x5b: {  	[spmem:s2] =	stream.indirect.scatter.add.f32 [tilespmem:s12], [sflag:$0x3], $0x8, s16, s14, $0xb8;
	[tilespmem:$0x3FA8] =	vst v63  }
0x5c: {  	_ =	swait.ge [sflag:s25], $0x3E8  }
0x5d: {  	[sflag:s25] =	ssyncset.done $0x0  }
0x5e: {  	s16 =	sadd.s32 $0x1940, s15;
	[sflag:s25] =	ssyncadd.s32 $0xFFFFFC18  }
0x5f: {  	[spmem:s2] =	stream.indirect.scatter.add.f32 [tilespmem:s12], [sflag:$0x4], $0x8, s16, s14, $0xb8;
	[tilespmem:$0x3FA8] =	vst v63  }
0x60: {  	_ =	swait.ge [sflag:s26], $0x3E8  }
0x61: {  	[sflag:s26] =	ssyncset.done $0x0  }
0x62: {  	s16 =	sadd.s32 $0x19C0, s15;
	[sflag:s26] =	ssyncadd.s32 $0xFFFFFC18  }
0x63: {  	[spmem:s2] =	stream.indirect.scatter.add.f32 [tilespmem:s12], [sflag:$0x5], $0x8, s16, s14, $0xb8;
	[tilespmem:$0x3FA8] =	vst v63  }
0x64: {  	_ =	swait.ge [sflag:s28], $0x3E8  }
0x65: {  	[sflag:s28] =	ssyncset.done $0x0  }
0x66: {  	s16 =	sadd.s32 $0x1A40, s15;
	[sflag:s28] =	ssyncadd.s32 $0xFFFFFC18  }
0x67: {  	[spmem:s2] =	stream.indirect.scatter.add.f32 [tilespmem:s12], [sflag:$0x6], $0x8, s16, s14, $0xb8;
	[tilespmem:$0x3FA8] =	vst v63  }
0x68: {  	_ =	swait.ge [sflag:s29], $0x3E8  }
0x69: {  	[sflag:s29] =	ssyncset.done $0x0  }
.Ltmp0:
0x6a: {  	s16 =	sadd.s32 $0x1AC0, s15;
	[sflag:s29] =	ssyncadd.s32 $0xFFFFFC18;
	(pc) =	sbr.rel @p0 .LBB2_2-.Ltmp0, $4  }
0x6b: {  	[spmem:s2] =	stream.indirect.scatter.add.f32 [tilespmem:s12], [sflag:$0x7], $0x8, s16, s14, $0xb8;
	[tilespmem:$0x3FA8] =	vst v63  }
0x6c: {  	_ =	swait.ge [sflag:s30], $0x3E8  }
0x6d: {  	[sflag:s30] =	ssyncset.done $0x0  }
0x6e: {  	s15 =	sadd.s32 $0x1B40, s15;
	[sflag:s30] =	ssyncadd.s32 $0xFFFFFC18  }
0x6f: {  	[spmem:s2] =	stream.indirect.scatter.add.f32 [tilespmem:s12], [sflag:$0x8], $0x8, s15, s14, $0xb8;
	[tilespmem:$0x3FA8] =	vst v63  }
0x70: {  	_ =	swait.ge [sflag:s22], $0x3E8  }
0x71: {  	[sflag:s22] =	ssyncset.done $0x0  }
0x72: {  	[sflag:s22] =	ssyncadd.s32 $0xFFFFFC18  }
0x73: {  	_ =	swait.ge [sflag:s23], $0x3E8  }
0x74: {  	[sflag:s23] =	ssyncset.done $0x0  }
0x75: {  	[sflag:s23] =	ssyncadd.s32 $0xFFFFFC18  }
0x76: {  	_ =	swait.ge [sflag:s24], $0x3E8  }
0x77: {  	[sflag:s24] =	ssyncset.done $0x0  }
0x78: {  	[sflag:s24] =	ssyncadd.s32 $0xFFFFFC18  }
0x79: {  	_ =	swait.ge [sflag:s25], $0x3E8  }
0x7a: {  	[sflag:s25] =	ssyncset.done $0x0  }
0x7b: {  	[sflag:s25] =	ssyncadd.s32 $0xFFFFFC18  }
0x7c: {  	_ =	swait.ge [sflag:s26], $0x3E8  }
0x7d: {  	[sflag:s26] =	ssyncset.done $0x0  }
0x7e: {  	[sflag:s26] =	ssyncadd.s32 $0xFFFFFC18  }
0x7f: {  	_ =	swait.ge [sflag:s28], $0x3E8  }
0x80: {  	[sflag:s28] =	ssyncset.done $0x0  }
0x81: {  	[sflag:s28] =	ssyncadd.s32 $0xFFFFFC18  }
0x82: {  	_ =	swait.ge [sflag:s29], $0x3E8  }
0x83: {  	[sflag:s29] =	ssyncset.done $0x0  }
0x84: {  	[sflag:s29] =	ssyncadd.s32 $0xFFFFFC18  }
0x85: {  	_ =	swait.ge [sflag:s30], $0x3E8  }
0x86: {  	s1 =	sadd.s32 $0x1, s1;
	[sflag:s30] =	ssyncset.done $0x0  }
0x87: {  	p0 =	sne.s32 s1, s9;
	[sflag:s30] =	ssyncadd.s32 $0xFFFFFC18  }
.Ltmp1:
0x88: {  	[bflag:$0x0] =	sbarrier.arrive $0xFFFF;
	(pc) =	sbr.rel @p0 .LBB2_1-.Ltmp1, $4  }
0x89: {  	[hbm:s8@s31], [sflag:s6] =	dma.strided [spmem:s10@s22], $0x278, s22, $0x1   }
0x8a: {  	_ =	swait.ge [sflag:s11], $0x278  }
0x8b: {  	[sflag:s11] =	ssyncset.done $0x0  }
0x8c: {  	[sflag:s11] =	ssyncadd.s32 $0xFFFFFD88  }
0x8d: {  	_ =	sfence.sel $0x180000  }
0x8e: {  	[bflag:$0x0] =	sbarrier.arrive $0xFFFF  }
0x8f: {  	_ =	strace $0x90000047  }
0x90: {  	s0 =	stileid.u32;
	[bflag:$0x2] =	sbarrier.arrive $0xFFFF  }
0x91: {  	p0 =	sne.s32 s0, $0x0;
	s0 =	rddreg [dreg:$0x3]  }
0x92: {  	s0 =	sadd.s32 @!p0 $0x100000, s0  }
0x93: {  	[sflag:s0] =	ssyncadd.tile.s32 @!p0 $0x1;
	_ =	shalt  }
.Lfunc_end2:
_tile_overlayer_lowered:
.L_overlay_start_2:
0x94: {  	(tag) =	ssettag $0x2  }
0x95: {  	s0 =	rddreg [dreg:$0x0];
	s2 =	stileid.u32  }
0x96: {  	s1 =	rddreg [dreg:$0x1];
	p0 =	sne.s32 s2, $0x0  }
0x97: {  	s3 =	rddreg [dreg:$0x2];
	[bflag:$0x3] =	sbarrier.arrive $0xFFFF;
	s2 =	simm.s32 @!p0 $0x1C09  }
0x98: {  	[timem:s3], [sflag:s2] =	dma.local @!p0 [hbm:s0], s1  }
0x99: {  	s0 =	simm.s32 @!p0 $0x9  }
0x9a: {  	_ =	swait.ge @!p0 [sflag:s0], s1  }
0x9b: {  	s1 =	ssub.s32 @!p0 $0x0, s1;
	[sflag:s0] =	ssyncset.done @!p0 $0x0  }
0x9c: {  	[sflag:s0] =	ssyncadd.s32 @!p0 s1  }
0x9d: {  	[bflag:$0x3] =	sbarrier.arrive $0xFFFF  }
0x9e: {  	_ =	shalt  }

</sc_bundles>
